<compile_context>
chip_gen: v7x
topology: tpu7x:2x2x1
jax: 0.10.2.dev20260603
libtpu: 0.0.44.dev20260713+nightly
codegen_flags: <defaults>
</compile_context>

<pallas_src>
import functools

import jax
import jax.numpy as jnp
from jax import lax
from jax.experimental import pallas as pl
from jax.experimental.pallas import tpu as pltpu
from jax.experimental.pallas import tpu_sc as plsc

D = 1024
NW = 32
CHUNK = 16
NBUF = 6
LOOKAHEAD = 3


def _normalize_rows_body(t_ref, o_ref):
    x = t_ref[...]
    s = jnp.sum(x * x, axis=1, keepdims=True)
    norm = jnp.sqrt(s)
    o_ref[...] = x * (1.0 / jnp.maximum(norm, 1e-12))


def _normalize_table(table):
    rows, d = table.shape
    blk = 2048
    return pl.pallas_call(
        _normalize_rows_body,
        grid=(rows // blk,),
        in_specs=[pl.BlockSpec((blk, d), lambda i: (i, 0))],
        out_specs=pl.BlockSpec((blk, d), lambda i: (i, 0)),
        out_shape=jax.ShapeDtypeStruct((rows, d), table.dtype),
    )(table)


def _make_sc_gather(n_rows_total):
    n_per_w = n_rows_total // NW
    n_chunks = n_per_w // CHUNK
    assert n_chunks >= 3 * NBUF
    assert LOOKAHEAD <= NBUF
    n_full = (n_chunks // NBUF) * NBUF
    mesh = plsc.VectorSubcoreMesh(core_axis_name="c", subcore_axis_name="s")

    @functools.partial(
        pl.kernel,
        mesh=mesh,
        out_type=jax.ShapeDtypeStruct((n_rows_total, D), jnp.float32),
        scratch_types=[
            pltpu.VMEM((n_chunks, CHUNK), jnp.int32),
            pltpu.VMEM((NBUF, CHUNK, D), jnp.float32),
        ] + [pltpu.SemaphoreType.DMA] * (2 * NBUF),
    )
    def gather_kernel(table_hbm, idx_hbm, out_hbm, idx_v, buf, *sems):
        gs = sems[:NBUF]
        ss = sems[NBUF:]
        wid = lax.axis_index("s") * 2 + lax.axis_index("c")
        pltpu.sync_copy(idx_hbm.at[wid], idx_v)
        base = wid * n_per_w

        def start_gather(jf, b):
            pltpu.async_copy(table_hbm.at[idx_v.at[jf]], buf.at[b], gs[b])

        def wait_gather(j, b):
            pltpu.make_async_copy(table_hbm.at[idx_v.at[j]], buf.at[b],
                                  gs[b]).wait()

        def start_scatter(j, b):
            pltpu.async_copy(buf.at[b],
                             out_hbm.at[pl.ds(base + j * CHUNK, CHUNK)], ss[b])

        def wait_scatter(j, b):
            pltpu.make_async_copy(buf.at[b],
                                  out_hbm.at[pl.ds(base + j * CHUNK, CHUNK)],
                                  ss[b]).wait()

        def step(j, b):
            wait_gather(j, b)
            start_scatter(j, b)
            jf = j + LOOKAHEAD
            do_feed = (jf < n_chunks) if isinstance(j, int) else True
            if do_feed:
                bf = (b + LOOKAHEAD) % NBUF
                js = jf - NBUF
                do_drain = (js >= 0) if isinstance(j, int) else True
                if do_drain:
                    wait_scatter(js, bf)
                start_gather(jf, bf)

        for j in range(LOOKAHEAD):
            start_gather(j, j % NBUF)
        for j in range(NBUF):
            step(j, j)

        def body(kk, carry):
            for b in range(NBUF):
                step(kk * NBUF + b, b)
            return carry

        lax.fori_loop(1, n_full // NBUF - 1, body, 0)

        for j in range(n_full - NBUF, n_chunks):
            step(j, j % NBUF)
        for j in range(n_chunks - NBUF, n_chunks):
            wait_scatter(j, j % NBUF)

    return gather_kernel


def kernel(positions, positional_embeddings):
    b = positions.size
    n_per_w = b // NW
    n_chunks = n_per_w // CHUNK
    norm_table = _normalize_table(positional_embeddings)
    idx = positions.reshape(NW, n_chunks, CHUNK).astype(jnp.int32)
    out = _make_sc_gather(b)(norm_table, idx)
    return out.reshape(positions.shape + (D,))

# --- scband reference (transcript-rebuilt; emitter-appended) ---
"""Pipeline reference for scband-learned-sinusoidal-embeddings-48326972014901 (READ-ONLY COPY).

The authoritative reference and input builder live on the scoring server;
editing this copy changes nothing except your own understanding.
"""

import jax, jax.numpy as jnp
import numpy as np
import math

N_CTX = 8192
N_STATE = 1024

def _sinusoidal_table(n_ctx, n_state):
    position = np.arange(0, n_ctx, dtype=np.float32)[:, None]
    div_term = np.exp(np.arange(0, n_state, 2, dtype=np.float32) * -(math.log(10000.0) / n_state))
    features = np.zeros((n_ctx, n_state), dtype=np.float32)
    features[:, 0::2] = np.sin(position * div_term)
    features[:, 1::2] = np.cos(position * div_term)
    return jnp.asarray(features)

def setup_inputs(seed: int = 0) -> dict:
    key = jax.random.key(seed)
    k_pos = jax.random.fold_in(key, 0)
    positions = jax.random.randint(k_pos, (4, 8192), 0, N_CTX, dtype=jnp.int64 if jax.config.read('jax_enable_x64') else jnp.int32)
    positional_embeddings = _sinusoidal_table(N_CTX, N_STATE)
    return {"positions": positions, "positional_embeddings": positional_embeddings}

def reference(positions, positional_embeddings):
    # gather: embedding lookup
    emb = jnp.take(positional_embeddings, positions, axis=0)
    # torch.nn.functional.normalize(p=2, dim=-1, eps=1e-12)
    norm = jnp.sqrt(jnp.sum(emb * emb, axis=-1, keepdims=True))
    emb = emb / jnp.maximum(norm, 1e-12)
    return emb

if __name__ == "__main__":
    import jax
    _d = setup_inputs()
    print(jax.jit(kernel)(*tuple(_d.values())))

</pallas_src>

<mosaic_0001>
#map = affine_map<(d0, d1) -> (0, 0)>
#map1 = affine_map<(d0, d1) -> (0, 0, 0)>
module attributes {stable_mosaic.version = 14 : i64} {
  func.func @gather_kernel(%arg0: i32, %arg1: i32, %arg2: memref<8192x1024xf32, #tpu.memory_space<hbm>>, %arg3: memref<32x64x16xi32, #tpu.memory_space<hbm>>, %arg4: memref<32768x1024xf32, #tpu.memory_space<hbm>>, %arg5: memref<64x16xi32, #tpu.memory_space<vmem>>, %arg6: memref<6x16x1024xf32, #tpu.memory_space<vmem>>, %arg7: memref<!tpu.dma_semaphore, #tpu.memory_space<semaphore_mem>>, %arg8: memref<!tpu.dma_semaphore, #tpu.memory_space<semaphore_mem>>, %arg9: memref<!tpu.dma_semaphore, #tpu.memory_space<semaphore_mem>>, %arg10: memref<!tpu.dma_semaphore, #tpu.memory_space<semaphore_mem>>, %arg11: memref<!tpu.dma_semaphore, #tpu.memory_space<semaphore_mem>>, %arg12: memref<!tpu.dma_semaphore, #tpu.memory_space<semaphore_mem>>, %arg13: memref<!tpu.dma_semaphore, #tpu.memory_space<semaphore_mem>>, %arg14: memref<!tpu.dma_semaphore, #tpu.memory_space<semaphore_mem>>, %arg15: memref<!tpu.dma_semaphore, #tpu.memory_space<semaphore_mem>>, %arg16: memref<!tpu.dma_semaphore, #tpu.memory_space<semaphore_mem>>, %arg17: memref<!tpu.dma_semaphore, #tpu.memory_space<semaphore_mem>>, %arg18: memref<!tpu.dma_semaphore, #tpu.memory_space<semaphore_mem>>) attributes {dimension_semantics = [#tpu.dimension_semantics<core_parallel>, #tpu.dimension_semantics<subcore_parallel>], iteration_bounds = array<i64: 2, 16>, scalar_prefetch = 0 : i64, scratch_operands = 14 : i64, tpu.core_type = #tpu.core_type<sc_vector_subcore>, window_params = [{transform_indices = #map}, {transform_indices = #map1}, {transform_indices = #map}]} {
    %mul3A = arith.constant 2 : i32
    %mul3A_0 = arith.muli %arg1, %mul3A : i32
    %add3A = arith.addi %mul3A_0, %arg0 : i32
    "tpu.region"() ({
      %run_scoped3A = tpu.sem_alloc : memref<!tpu.dma_semaphore, #tpu.memory_space<semaphore_mem>>
      %dma_start3A_870 = arith.constant 0 : i32
      %dma_start3A_871 = arith.constant 0 : i32
      %dma_start3A_872 = tpu.memref_slice %arg3[%add3A, %dma_start3A_870, %dma_start3A_871] : memref<32x64x16xi32, #tpu.memory_space<hbm>> -> memref<1x64x16xi32, #tpu.memory_space<hbm>>
      %dma_start3A_873 = tpu.memref_squeeze %dma_start3A_872 : memref<1x64x16xi32, #tpu.memory_space<hbm>> -> memref<64x16xi32, #tpu.memory_space<hbm>>
      %dma_start3A_874 = arith.constant 0 : i32
      %dma_start3A_875 = arith.constant 0 : i32
      %dma_start3A_876 = tpu.memref_slice %arg3[%add3A, %dma_start3A_874, %dma_start3A_875] : memref<32x64x16xi32, #tpu.memory_space<hbm>> -> memref<1x64x16xi32, #tpu.memory_space<hbm>>
      %dma_start3A_877 = tpu.memref_squeeze %dma_start3A_876 : memref<1x64x16xi32, #tpu.memory_space<hbm>> -> memref<64x16xi32, #tpu.memory_space<hbm>>
      tpu.enqueue_dma source(%dma_start3A_877 : memref<64x16xi32, #tpu.memory_space<hbm>>) target(%arg5 : memref<64x16xi32, #tpu.memory_space<vmem>>) target_semaphore(%run_scoped3A : memref<!tpu.dma_semaphore, #tpu.memory_space<semaphore_mem>>)
      %dma_wait3A_878 = arith.constant 0 : i32
      %dma_wait3A_879 = arith.constant 0 : i32
      %dma_wait3A_880 = tpu.memref_slice %arg3[%add3A, %dma_wait3A_878, %dma_wait3A_879] : memref<32x64x16xi32, #tpu.memory_space<hbm>> -> memref<1x64x16xi32, #tpu.memory_space<hbm>>
      %dma_wait3A_881 = tpu.memref_squeeze %dma_wait3A_880 : memref<1x64x16xi32, #tpu.memory_space<hbm>> -> memref<64x16xi32, #tpu.memory_space<hbm>>
      %dma_wait3A_882 = arith.constant 0 : i32
      %dma_wait3A_883 = arith.constant 0 : i32
      %dma_wait3A_884 = tpu.memref_slice %arg3[%add3A, %dma_wait3A_882, %dma_wait3A_883] : memref<32x64x16xi32, #tpu.memory_space<hbm>> -> memref<1x64x16xi32, #tpu.memory_space<hbm>>
      %dma_wait3A_885 = tpu.memref_squeeze %dma_wait3A_884 : memref<1x64x16xi32, #tpu.memory_space<hbm>> -> memref<64x16xi32, #tpu.memory_space<hbm>>
      tpu.wait_dma2 semaphore(%run_scoped3A : memref<!tpu.dma_semaphore, #tpu.memory_space<semaphore_mem>>) src(%dma_wait3A_885 : memref<64x16xi32, #tpu.memory_space<hbm>>) dst(%arg5 : memref<64x16xi32, #tpu.memory_space<vmem>>)
      tpu.yield
    }) : () -> ()
    %mul3A_1 = arith.constant 1024 : i32
    %mul3A_2 = arith.muli %add3A, %mul3A_1 : i32
    %dma_start3A = arith.constant 0 : i32
    %dma_start3A_3 = arith.constant 0 : i32
    %dma_start3A_4 = arith.constant 0 : i32
    %dma_start3A_5 = arith.constant 0 : i32
    %dma_start3A_6 = tpu.memref_slice %arg6[%dma_start3A_3, %dma_start3A_4, %dma_start3A_5] : memref<6x16x1024xf32, #tpu.memory_space<vmem>> -> memref<1x16x1024xf32, #tpu.memory_space<vmem>>
    %dma_start3A_7 = tpu.memref_squeeze %dma_start3A_6 : memref<1x16x1024xf32, #tpu.memory_space<vmem>> -> memref<16x1024xf32, #tpu.memory_space<vmem>>
    %dma_start3A_8 = arith.constant 0 : i32
    %dma_start3A_9 = tpu.memref_slice %arg5[%dma_start3A, %dma_start3A_8] : memref<64x16xi32, #tpu.memory_space<vmem>> -> memref<1x16xi32, #tpu.memory_space<vmem>>
    %dma_start3A_10 = tpu.memref_squeeze %dma_start3A_9 : memref<1x16xi32, #tpu.memory_space<vmem>> -> memref<16xi32, #tpu.memory_space<vmem>>
    %dma_start3A_11 = arith.constant 0 : i32
    %dma_start3A_12 = arith.constant 0 : i32
    %dma_start3A_13 = tpu.memref_slice %arg2[%dma_start3A_11, %dma_start3A_12] : memref<8192x1024xf32, #tpu.memory_space<hbm>> -> memref<8192x1024xf32, #tpu.memory_space<hbm>>
    tpu.enqueue_indirect_dma source(%dma_start3A_13 : memref<8192x1024xf32, #tpu.memory_space<hbm>>) target(%dma_start3A_7 : memref<16x1024xf32, #tpu.memory_space<vmem>>) offsets(%dma_start3A_10 : memref<16xi32, #tpu.memory_space<vmem>>) semaphore(%arg7 : memref<!tpu.dma_semaphore, #tpu.memory_space<semaphore_mem>>)
    %dma_start3A_14 = arith.constant 1 : i32
    %dma_start3A_15 = arith.constant 1 : i32
    %dma_start3A_16 = arith.constant 0 : i32
    %dma_start3A_17 = arith.constant 0 : i32
    %dma_start3A_18 = tpu.memref_slice %arg6[%dma_start3A_15, %dma_start3A_16, %dma_start3A_17] : memref<6x16x1024xf32, #tpu.memory_space<vmem>> -> memref<1x16x1024xf32, #tpu.memory_space<vmem>>
    %dma_start3A_19 = tpu.memref_squeeze %dma_start3A_18 : memref<1x16x1024xf32, #tpu.memory_space<vmem>> -> memref<16x1024xf32, #tpu.memory_space<vmem>>
    %dma_start3A_20 = arith.constant 0 : i32
    %dma_start3A_21 = tpu.memref_slice %arg5[%dma_start3A_14, %dma_start3A_20] : memref<64x16xi32, #tpu.memory_space<vmem>> -> memref<1x16xi32, #tpu.memory_space<vmem>>
    %dma_start3A_22 = tpu.memref_squeeze %dma_start3A_21 : memref<1x16xi32, #tpu.memory_space<vmem>> -> memref<16xi32, #tpu.memory_space<vmem>>
    %dma_start3A_23 = arith.constant 0 : i32
    %dma_start3A_24 = arith.constant 0 : i32
    %dma_start3A_25 = tpu.memref_slice %arg2[%dma_start3A_23, %dma_start3A_24] : memref<8192x1024xf32, #tpu.memory_space<hbm>> -> memref<8192x1024xf32, #tpu.memory_space<hbm>>
    tpu.enqueue_indirect_dma source(%dma_start3A_25 : memref<8192x1024xf32, #tpu.memory_space<hbm>>) target(%dma_start3A_19 : memref<16x1024xf32, #tpu.memory_space<vmem>>) offsets(%dma_start3A_22 : memref<16xi32, #tpu.memory_space<vmem>>) semaphore(%arg8 : memref<!tpu.dma_semaphore, #tpu.memory_space<semaphore_mem>>)
    %dma_start3A_26 = arith.constant 2 : i32
    %dma_start3A_27 = arith.constant 2 : i32
    %dma_start3A_28 = arith.constant 0 : i32
    %dma_start3A_29 = arith.constant 0 : i32
    %dma_start3A_30 = tpu.memref_slice %arg6[%dma_start3A_27, %dma_start3A_28, %dma_start3A_29] : memref<6x16x1024xf32, #tpu.memory_space<vmem>> -> memref<1x16x1024xf32, #tpu.memory_space<vmem>>
    %dma_start3A_31 = tpu.memref_squeeze %dma_start3A_30 : memref<1x16x1024xf32, #tpu.memory_space<vmem>> -> memref<16x1024xf32, #tpu.memory_space<vmem>>
    %dma_start3A_32 = arith.constant 0 : i32
    %dma_start3A_33 = tpu.memref_slice %arg5[%dma_start3A_26, %dma_start3A_32] : memref<64x16xi32, #tpu.memory_space<vmem>> -> memref<1x16xi32, #tpu.memory_space<vmem>>
    %dma_start3A_34 = tpu.memref_squeeze %dma_start3A_33 : memref<1x16xi32, #tpu.memory_space<vmem>> -> memref<16xi32, #tpu.memory_space<vmem>>
    %dma_start3A_35 = arith.constant 0 : i32
    %dma_start3A_36 = arith.constant 0 : i32
    %dma_start3A_37 = tpu.memref_slice %arg2[%dma_start3A_35, %dma_start3A_36] : memref<8192x1024xf32, #tpu.memory_space<hbm>> -> memref<8192x1024xf32, #tpu.memory_space<hbm>>
    tpu.enqueue_indirect_dma source(%dma_start3A_37 : memref<8192x1024xf32, #tpu.memory_space<hbm>>) target(%dma_start3A_31 : memref<16x1024xf32, #tpu.memory_space<vmem>>) offsets(%dma_start3A_34 : memref<16xi32, #tpu.memory_space<vmem>>) semaphore(%arg9 : memref<!tpu.dma_semaphore, #tpu.memory_space<semaphore_mem>>)
    %dma_wait3A = arith.constant 0 : i32
    %dma_wait3A_38 = arith.constant 0 : i32
    %dma_wait3A_39 = arith.constant 0 : i32
    %dma_wait3A_40 = arith.constant 0 : i32
    %dma_wait3A_41 = tpu.memref_slice %arg6[%dma_wait3A_38, %dma_wait3A_39, %dma_wait3A_40] : memref<6x16x1024xf32, #tpu.memory_space<vmem>> -> memref<1x16x1024xf32, #tpu.memory_space<vmem>>
    %dma_wait3A_42 = tpu.memref_squeeze %dma_wait3A_41 : memref<1x16x1024xf32, #tpu.memory_space<vmem>> -> memref<16x1024xf32, #tpu.memory_space<vmem>>
    %dma_wait3A_43 = arith.constant 0 : i32
    %dma_wait3A_44 = tpu.memref_slice %arg5[%dma_wait3A, %dma_wait3A_43] : memref<64x16xi32, #tpu.memory_space<vmem>> -> memref<1x16xi32, #tpu.memory_space<vmem>>
    %dma_wait3A_45 = tpu.memref_squeeze %dma_wait3A_44 : memref<1x16xi32, #tpu.memory_space<vmem>> -> memref<16xi32, #tpu.memory_space<vmem>>
    %dma_wait3A_46 = arith.constant 0 : i32
    %dma_wait3A_47 = arith.constant 0 : i32
    %dma_wait3A_48 = tpu.memref_slice %arg2[%dma_wait3A_46, %dma_wait3A_47] : memref<8192x1024xf32, #tpu.memory_space<hbm>> -> memref<8192x1024xf32, #tpu.memory_space<hbm>>
    tpu.wait_indirect_dma semaphore(%arg7 : memref<!tpu.dma_semaphore, #tpu.memory_space<semaphore_mem>>) src(%dma_wait3A_48 : memref<8192x1024xf32, #tpu.memory_space<hbm>>) dst(%dma_wait3A_42 : memref<16x1024xf32, #tpu.memory_space<vmem>>)
    %add3A_49 = arith.constant 0 : i32
    %add3A_50 = arith.addi %mul3A_2, %add3A_49 : i32
    %dma_start3A_51 = arith.constant 0 : i32
    %dma_start3A_52 = arith.constant 0 : i32
    %dma_start3A_53 = arith.constant 0 : i32
    %dma_start3A_54 = tpu.memref_slice %arg6[%dma_start3A_51, %dma_start3A_52, %dma_start3A_53] : memref<6x16x1024xf32, #tpu.memory_space<vmem>> -> memref<1x16x1024xf32, #tpu.memory_space<vmem>>
    %dma_start3A_55 = tpu.memref_squeeze %dma_start3A_54 : memref<1x16x1024xf32, #tpu.memory_space<vmem>> -> memref<16x1024xf32, #tpu.memory_space<vmem>>
    %dma_start3A_56 = arith.constant 0 : i32
    %dma_start3A_57 = tpu.memref_slice %arg4[%add3A_50, %dma_start3A_56] : memref<32768x1024xf32, #tpu.memory_space<hbm>> -> memref<16x1024xf32, #tpu.memory_space<hbm>>
    %dma_start3A_58 = arith.constant 0 : i32
    %dma_start3A_59 = tpu.memref_slice %arg4[%add3A_50, %dma_start3A_58] : memref<32768x1024xf32, #tpu.memory_space<hbm>> -> memref<16x1024xf32, #tpu.memory_space<hbm>>
    %dma_start3A_60 = arith.constant 0 : i32
    %dma_start3A_61 = arith.constant 0 : i32
    %dma_start3A_62 = tpu.memref_slice %arg6[%dma_start3A_51, %dma_start3A_60, %dma_start3A_61] : memref<6x16x1024xf32, #tpu.memory_space<vmem>> -> memref<1x16x1024xf32, #tpu.memory_space<vmem>>
    %dma_start3A_63 = tpu.memref_squeeze %dma_start3A_62 : memref<1x16x1024xf32, #tpu.memory_space<vmem>> -> memref<16x1024xf32, #tpu.memory_space<vmem>>
    tpu.enqueue_dma source(%dma_start3A_63 : memref<16x1024xf32, #tpu.memory_space<vmem>>) target(%dma_start3A_59 : memref<16x1024xf32, #tpu.memory_space<hbm>>) target_semaphore(%arg13 : memref<!tpu.dma_semaphore, #tpu.memory_space<semaphore_mem>>)
    %dma_start3A_64 = arith.constant 3 : i32
    %dma_start3A_65 = arith.constant 3 : i32
    %dma_start3A_66 = arith.constant 0 : i32
    %dma_start3A_67 = arith.constant 0 : i32
    %dma_start3A_68 = tpu.memref_slice %arg6[%dma_start3A_65, %dma_start3A_66, %dma_start3A_67] : memref<6x16x1024xf32, #tpu.memory_space<vmem>> -> memref<1x16x1024xf32, #tpu.memory_space<vmem>>
    %dma_start3A_69 = tpu.memref_squeeze %dma_start3A_68 : memref<1x16x1024xf32, #tpu.memory_space<vmem>> -> memref<16x1024xf32, #tpu.memory_space<vmem>>
    %dma_start3A_70 = arith.constant 0 : i32
    %dma_start3A_71 = tpu.memref_slice %arg5[%dma_start3A_64, %dma_start3A_70] : memref<64x16xi32, #tpu.memory_space<vmem>> -> memref<1x16xi32, #tpu.memory_space<vmem>>
    %dma_start3A_72 = tpu.memref_squeeze %dma_start3A_71 : memref<1x16xi32, #tpu.memory_space<vmem>> -> memref<16xi32, #tpu.memory_space<vmem>>
    %dma_start3A_73 = arith.constant 0 : i32
    %dma_start3A_74 = arith.constant 0 : i32
    %dma_start3A_75 = tpu.memref_slice %arg2[%dma_start3A_73, %dma_start3A_74] : memref<8192x1024xf32, #tpu.memory_space<hbm>> -> memref<8192x1024xf32, #tpu.memory_space<hbm>>
    tpu.enqueue_indirect_dma source(%dma_start3A_75 : memref<8192x1024xf32, #tpu.memory_space<hbm>>) target(%dma_start3A_69 : memref<16x1024xf32, #tpu.memory_space<vmem>>) offsets(%dma_start3A_72 : memref<16xi32, #tpu.memory_space<vmem>>) semaphore(%arg10 : memref<!tpu.dma_semaphore, #tpu.memory_space<semaphore_mem>>)
    %dma_wait3A_76 = arith.constant 1 : i32
    %dma_wait3A_77 = arith.constant 1 : i32
    %dma_wait3A_78 = arith.constant 0 : i32
    %dma_wait3A_79 = arith.constant 0 : i32
    %dma_wait3A_80 = tpu.memref_slice %arg6[%dma_wait3A_77, %dma_wait3A_78, %dma_wait3A_79] : memref<6x16x1024xf32, #tpu.memory_space<vmem>> -> memref<1x16x1024xf32, #tpu.memory_space<vmem>>
    %dma_wait3A_81 = tpu.memref_squeeze %dma_wait3A_80 : memref<1x16x1024xf32, #tpu.memory_space<vmem>> -> memref<16x1024xf32, #tpu.memory_space<vmem>>
    %dma_wait3A_82 = arith.constant 0 : i32
    %dma_wait3A_83 = tpu.memref_slice %arg5[%dma_wait3A_76, %dma_wait3A_82] : memref<64x16xi32, #tpu.memory_space<vmem>> -> memref<1x16xi32, #tpu.memory_space<vmem>>
    %dma_wait3A_84 = tpu.memref_squeeze %dma_wait3A_83 : memref<1x16xi32, #tpu.memory_space<vmem>> -> memref<16xi32, #tpu.memory_space<vmem>>
    %dma_wait3A_85 = arith.constant 0 : i32
    %dma_wait3A_86 = arith.constant 0 : i32
    %dma_wait3A_87 = tpu.memref_slice %arg2[%dma_wait3A_85, %dma_wait3A_86] : memref<8192x1024xf32, #tpu.memory_space<hbm>> -> memref<8192x1024xf32, #tpu.memory_space<hbm>>
    tpu.wait_indirect_dma semaphore(%arg8 : memref<!tpu.dma_semaphore, #tpu.memory_space<semaphore_mem>>) src(%dma_wait3A_87 : memref<8192x1024xf32, #tpu.memory_space<hbm>>) dst(%dma_wait3A_81 : memref<16x1024xf32, #tpu.memory_space<vmem>>)
    %add3A_88 = arith.constant 16 : i32
    %add3A_89 = arith.addi %mul3A_2, %add3A_88 : i32
    %dma_start3A_90 = arith.constant 1 : i32
    %dma_start3A_91 = arith.constant 0 : i32
    %dma_start3A_92 = arith.constant 0 : i32
    %dma_start3A_93 = tpu.memref_slice %arg6[%dma_start3A_90, %dma_start3A_91, %dma_start3A_92] : memref<6x16x1024xf32, #tpu.memory_space<vmem>> -> memref<1x16x1024xf32, #tpu.memory_space<vmem>>
    %dma_start3A_94 = tpu.memref_squeeze %dma_start3A_93 : memref<1x16x1024xf32, #tpu.memory_space<vmem>> -> memref<16x1024xf32, #tpu.memory_space<vmem>>
    %dma_start3A_95 = arith.constant 0 : i32
    %dma_start3A_96 = tpu.memref_slice %arg4[%add3A_89, %dma_start3A_95] : memref<32768x1024xf32, #tpu.memory_space<hbm>> -> memref<16x1024xf32, #tpu.memory_space<hbm>>
    %dma_start3A_97 = arith.constant 0 : i32
    %dma_start3A_98 = tpu.memref_slice %arg4[%add3A_89, %dma_start3A_97] : memref<32768x1024xf32, #tpu.memory_space<hbm>> -> memref<16x1024xf32, #tpu.memory_space<hbm>>
    %dma_start3A_99 = arith.constant 0 : i32
    %dma_start3A_100 = arith.constant 0 : i32
    %dma_start3A_101 = tpu.memref_slice %arg6[%dma_start3A_90, %dma_start3A_99, %dma_start3A_100] : memref<6x16x1024xf32, #tpu.memory_space<vmem>> -> memref<1x16x1024xf32, #tpu.memory_space<vmem>>
    %dma_start3A_102 = tpu.memref_squeeze %dma_start3A_101 : memref<1x16x1024xf32, #tpu.memory_space<vmem>> -> memref<16x1024xf32, #tpu.memory_space<vmem>>
    tpu.enqueue_dma source(%dma_start3A_102 : memref<16x1024xf32, #tpu.memory_space<vmem>>) target(%dma_start3A_98 : memref<16x1024xf32, #tpu.memory_space<hbm>>) target_semaphore(%arg14 : memref<!tpu.dma_semaphore, #tpu.memory_space<semaphore_mem>>)
    %dma_start3A_103 = arith.constant 4 : i32
    %dma_start3A_104 = arith.constant 4 : i32
    %dma_start3A_105 = arith.constant 0 : i32
    %dma_start3A_106 = arith.constant 0 : i32
    %dma_start3A_107 = tpu.memref_slice %arg6[%dma_start3A_104, %dma_start3A_105, %dma_start3A_106] : memref<6x16x1024xf32, #tpu.memory_space<vmem>> -> memref<1x16x1024xf32, #tpu.memory_space<vmem>>
    %dma_start3A_108 = tpu.memref_squeeze %dma_start3A_107 : memref<1x16x1024xf32, #tpu.memory_space<vmem>> -> memref<16x1024xf32, #tpu.memory_space<vmem>>
    %dma_start3A_109 = arith.constant 0 : i32
    %dma_start3A_110 = tpu.memref_slice %arg5[%dma_start3A_103, %dma_start3A_109] : memref<64x16xi32, #tpu.memory_space<vmem>> -> memref<1x16xi32, #tpu.memory_space<vmem>>
    %dma_start3A_111 = tpu.memref_squeeze %dma_start3A_110 : memref<1x16xi32, #tpu.memory_space<vmem>> -> memref<16xi32, #tpu.memory_space<vmem>>
    %dma_start3A_112 = arith.constant 0 : i32
    %dma_start3A_113 = arith.constant 0 : i32
    %dma_start3A_114 = tpu.memref_slice %arg2[%dma_start3A_112, %dma_start3A_113] : memref<8192x1024xf32, #tpu.memory_space<hbm>> -> memref<8192x1024xf32, #tpu.memory_space<hbm>>
    tpu.enqueue_indirect_dma source(%dma_start3A_114 : memref<8192x1024xf32, #tpu.memory_space<hbm>>) target(%dma_start3A_108 : memref<16x1024xf32, #tpu.memory_space<vmem>>) offsets(%dma_start3A_111 : memref<16xi32, #tpu.memory_space<vmem>>) semaphore(%arg11 : memref<!tpu.dma_semaphore, #tpu.memory_space<semaphore_mem>>)
    %dma_wait3A_115 = arith.constant 2 : i32
    %dma_wait3A_116 = arith.constant 2 : i32
    %dma_wait3A_117 = arith.constant 0 : i32
    %dma_wait3A_118 = arith.constant 0 : i32
    %dma_wait3A_119 = tpu.memref_slice %arg6[%dma_wait3A_116, %dma_wait3A_117, %dma_wait3A_118] : memref<6x16x1024xf32, #tpu.memory_space<vmem>> -> memref<1x16x1024xf32, #tpu.memory_space<vmem>>
    %dma_wait3A_120 = tpu.memref_squeeze %dma_wait3A_119 : memref<1x16x1024xf32, #tpu.memory_space<vmem>> -> memref<16x1024xf32, #tpu.memory_space<vmem>>
    %dma_wait3A_121 = arith.constant 0 : i32
    %dma_wait3A_122 = tpu.memref_slice %arg5[%dma_wait3A_115, %dma_wait3A_121] : memref<64x16xi32, #tpu.memory_space<vmem>> -> memref<1x16xi32, #tpu.memory_space<vmem>>
    %dma_wait3A_123 = tpu.memref_squeeze %dma_wait3A_122 : memref<1x16xi32, #tpu.memory_space<vmem>> -> memref<16xi32, #tpu.memory_space<vmem>>
    %dma_wait3A_124 = arith.constant 0 : i32
    %dma_wait3A_125 = arith.constant 0 : i32
    %dma_wait3A_126 = tpu.memref_slice %arg2[%dma_wait3A_124, %dma_wait3A_125] : memref<8192x1024xf32, #tpu.memory_space<hbm>> -> memref<8192x1024xf32, #tpu.memory_space<hbm>>
    tpu.wait_indirect_dma semaphore(%arg9 : memref<!tpu.dma_semaphore, #tpu.memory_space<semaphore_mem>>) src(%dma_wait3A_126 : memref<8192x1024xf32, #tpu.memory_space<hbm>>) dst(%dma_wait3A_120 : memref<16x1024xf32, #tpu.memory_space<vmem>>)
    %add3A_127 = arith.constant 32 : i32
    %add3A_128 = arith.addi %mul3A_2, %add3A_127 : i32
    %dma_start3A_129 = arith.constant 2 : i32
    %dma_start3A_130 = arith.constant 0 : i32
    %dma_start3A_131 = arith.constant 0 : i32
    %dma_start3A_132 = tpu.memref_slice %arg6[%dma_start3A_129, %dma_start3A_130, %dma_start3A_131] : memref<6x16x1024xf32, #tpu.memory_space<vmem>> -> memref<1x16x1024xf32, #tpu.memory_space<vmem>>
    %dma_start3A_133 = tpu.memref_squeeze %dma_start3A_132 : memref<1x16x1024xf32, #tpu.memory_space<vmem>> -> memref<16x1024xf32, #tpu.memory_space<vmem>>
    %dma_start3A_134 = arith.constant 0 : i32
    %dma_start3A_135 = tpu.memref_slice %arg4[%add3A_128, %dma_start3A_134] : memref<32768x1024xf32, #tpu.memory_space<hbm>> -> memref<16x1024xf32, #tpu.memory_space<hbm>>
    %dma_start3A_136 = arith.constant 0 : i32
    %dma_start3A_137 = tpu.memref_slice %arg4[%add3A_128, %dma_start3A_136] : memref<32768x1024xf32, #tpu.memory_space<hbm>> -> memref<16x1024xf32, #tpu.memory_space<hbm>>
    %dma_start3A_138 = arith.constant 0 : i32
    %dma_start3A_139 = arith.constant 0 : i32
    %dma_start3A_140 = tpu.memref_slice %arg6[%dma_start3A_129, %dma_start3A_138, %dma_start3A_139] : memref<6x16x1024xf32, #tpu.memory_space<vmem>> -> memref<1x16x1024xf32, #tpu.memory_space<vmem>>
    %dma_start3A_141 = tpu.memref_squeeze %dma_start3A_140 : memref<1x16x1024xf32, #tpu.memory_space<vmem>> -> memref<16x1024xf32, #tpu.memory_space<vmem>>
    tpu.enqueue_dma source(%dma_start3A_141 : memref<16x1024xf32, #tpu.memory_space<vmem>>) target(%dma_start3A_137 : memref<16x1024xf32, #tpu.memory_space<hbm>>) target_semaphore(%arg15 : memref<!tpu.dma_semaphore, #tpu.memory_space<semaphore_mem>>)
    %dma_start3A_142 = arith.constant 5 : i32
    %dma_start3A_143 = arith.constant 5 : i32
    %dma_start3A_144 = arith.constant 0 : i32
    %dma_start3A_145 = arith.constant 0 : i32
    %dma_start3A_146 = tpu.memref_slice %arg6[%dma_start3A_143, %dma_start3A_144, %dma_start3A_145] : memref<6x16x1024xf32, #tpu.memory_space<vmem>> -> memref<1x16x1024xf32, #tpu.memory_space<vmem>>
    %dma_start3A_147 = tpu.memref_squeeze %dma_start3A_146 : memref<1x16x1024xf32, #tpu.memory_space<vmem>> -> memref<16x1024xf32, #tpu.memory_space<vmem>>
    %dma_start3A_148 = arith.constant 0 : i32
    %dma_start3A_149 = tpu.memref_slice %arg5[%dma_start3A_142, %dma_start3A_148] : memref<64x16xi32, #tpu.memory_space<vmem>> -> memref<1x16xi32, #tpu.memory_space<vmem>>
    %dma_start3A_150 = tpu.memref_squeeze %dma_start3A_149 : memref<1x16xi32, #tpu.memory_space<vmem>> -> memref<16xi32, #tpu.memory_space<vmem>>
    %dma_start3A_151 = arith.constant 0 : i32
    %dma_start3A_152 = arith.constant 0 : i32
    %dma_start3A_153 = tpu.memref_slice %arg2[%dma_start3A_151, %dma_start3A_152] : memref<8192x1024xf32, #tpu.memory_space<hbm>> -> memref<8192x1024xf32, #tpu.memory_space<hbm>>
    tpu.enqueue_indirect_dma source(%dma_start3A_153 : memref<8192x1024xf32, #tpu.memory_space<hbm>>) target(%dma_start3A_147 : memref<16x1024xf32, #tpu.memory_space<vmem>>) offsets(%dma_start3A_150 : memref<16xi32, #tpu.memory_space<vmem>>) semaphore(%arg12 : memref<!tpu.dma_semaphore, #tpu.memory_space<semaphore_mem>>)
    %dma_wait3A_154 = arith.constant 3 : i32
    %dma_wait3A_155 = arith.constant 3 : i32
    %dma_wait3A_156 = arith.constant 0 : i32
    %dma_wait3A_157 = arith.constant 0 : i32
    %dma_wait3A_158 = tpu.memref_slice %arg6[%dma_wait3A_155, %dma_wait3A_156, %dma_wait3A_157] : memref<6x16x1024xf32, #tpu.memory_space<vmem>> -> memref<1x16x1024xf32, #tpu.memory_space<vmem>>
    %dma_wait3A_159 = tpu.memref_squeeze %dma_wait3A_158 : memref<1x16x1024xf32, #tpu.memory_space<vmem>> -> memref<16x1024xf32, #tpu.memory_space<vmem>>
    %dma_wait3A_160 = arith.constant 0 : i32
    %dma_wait3A_161 = tpu.memref_slice %arg5[%dma_wait3A_154, %dma_wait3A_160] : memref<64x16xi32, #tpu.memory_space<vmem>> -> memref<1x16xi32, #tpu.memory_space<vmem>>
    %dma_wait3A_162 = tpu.memref_squeeze %dma_wait3A_161 : memref<1x16xi32, #tpu.memory_space<vmem>> -> memref<16xi32, #tpu.memory_space<vmem>>
    %dma_wait3A_163 = arith.constant 0 : i32
    %dma_wait3A_164 = arith.constant 0 : i32
    %dma_wait3A_165 = tpu.memref_slice %arg2[%dma_wait3A_163, %dma_wait3A_164] : memref<8192x1024xf32, #tpu.memory_space<hbm>> -> memref<8192x1024xf32, #tpu.memory_space<hbm>>
    tpu.wait_indirect_dma semaphore(%arg10 : memref<!tpu.dma_semaphore, #tpu.memory_space<semaphore_mem>>) src(%dma_wait3A_165 : memref<8192x1024xf32, #tpu.memory_space<hbm>>) dst(%dma_wait3A_159 : memref<16x1024xf32, #tpu.memory_space<vmem>>)
    %add3A_166 = arith.constant 48 : i32
    %add3A_167 = arith.addi %mul3A_2, %add3A_166 : i32
    %dma_start3A_168 = arith.constant 3 : i32
    %dma_start3A_169 = arith.constant 0 : i32
    %dma_start3A_170 = arith.constant 0 : i32
    %dma_start3A_171 = tpu.memref_slice %arg6[%dma_start3A_168, %dma_start3A_169, %dma_start3A_170] : memref<6x16x1024xf32, #tpu.memory_space<vmem>> -> memref<1x16x1024xf32, #tpu.memory_space<vmem>>
    %dma_start3A_172 = tpu.memref_squeeze %dma_start3A_171 : memref<1x16x1024xf32, #tpu.memory_space<vmem>> -> memref<16x1024xf32, #tpu.memory_space<vmem>>
    %dma_start3A_173 = arith.constant 0 : i32
    %dma_start3A_174 = tpu.memref_slice %arg4[%add3A_167, %dma_start3A_173] : memref<32768x1024xf32, #tpu.memory_space<hbm>> -> memref<16x1024xf32, #tpu.memory_space<hbm>>
    %dma_start3A_175 = arith.constant 0 : i32
    %dma_start3A_176 = tpu.memref_slice %arg4[%add3A_167, %dma_start3A_175] : memref<32768x1024xf32, #tpu.memory_space<hbm>> -> memref<16x1024xf32, #tpu.memory_space<hbm>>
    %dma_start3A_177 = arith.constant 0 : i32
    %dma_start3A_178 = arith.constant 0 : i32
    %dma_start3A_179 = tpu.memref_slice %arg6[%dma_start3A_168, %dma_start3A_177, %dma_start3A_178] : memref<6x16x1024xf32, #tpu.memory_space<vmem>> -> memref<1x16x1024xf32, #tpu.memory_space<vmem>>
    %dma_start3A_180 = tpu.memref_squeeze %dma_start3A_179 : memref<1x16x1024xf32, #tpu.memory_space<vmem>> -> memref<16x1024xf32, #tpu.memory_space<vmem>>
    tpu.enqueue_dma source(%dma_start3A_180 : memref<16x1024xf32, #tpu.memory_space<vmem>>) target(%dma_start3A_176 : memref<16x1024xf32, #tpu.memory_space<hbm>>) target_semaphore(%arg16 : memref<!tpu.dma_semaphore, #tpu.memory_space<semaphore_mem>>)
    %add3A_181 = arith.constant 0 : i32
    %add3A_182 = arith.addi %mul3A_2, %add3A_181 : i32
    %dma_wait3A_183 = arith.constant 0 : i32
    %dma_wait3A_184 = arith.constant 0 : i32
    %dma_wait3A_185 = arith.constant 0 : i32
    %dma_wait3A_186 = tpu.memref_slice %arg6[%dma_wait3A_183, %dma_wait3A_184, %dma_wait3A_185] : memref<6x16x1024xf32, #tpu.memory_space<vmem>> -> memref<1x16x1024xf32, #tpu.memory_space<vmem>>
    %dma_wait3A_187 = tpu.memref_squeeze %dma_wait3A_186 : memref<1x16x1024xf32, #tpu.memory_space<vmem>> -> memref<16x1024xf32, #tpu.memory_space<vmem>>
    %dma_wait3A_188 = arith.constant 0 : i32
    %dma_wait3A_189 = tpu.memref_slice %arg4[%add3A_182, %dma_wait3A_188] : memref<32768x1024xf32, #tpu.memory_space<hbm>> -> memref<16x1024xf32, #tpu.memory_space<hbm>>
    %dma_wait3A_190 = arith.constant 0 : i32
    %dma_wait3A_191 = tpu.memref_slice %arg4[%add3A_182, %dma_wait3A_190] : memref<32768x1024xf32, #tpu.memory_space<hbm>> -> memref<16x1024xf32, #tpu.memory_space<hbm>>
    %dma_wait3A_192 = arith.constant 0 : i32
    %dma_wait3A_193 = arith.constant 0 : i32
    %dma_wait3A_194 = tpu.memref_slice %arg6[%dma_wait3A_183, %dma_wait3A_192, %dma_wait3A_193] : memref<6x16x1024xf32, #tpu.memory_space<vmem>> -> memref<1x16x1024xf32, #tpu.memory_space<vmem>>
    %dma_wait3A_195 = tpu.memref_squeeze %dma_wait3A_194 : memref<1x16x1024xf32, #tpu.memory_space<vmem>> -> memref<16x1024xf32, #tpu.memory_space<vmem>>
    tpu.wait_dma2 semaphore(%arg13 : memref<!tpu.dma_semaphore, #tpu.memory_space<semaphore_mem>>) src(%dma_wait3A_195 : memref<16x1024xf32, #tpu.memory_space<vmem>>) dst(%dma_wait3A_191 : memref<16x1024xf32, #tpu.memory_space<hbm>>)
    %dma_start3A_196 = arith.constant 6 : i32
    %dma_start3A_197 = arith.constant 0 : i32
    %dma_start3A_198 = arith.constant 0 : i32
    %dma_start3A_199 = arith.constant 0 : i32
    %dma_start3A_200 = tpu.memref_slice %arg6[%dma_start3A_197, %dma_start3A_198, %dma_start3A_199] : memref<6x16x1024xf32, #tpu.memory_space<vmem>> -> memref<1x16x1024xf32, #tpu.memory_space<vmem>>
    %dma_start3A_201 = tpu.memref_squeeze %dma_start3A_200 : memref<1x16x1024xf32, #tpu.memory_space<vmem>> -> memref<16x1024xf32, #tpu.memory_space<vmem>>
    %dma_start3A_202 = arith.constant 0 : i32
    %dma_start3A_203 = tpu.memref_slice %arg5[%dma_start3A_196, %dma_start3A_202] : memref<64x16xi32, #tpu.memory_space<vmem>> -> memref<1x16xi32, #tpu.memory_space<vmem>>
    %dma_start3A_204 = tpu.memref_squeeze %dma_start3A_203 : memref<1x16xi32, #tpu.memory_space<vmem>> -> memref<16xi32, #tpu.memory_space<vmem>>
    %dma_start3A_205 = arith.constant 0 : i32
    %dma_start3A_206 = arith.constant 0 : i32
    %dma_start3A_207 = tpu.memref_slice %arg2[%dma_start3A_205, %dma_start3A_206] : memref<8192x1024xf32, #tpu.memory_space<hbm>> -> memref<8192x1024xf32, #tpu.memory_space<hbm>>
    tpu.enqueue_indirect_dma source(%dma_start3A_207 : memref<8192x1024xf32, #tpu.memory_space<hbm>>) target(%dma_start3A_201 : memref<16x1024xf32, #tpu.memory_space<vmem>>) offsets(%dma_start3A_204 : memref<16xi32, #tpu.memory_space<vmem>>) semaphore(%arg7 : memref<!tpu.dma_semaphore, #tpu.memory_space<semaphore_mem>>)
    %dma_wait3A_208 = arith.constant 4 : i32
    %dma_wait3A_209 = arith.constant 4 : i32
    %dma_wait3A_210 = arith.constant 0 : i32
    %dma_wait3A_211 = arith.constant 0 : i32
    %dma_wait3A_212 = tpu.memref_slice %arg6[%dma_wait3A_209, %dma_wait3A_210, %dma_wait3A_211] : memref<6x16x1024xf32, #tpu.memory_space<vmem>> -> memref<1x16x1024xf32, #tpu.memory_space<vmem>>
    %dma_wait3A_213 = tpu.memref_squeeze %dma_wait3A_212 : memref<1x16x1024xf32, #tpu.memory_space<vmem>> -> memref<16x1024xf32, #tpu.memory_space<vmem>>
    %dma_wait3A_214 = arith.constant 0 : i32
    %dma_wait3A_215 = tpu.memref_slice %arg5[%dma_wait3A_208, %dma_wait3A_214] : memref<64x16xi32, #tpu.memory_space<vmem>> -> memref<1x16xi32, #tpu.memory_space<vmem>>
    %dma_wait3A_216 = tpu.memref_squeeze %dma_wait3A_215 : memref<1x16xi32, #tpu.memory_space<vmem>> -> memref<16xi32, #tpu.memory_space<vmem>>
    %dma_wait3A_217 = arith.constant 0 : i32
    %dma_wait3A_218 = arith.constant 0 : i32
    %dma_wait3A_219 = tpu.memref_slice %arg2[%dma_wait3A_217, %dma_wait3A_218] : memref<8192x1024xf32, #tpu.memory_space<hbm>> -> memref<8192x1024xf32, #tpu.memory_space<hbm>>
    tpu.wait_indirect_dma semaphore(%arg11 : memref<!tpu.dma_semaphore, #tpu.memory_space<semaphore_mem>>) src(%dma_wait3A_219 : memref<8192x1024xf32, #tpu.memory_space<hbm>>) dst(%dma_wait3A_213 : memref<16x1024xf32, #tpu.memory_space<vmem>>)
    %add3A_220 = arith.constant 64 : i32
    %add3A_221 = arith.addi %mul3A_2, %add3A_220 : i32
    %dma_start3A_222 = arith.constant 4 : i32
    %dma_start3A_223 = arith.constant 0 : i32
    %dma_start3A_224 = arith.constant 0 : i32
    %dma_start3A_225 = tpu.memref_slice %arg6[%dma_start3A_222, %dma_start3A_223, %dma_start3A_224] : memref<6x16x1024xf32, #tpu.memory_space<vmem>> -> memref<1x16x1024xf32, #tpu.memory_space<vmem>>
    %dma_start3A_226 = tpu.memref_squeeze %dma_start3A_225 : memref<1x16x1024xf32, #tpu.memory_space<vmem>> -> memref<16x1024xf32, #tpu.memory_space<vmem>>
    %dma_start3A_227 = arith.constant 0 : i32
    %dma_start3A_228 = tpu.memref_slice %arg4[%add3A_221, %dma_start3A_227] : memref<32768x1024xf32, #tpu.memory_space<hbm>> -> memref<16x1024xf32, #tpu.memory_space<hbm>>
    %dma_start3A_229 = arith.constant 0 : i32
    %dma_start3A_230 = tpu.memref_slice %arg4[%add3A_221, %dma_start3A_229] : memref<32768x1024xf32, #tpu.memory_space<hbm>> -> memref<16x1024xf32, #tpu.memory_space<hbm>>
    %dma_start3A_231 = arith.constant 0 : i32
    %dma_start3A_232 = arith.constant 0 : i32
    %dma_start3A_233 = tpu.memref_slice %arg6[%dma_start3A_222, %dma_start3A_231, %dma_start3A_232] : memref<6x16x1024xf32, #tpu.memory_space<vmem>> -> memref<1x16x1024xf32, #tpu.memory_space<vmem>>
    %dma_start3A_234 = tpu.memref_squeeze %dma_start3A_233 : memref<1x16x1024xf32, #tpu.memory_space<vmem>> -> memref<16x1024xf32, #tpu.memory_space<vmem>>
    tpu.enqueue_dma source(%dma_start3A_234 : memref<16x1024xf32, #tpu.memory_space<vmem>>) target(%dma_start3A_230 : memref<16x1024xf32, #tpu.memory_space<hbm>>) target_semaphore(%arg17 : memref<!tpu.dma_semaphore, #tpu.memory_space<semaphore_mem>>)
    %add3A_235 = arith.constant 16 : i32
    %add3A_236 = arith.addi %mul3A_2, %add3A_235 : i32
    %dma_wait3A_237 = arith.constant 1 : i32
    %dma_wait3A_238 = arith.constant 0 : i32
    %dma_wait3A_239 = arith.constant 0 : i32
    %dma_wait3A_240 = tpu.memref_slice %arg6[%dma_wait3A_237, %dma_wait3A_238, %dma_wait3A_239] : memref<6x16x1024xf32, #tpu.memory_space<vmem>> -> memref<1x16x1024xf32, #tpu.memory_space<vmem>>
    %dma_wait3A_241 = tpu.memref_squeeze %dma_wait3A_240 : memref<1x16x1024xf32, #tpu.memory_space<vmem>> -> memref<16x1024xf32, #tpu.memory_space<vmem>>
    %dma_wait3A_242 = arith.constant 0 : i32
    %dma_wait3A_243 = tpu.memref_slice %arg4[%add3A_236, %dma_wait3A_242] : memref<32768x1024xf32, #tpu.memory_space<hbm>> -> memref<16x1024xf32, #tpu.memory_space<hbm>>
    %dma_wait3A_244 = arith.constant 0 : i32
    %dma_wait3A_245 = tpu.memref_slice %arg4[%add3A_236, %dma_wait3A_244] : memref<32768x1024xf32, #tpu.memory_space<hbm>> -> memref<16x1024xf32, #tpu.memory_space<hbm>>
    %dma_wait3A_246 = arith.constant 0 : i32
    %dma_wait3A_247 = arith.constant 0 : i32
    %dma_wait3A_248 = tpu.memref_slice %arg6[%dma_wait3A_237, %dma_wait3A_246, %dma_wait3A_247] : memref<6x16x1024xf32, #tpu.memory_space<vmem>> -> memref<1x16x1024xf32, #tpu.memory_space<vmem>>
    %dma_wait3A_249 = tpu.memref_squeeze %dma_wait3A_248 : memref<1x16x1024xf32, #tpu.memory_space<vmem>> -> memref<16x1024xf32, #tpu.memory_space<vmem>>
    tpu.wait_dma2 semaphore(%arg14 : memref<!tpu.dma_semaphore, #tpu.memory_space<semaphore_mem>>) src(%dma_wait3A_249 : memref<16x1024xf32, #tpu.memory_space<vmem>>) dst(%dma_wait3A_245 : memref<16x1024xf32, #tpu.memory_space<hbm>>)
    %dma_start3A_250 = arith.constant 7 : i32
    %dma_start3A_251 = arith.constant 1 : i32
    %dma_start3A_252 = arith.constant 0 : i32
    %dma_start3A_253 = arith.constant 0 : i32
    %dma_start3A_254 = tpu.memref_slice %arg6[%dma_start3A_251, %dma_start3A_252, %dma_start3A_253] : memref<6x16x1024xf32, #tpu.memory_space<vmem>> -> memref<1x16x1024xf32, #tpu.memory_space<vmem>>
    %dma_start3A_255 = tpu.memref_squeeze %dma_start3A_254 : memref<1x16x1024xf32, #tpu.memory_space<vmem>> -> memref<16x1024xf32, #tpu.memory_space<vmem>>
    %dma_start3A_256 = arith.constant 0 : i32
    %dma_start3A_257 = tpu.memref_slice %arg5[%dma_start3A_250, %dma_start3A_256] : memref<64x16xi32, #tpu.memory_space<vmem>> -> memref<1x16xi32, #tpu.memory_space<vmem>>
    %dma_start3A_258 = tpu.memref_squeeze %dma_start3A_257 : memref<1x16xi32, #tpu.memory_space<vmem>> -> memref<16xi32, #tpu.memory_space<vmem>>
    %dma_start3A_259 = arith.constant 0 : i32
    %dma_start3A_260 = arith.constant 0 : i32
    %dma_start3A_261 = tpu.memref_slice %arg2[%dma_start3A_259, %dma_start3A_260] : memref<8192x1024xf32, #tpu.memory_space<hbm>> -> memref<8192x1024xf32, #tpu.memory_space<hbm>>
    tpu.enqueue_indirect_dma source(%dma_start3A_261 : memref<8192x1024xf32, #tpu.memory_space<hbm>>) target(%dma_start3A_255 : memref<16x1024xf32, #tpu.memory_space<vmem>>) offsets(%dma_start3A_258 : memref<16xi32, #tpu.memory_space<vmem>>) semaphore(%arg8 : memref<!tpu.dma_semaphore, #tpu.memory_space<semaphore_mem>>)
    %dma_wait3A_262 = arith.constant 5 : i32
    %dma_wait3A_263 = arith.constant 5 : i32
    %dma_wait3A_264 = arith.constant 0 : i32
    %dma_wait3A_265 = arith.constant 0 : i32
    %dma_wait3A_266 = tpu.memref_slice %arg6[%dma_wait3A_263, %dma_wait3A_264, %dma_wait3A_265] : memref<6x16x1024xf32, #tpu.memory_space<vmem>> -> memref<1x16x1024xf32, #tpu.memory_space<vmem>>
    %dma_wait3A_267 = tpu.memref_squeeze %dma_wait3A_266 : memref<1x16x1024xf32, #tpu.memory_space<vmem>> -> memref<16x1024xf32, #tpu.memory_space<vmem>>
    %dma_wait3A_268 = arith.constant 0 : i32
    %dma_wait3A_269 = tpu.memref_slice %arg5[%dma_wait3A_262, %dma_wait3A_268] : memref<64x16xi32, #tpu.memory_space<vmem>> -> memref<1x16xi32, #tpu.memory_space<vmem>>
    %dma_wait3A_270 = tpu.memref_squeeze %dma_wait3A_269 : memref<1x16xi32, #tpu.memory_space<vmem>> -> memref<16xi32, #tpu.memory_space<vmem>>
    %dma_wait3A_271 = arith.constant 0 : i32
    %dma_wait3A_272 = arith.constant 0 : i32
    %dma_wait3A_273 = tpu.memref_slice %arg2[%dma_wait3A_271, %dma_wait3A_272] : memref<8192x1024xf32, #tpu.memory_space<hbm>> -> memref<8192x1024xf32, #tpu.memory_space<hbm>>
    tpu.wait_indirect_dma semaphore(%arg12 : memref<!tpu.dma_semaphore, #tpu.memory_space<semaphore_mem>>) src(%dma_wait3A_273 : memref<8192x1024xf32, #tpu.memory_space<hbm>>) dst(%dma_wait3A_267 : memref<16x1024xf32, #tpu.memory_space<vmem>>)
    %add3A_274 = arith.constant 80 : i32
    %add3A_275 = arith.addi %mul3A_2, %add3A_274 : i32
    %dma_start3A_276 = arith.constant 5 : i32
    %dma_start3A_277 = arith.constant 0 : i32
    %dma_start3A_278 = arith.constant 0 : i32
    %dma_start3A_279 = tpu.memref_slice %arg6[%dma_start3A_276, %dma_start3A_277, %dma_start3A_278] : memref<6x16x1024xf32, #tpu.memory_space<vmem>> -> memref<1x16x1024xf32, #tpu.memory_space<vmem>>
    %dma_start3A_280 = tpu.memref_squeeze %dma_start3A_279 : memref<1x16x1024xf32, #tpu.memory_space<vmem>> -> memref<16x1024xf32, #tpu.memory_space<vmem>>
    %dma_start3A_281 = arith.constant 0 : i32
    %dma_start3A_282 = tpu.memref_slice %arg4[%add3A_275, %dma_start3A_281] : memref<32768x1024xf32, #tpu.memory_space<hbm>> -> memref<16x1024xf32, #tpu.memory_space<hbm>>
    %dma_start3A_283 = arith.constant 0 : i32
    %dma_start3A_284 = tpu.memref_slice %arg4[%add3A_275, %dma_start3A_283] : memref<32768x1024xf32, #tpu.memory_space<hbm>> -> memref<16x1024xf32, #tpu.memory_space<hbm>>
    %dma_start3A_285 = arith.constant 0 : i32
    %dma_start3A_286 = arith.constant 0 : i32
    %dma_start3A_287 = tpu.memref_slice %arg6[%dma_start3A_276, %dma_start3A_285, %dma_start3A_286] : memref<6x16x1024xf32, #tpu.memory_space<vmem>> -> memref<1x16x1024xf32, #tpu.memory_space<vmem>>
    %dma_start3A_288 = tpu.memref_squeeze %dma_start3A_287 : memref<1x16x1024xf32, #tpu.memory_space<vmem>> -> memref<16x1024xf32, #tpu.memory_space<vmem>>
    tpu.enqueue_dma source(%dma_start3A_288 : memref<16x1024xf32, #tpu.memory_space<vmem>>) target(%dma_start3A_284 : memref<16x1024xf32, #tpu.memory_space<hbm>>) target_semaphore(%arg18 : memref<!tpu.dma_semaphore, #tpu.memory_space<semaphore_mem>>)
    %add3A_289 = arith.constant 32 : i32
    %add3A_290 = arith.addi %mul3A_2, %add3A_289 : i32
    %dma_wait3A_291 = arith.constant 2 : i32
    %dma_wait3A_292 = arith.constant 0 : i32
    %dma_wait3A_293 = arith.constant 0 : i32
    %dma_wait3A_294 = tpu.memref_slice %arg6[%dma_wait3A_291, %dma_wait3A_292, %dma_wait3A_293] : memref<6x16x1024xf32, #tpu.memory_space<vmem>> -> memref<1x16x1024xf32, #tpu.memory_space<vmem>>
    %dma_wait3A_295 = tpu.memref_squeeze %dma_wait3A_294 : memref<1x16x1024xf32, #tpu.memory_space<vmem>> -> memref<16x1024xf32, #tpu.memory_space<vmem>>
    %dma_wait3A_296 = arith.constant 0 : i32
    %dma_wait3A_297 = tpu.memref_slice %arg4[%add3A_290, %dma_wait3A_296] : memref<32768x1024xf32, #tpu.memory_space<hbm>> -> memref<16x1024xf32, #tpu.memory_space<hbm>>
    %dma_wait3A_298 = arith.constant 0 : i32
    %dma_wait3A_299 = tpu.memref_slice %arg4[%add3A_290, %dma_wait3A_298] : memref<32768x1024xf32, #tpu.memory_space<hbm>> -> memref<16x1024xf32, #tpu.memory_space<hbm>>
    %dma_wait3A_300 = arith.constant 0 : i32
    %dma_wait3A_301 = arith.constant 0 : i32
    %dma_wait3A_302 = tpu.memref_slice %arg6[%dma_wait3A_291, %dma_wait3A_300, %dma_wait3A_301] : memref<6x16x1024xf32, #tpu.memory_space<vmem>> -> memref<1x16x1024xf32, #tpu.memory_space<vmem>>
    %dma_wait3A_303 = tpu.memref_squeeze %dma_wait3A_302 : memref<1x16x1024xf32, #tpu.memory_space<vmem>> -> memref<16x1024xf32, #tpu.memory_space<vmem>>
    tpu.wait_dma2 semaphore(%arg15 : memref<!tpu.dma_semaphore, #tpu.memory_space<semaphore_mem>>) src(%dma_wait3A_303 : memref<16x1024xf32, #tpu.memory_space<vmem>>) dst(%dma_wait3A_299 : memref<16x1024xf32, #tpu.memory_space<hbm>>)
    %dma_start3A_304 = arith.constant 8 : i32
    %dma_start3A_305 = arith.constant 2 : i32
    %dma_start3A_306 = arith.constant 0 : i32
    %dma_start3A_307 = arith.constant 0 : i32
    %dma_start3A_308 = tpu.memref_slice %arg6[%dma_start3A_305, %dma_start3A_306, %dma_start3A_307] : memref<6x16x1024xf32, #tpu.memory_space<vmem>> -> memref<1x16x1024xf32, #tpu.memory_space<vmem>>
    %dma_start3A_309 = tpu.memref_squeeze %dma_start3A_308 : memref<1x16x1024xf32, #tpu.memory_space<vmem>> -> memref<16x1024xf32, #tpu.memory_space<vmem>>
    %dma_start3A_310 = arith.constant 0 : i32
    %dma_start3A_311 = tpu.memref_slice %arg5[%dma_start3A_304, %dma_start3A_310] : memref<64x16xi32, #tpu.memory_space<vmem>> -> memref<1x16xi32, #tpu.memory_space<vmem>>
    %dma_start3A_312 = tpu.memref_squeeze %dma_start3A_311 : memref<1x16xi32, #tpu.memory_space<vmem>> -> memref<16xi32, #tpu.memory_space<vmem>>
    %dma_start3A_313 = arith.constant 0 : i32
    %dma_start3A_314 = arith.constant 0 : i32
    %dma_start3A_315 = tpu.memref_slice %arg2[%dma_start3A_313, %dma_start3A_314] : memref<8192x1024xf32, #tpu.memory_space<hbm>> -> memref<8192x1024xf32, #tpu.memory_space<hbm>>
    tpu.enqueue_indirect_dma source(%dma_start3A_315 : memref<8192x1024xf32, #tpu.memory_space<hbm>>) target(%dma_start3A_309 : memref<16x1024xf32, #tpu.memory_space<vmem>>) offsets(%dma_start3A_312 : memref<16xi32, #tpu.memory_space<vmem>>) semaphore(%arg9 : memref<!tpu.dma_semaphore, #tpu.memory_space<semaphore_mem>>)
    %scan3A = arith.constant 0 : i32
    %scan3A_316 = arith.constant 1 : i32
    %scan3A_317 = arith.constant 8 : i32
    %scan3A_318 = arith.addi %scan3A_316, %scan3A_317 : i32
    %scan3A_319 = arith.constant 1 : i32
    scf.for %scan3A_870 = %scan3A_316 to %scan3A_318 step %scan3A_319  : i32 {
      %mul3A_871 = arith.constant 6 : i32
      %mul3A_872 = arith.muli %scan3A_870, %mul3A_871 : i32
      %add3A_873 = arith.constant 0 : i32
      %add3A_874 = arith.addi %mul3A_872, %add3A_873 : i32
      %dma_wait3A_875 = arith.constant 0 : i32
      %dma_wait3A_876 = arith.constant 0 : i32
      %dma_wait3A_877 = arith.constant 0 : i32
      %dma_wait3A_878 = tpu.memref_slice %arg6[%dma_wait3A_875, %dma_wait3A_876, %dma_wait3A_877] : memref<6x16x1024xf32, #tpu.memory_space<vmem>> -> memref<1x16x1024xf32, #tpu.memory_space<vmem>>
      %dma_wait3A_879 = tpu.memref_squeeze %dma_wait3A_878 : memref<1x16x1024xf32, #tpu.memory_space<vmem>> -> memref<16x1024xf32, #tpu.memory_space<vmem>>
      %dma_wait3A_880 = arith.constant 0 : i32
      %dma_wait3A_881 = tpu.memref_slice %arg5[%add3A_874, %dma_wait3A_880] : memref<64x16xi32, #tpu.memory_space<vmem>> -> memref<1x16xi32, #tpu.memory_space<vmem>>
      %dma_wait3A_882 = tpu.memref_squeeze %dma_wait3A_881 : memref<1x16xi32, #tpu.memory_space<vmem>> -> memref<16xi32, #tpu.memory_space<vmem>>
      %dma_wait3A_883 = arith.constant 0 : i32
      %dma_wait3A_884 = arith.constant 0 : i32
      %dma_wait3A_885 = tpu.memref_slice %arg2[%dma_wait3A_883, %dma_wait3A_884] : memref<8192x1024xf32, #tpu.memory_space<hbm>> -> memref<8192x1024xf32, #tpu.memory_space<hbm>>
      tpu.wait_indirect_dma semaphore(%arg7 : memref<!tpu.dma_semaphore, #tpu.memory_space<semaphore_mem>>) src(%dma_wait3A_885 : memref<8192x1024xf32, #tpu.memory_space<hbm>>) dst(%dma_wait3A_879 : memref<16x1024xf32, #tpu.memory_space<vmem>>)
      %mul3A_886 = arith.constant 16 : i32
      %mul3A_887 = arith.muli %add3A_874, %mul3A_886 : i32
      %add3A_888 = arith.addi %mul3A_2, %mul3A_887 : i32
      %dma_start3A_889 = arith.constant 0 : i32
      %dma_start3A_890 = arith.constant 0 : i32
      %dma_start3A_891 = arith.constant 0 : i32
      %dma_start3A_892 = tpu.memref_slice %arg6[%dma_start3A_889, %dma_start3A_890, %dma_start3A_891] : memref<6x16x1024xf32, #tpu.memory_space<vmem>> -> memref<1x16x1024xf32, #tpu.memory_space<vmem>>
      %dma_start3A_893 = tpu.memref_squeeze %dma_start3A_892 : memref<1x16x1024xf32, #tpu.memory_space<vmem>> -> memref<16x1024xf32, #tpu.memory_space<vmem>>
      %dma_start3A_894 = arith.constant 0 : i32
      %dma_start3A_895 = tpu.memref_slice %arg4[%add3A_888, %dma_start3A_894] : memref<32768x1024xf32, #tpu.memory_space<hbm>> -> memref<16x1024xf32, #tpu.memory_space<hbm>>
      %dma_start3A_896 = arith.constant 0 : i32
      %dma_start3A_897 = tpu.memref_slice %arg4[%add3A_888, %dma_start3A_896] : memref<32768x1024xf32, #tpu.memory_space<hbm>> -> memref<16x1024xf32, #tpu.memory_space<hbm>>
      %dma_start3A_898 = arith.constant 0 : i32
      %dma_start3A_899 = arith.constant 0 : i32
      %dma_start3A_900 = tpu.memref_slice %arg6[%dma_start3A_889, %dma_start3A_898, %dma_start3A_899] : memref<6x16x1024xf32, #tpu.memory_space<vmem>> -> memref<1x16x1024xf32, #tpu.memory_space<vmem>>
      %dma_start3A_901 = tpu.memref_squeeze %dma_start3A_900 : memref<1x16x1024xf32, #tpu.memory_space<vmem>> -> memref<16x1024xf32, #tpu.memory_space<vmem>>
      tpu.enqueue_dma source(%dma_start3A_901 : memref<16x1024xf32, #tpu.memory_space<vmem>>) target(%dma_start3A_897 : memref<16x1024xf32, #tpu.memory_space<hbm>>) target_semaphore(%arg13 : memref<!tpu.dma_semaphore, #tpu.memory_space<semaphore_mem>>)
      %add3A_902 = arith.constant 3 : i32
      %add3A_903 = arith.addi %add3A_874, %add3A_902 : i32
      %sub3A = arith.constant 6 : i32
      %sub3A_904 = arith.subi %add3A_903, %sub3A : i32
      %mul3A_905 = arith.constant 16 : i32
      %mul3A_906 = arith.muli %sub3A_904, %mul3A_905 : i32
      %add3A_907 = arith.addi %mul3A_2, %mul3A_906 : i32
      %dma_wait3A_908 = arith.constant 3 : i32
      %dma_wait3A_909 = arith.constant 0 : i32
      %dma_wait3A_910 = arith.constant 0 : i32
      %dma_wait3A_911 = tpu.memref_slice %arg6[%dma_wait3A_908, %dma_wait3A_909, %dma_wait3A_910] : memref<6x16x1024xf32, #tpu.memory_space<vmem>> -> memref<1x16x1024xf32, #tpu.memory_space<vmem>>
      %dma_wait3A_912 = tpu.memref_squeeze %dma_wait3A_911 : memref<1x16x1024xf32, #tpu.memory_space<vmem>> -> memref<16x1024xf32, #tpu.memory_space<vmem>>
      %dma_wait3A_913 = arith.constant 0 : i32
      %dma_wait3A_914 = tpu.memref_slice %arg4[%add3A_907, %dma_wait3A_913] : memref<32768x1024xf32, #tpu.memory_space<hbm>> -> memref<16x1024xf32, #tpu.memory_space<hbm>>
      %dma_wait3A_915 = arith.constant 0 : i32
      %dma_wait3A_916 = tpu.memref_slice %arg4[%add3A_907, %dma_wait3A_915] : memref<32768x1024xf32, #tpu.memory_space<hbm>> -> memref<16x1024xf32, #tpu.memory_space<hbm>>
      %dma_wait3A_917 = arith.constant 0 : i32
      %dma_wait3A_918 = arith.constant 0 : i32
      %dma_wait3A_919 = tpu.memref_slice %arg6[%dma_wait3A_908, %dma_wait3A_917, %dma_wait3A_918] : memref<6x16x1024xf32, #tpu.memory_space<vmem>> -> memref<1x16x1024xf32, #tpu.memory_space<vmem>>
      %dma_wait3A_920 = tpu.memref_squeeze %dma_wait3A_919 : memref<1x16x1024xf32, #tpu.memory_space<vmem>> -> memref<16x1024xf32, #tpu.memory_space<vmem>>
      tpu.wait_dma2 semaphore(%arg16 : memref<!tpu.dma_semaphore, #tpu.memory_space<semaphore_mem>>) src(%dma_wait3A_920 : memref<16x1024xf32, #tpu.memory_space<vmem>>) dst(%dma_wait3A_916 : memref<16x1024xf32, #tpu.memory_space<hbm>>)
      %dma_start3A_921 = arith.constant 3 : i32
      %dma_start3A_922 = arith.constant 0 : i32
      %dma_start3A_923 = arith.constant 0 : i32
      %dma_start3A_924 = tpu.memref_slice %arg6[%dma_start3A_921, %dma_start3A_922, %dma_start3A_923] : memref<6x16x1024xf32, #tpu.memory_space<vmem>> -> memref<1x16x1024xf32, #tpu.memory_space<vmem>>
      %dma_start3A_925 = tpu.memref_squeeze %dma_start3A_924 : memref<1x16x1024xf32, #tpu.memory_space<vmem>> -> memref<16x1024xf32, #tpu.memory_space<vmem>>
      %dma_start3A_926 = arith.constant 0 : i32
      %dma_start3A_927 = tpu.memref_slice %arg5[%add3A_903, %dma_start3A_926] : memref<64x16xi32, #tpu.memory_space<vmem>> -> memref<1x16xi32, #tpu.memory_space<vmem>>
      %dma_start3A_928 = tpu.memref_squeeze %dma_start3A_927 : memref<1x16xi32, #tpu.memory_space<vmem>> -> memref<16xi32, #tpu.memory_space<vmem>>
      %dma_start3A_929 = arith.constant 0 : i32
      %dma_start3A_930 = arith.constant 0 : i32
      %dma_start3A_931 = tpu.memref_slice %arg2[%dma_start3A_929, %dma_start3A_930] : memref<8192x1024xf32, #tpu.memory_space<hbm>> -> memref<8192x1024xf32, #tpu.memory_space<hbm>>
      tpu.enqueue_indirect_dma source(%dma_start3A_931 : memref<8192x1024xf32, #tpu.memory_space<hbm>>) target(%dma_start3A_925 : memref<16x1024xf32, #tpu.memory_space<vmem>>) offsets(%dma_start3A_928 : memref<16xi32, #tpu.memory_space<vmem>>) semaphore(%arg10 : memref<!tpu.dma_semaphore, #tpu.memory_space<semaphore_mem>>)
      %mul3A_932 = arith.constant 6 : i32
      %mul3A_933 = arith.muli %scan3A_870, %mul3A_932 : i32
      %add3A_934 = arith.constant 1 : i32
      %add3A_935 = arith.addi %mul3A_933, %add3A_934 : i32
      %dma_wait3A_936 = arith.constant 1 : i32
      %dma_wait3A_937 = arith.constant 0 : i32
      %dma_wait3A_938 = arith.constant 0 : i32
      %dma_wait3A_939 = tpu.memref_slice %arg6[%dma_wait3A_936, %dma_wait3A_937, %dma_wait3A_938] : memref<6x16x1024xf32, #tpu.memory_space<vmem>> -> memref<1x16x1024xf32, #tpu.memory_space<vmem>>
      %dma_wait3A_940 = tpu.memref_squeeze %dma_wait3A_939 : memref<1x16x1024xf32, #tpu.memory_space<vmem>> -> memref<16x1024xf32, #tpu.memory_space<vmem>>
      %dma_wait3A_941 = arith.constant 0 : i32
      %dma_wait3A_942 = tpu.memref_slice %arg5[%add3A_935, %dma_wait3A_941] : memref<64x16xi32, #tpu.memory_space<vmem>> -> memref<1x16xi32, #tpu.memory_space<vmem>>
      %dma_wait3A_943 = tpu.memref_squeeze %dma_wait3A_942 : memref<1x16xi32, #tpu.memory_space<vmem>> -> memref<16xi32, #tpu.memory_space<vmem>>
      %dma_wait3A_944 = arith.constant 0 : i32
      %dma_wait3A_945 = arith.constant 0 : i32
      %dma_wait3A_946 = tpu.memref_slice %arg2[%dma_wait3A_944, %dma_wait3A_945] : memref<8192x1024xf32, #tpu.memory_space<hbm>> -> memref<8192x1024xf32, #tpu.memory_space<hbm>>
      tpu.wait_indirect_dma semaphore(%arg8 : memref<!tpu.dma_semaphore, #tpu.memory_space<semaphore_mem>>) src(%dma_wait3A_946 : memref<8192x1024xf32, #tpu.memory_space<hbm>>) dst(%dma_wait3A_940 : memref<16x1024xf32, #tpu.memory_space<vmem>>)
      %mul3A_947 = arith.constant 16 : i32
      %mul3A_948 = arith.muli %add3A_935, %mul3A_947 : i32
      %add3A_949 = arith.addi %mul3A_2, %mul3A_948 : i32
      %dma_start3A_950 = arith.constant 1 : i32
      %dma_start3A_951 = arith.constant 0 : i32
      %dma_start3A_952 = arith.constant 0 : i32
      %dma_start3A_953 = tpu.memref_slice %arg6[%dma_start3A_950, %dma_start3A_951, %dma_start3A_952] : memref<6x16x1024xf32, #tpu.memory_space<vmem>> -> memref<1x16x1024xf32, #tpu.memory_space<vmem>>
      %dma_start3A_954 = tpu.memref_squeeze %dma_start3A_953 : memref<1x16x1024xf32, #tpu.memory_space<vmem>> -> memref<16x1024xf32, #tpu.memory_space<vmem>>
      %dma_start3A_955 = arith.constant 0 : i32
      %dma_start3A_956 = tpu.memref_slice %arg4[%add3A_949, %dma_start3A_955] : memref<32768x1024xf32, #tpu.memory_space<hbm>> -> memref<16x1024xf32, #tpu.memory_space<hbm>>
      %dma_start3A_957 = arith.constant 0 : i32
      %dma_start3A_958 = tpu.memref_slice %arg4[%add3A_949, %dma_start3A_957] : memref<32768x1024xf32, #tpu.memory_space<hbm>> -> memref<16x1024xf32, #tpu.memory_space<hbm>>
      %dma_start3A_959 = arith.constant 0 : i32
      %dma_start3A_960 = arith.constant 0 : i32
      %dma_start3A_961 = tpu.memref_slice %arg6[%dma_start3A_950, %dma_start3A_959, %dma_start3A_960] : memref<6x16x1024xf32, #tpu.memory_space<vmem>> -> memref<1x16x1024xf32, #tpu.memory_space<vmem>>
      %dma_start3A_962 = tpu.memref_squeeze %dma_start3A_961 : memref<1x16x1024xf32, #tpu.memory_space<vmem>> -> memref<16x1024xf32, #tpu.memory_space<vmem>>
      tpu.enqueue_dma source(%dma_start3A_962 : memref<16x1024xf32, #tpu.memory_space<vmem>>) target(%dma_start3A_958 : memref<16x1024xf32, #tpu.memory_space<hbm>>) target_semaphore(%arg14 : memref<!tpu.dma_semaphore, #tpu.memory_space<semaphore_mem>>)
      %add3A_963 = arith.constant 3 : i32
      %add3A_964 = arith.addi %add3A_935, %add3A_963 : i32
      %sub3A_965 = arith.constant 6 : i32
      %sub3A_966 = arith.subi %add3A_964, %sub3A_965 : i32
      %mul3A_967 = arith.constant 16 : i32
      %mul3A_968 = arith.muli %sub3A_966, %mul3A_967 : i32
      %add3A_969 = arith.addi %mul3A_2, %mul3A_968 : i32
      %dma_wait3A_970 = arith.constant 4 : i32
      %dma_wait3A_971 = arith.constant 0 : i32
      %dma_wait3A_972 = arith.constant 0 : i32
      %dma_wait3A_973 = tpu.memref_slice %arg6[%dma_wait3A_970, %dma_wait3A_971, %dma_wait3A_972] : memref<6x16x1024xf32, #tpu.memory_space<vmem>> -> memref<1x16x1024xf32, #tpu.memory_space<vmem>>
      %dma_wait3A_974 = tpu.memref_squeeze %dma_wait3A_973 : memref<1x16x1024xf32, #tpu.memory_space<vmem>> -> memref<16x1024xf32, #tpu.memory_space<vmem>>
      %dma_wait3A_975 = arith.constant 0 : i32
      %dma_wait3A_976 = tpu.memref_slice %arg4[%add3A_969, %dma_wait3A_975] : memref<32768x1024xf32, #tpu.memory_space<hbm>> -> memref<16x1024xf32, #tpu.memory_space<hbm>>
      %dma_wait3A_977 = arith.constant 0 : i32
      %dma_wait3A_978 = tpu.memref_slice %arg4[%add3A_969, %dma_wait3A_977] : memref<32768x1024xf32, #tpu.memory_space<hbm>> -> memref<16x1024xf32, #tpu.memory_space<hbm>>
      %dma_wait3A_979 = arith.constant 0 : i32
      %dma_wait3A_980 = arith.constant 0 : i32
      %dma_wait3A_981 = tpu.memref_slice %arg6[%dma_wait3A_970, %dma_wait3A_979, %dma_wait3A_980] : memref<6x16x1024xf32, #tpu.memory_space<vmem>> -> memref<1x16x1024xf32, #tpu.memory_space<vmem>>
      %dma_wait3A_982 = tpu.memref_squeeze %dma_wait3A_981 : memref<1x16x1024xf32, #tpu.memory_space<vmem>> -> memref<16x1024xf32, #tpu.memory_space<vmem>>
      tpu.wait_dma2 semaphore(%arg17 : memref<!tpu.dma_semaphore, #tpu.memory_space<semaphore_mem>>) src(%dma_wait3A_982 : memref<16x1024xf32, #tpu.memory_space<vmem>>) dst(%dma_wait3A_978 : memref<16x1024xf32, #tpu.memory_space<hbm>>)
      %dma_start3A_983 = arith.constant 4 : i32
      %dma_start3A_984 = arith.constant 0 : i32
      %dma_start3A_985 = arith.constant 0 : i32
      %dma_start3A_986 = tpu.memref_slice %arg6[%dma_start3A_983, %dma_start3A_984, %dma_start3A_985] : memref<6x16x1024xf32, #tpu.memory_space<vmem>> -> memref<1x16x1024xf32, #tpu.memory_space<vmem>>
      %dma_start3A_987 = tpu.memref_squeeze %dma_start3A_986 : memref<1x16x1024xf32, #tpu.memory_space<vmem>> -> memref<16x1024xf32, #tpu.memory_space<vmem>>
      %dma_start3A_988 = arith.constant 0 : i32
      %dma_start3A_989 = tpu.memref_slice %arg5[%add3A_964, %dma_start3A_988] : memref<64x16xi32, #tpu.memory_space<vmem>> -> memref<1x16xi32, #tpu.memory_space<vmem>>
      %dma_start3A_990 = tpu.memref_squeeze %dma_start3A_989 : memref<1x16xi32, #tpu.memory_space<vmem>> -> memref<16xi32, #tpu.memory_space<vmem>>
      %dma_start3A_991 = arith.constant 0 : i32
      %dma_start3A_992 = arith.constant 0 : i32
      %dma_start3A_993 = tpu.memref_slice %arg2[%dma_start3A_991, %dma_start3A_992] : memref<8192x1024xf32, #tpu.memory_space<hbm>> -> memref<8192x1024xf32, #tpu.memory_space<hbm>>
      tpu.enqueue_indirect_dma source(%dma_start3A_993 : memref<8192x1024xf32, #tpu.memory_space<hbm>>) target(%dma_start3A_987 : memref<16x1024xf32, #tpu.memory_space<vmem>>) offsets(%dma_start3A_990 : memref<16xi32, #tpu.memory_space<vmem>>) semaphore(%arg11 : memref<!tpu.dma_semaphore, #tpu.memory_space<semaphore_mem>>)
      %mul3A_994 = arith.constant 6 : i32
      %mul3A_995 = arith.muli %scan3A_870, %mul3A_994 : i32
      %add3A_996 = arith.constant 2 : i32
      %add3A_997 = arith.addi %mul3A_995, %add3A_996 : i32
      %dma_wait3A_998 = arith.constant 2 : i32
      %dma_wait3A_999 = arith.constant 0 : i32
      %dma_wait3A_1000 = arith.constant 0 : i32
      %dma_wait3A_1001 = tpu.memref_slice %arg6[%dma_wait3A_998, %dma_wait3A_999, %dma_wait3A_1000] : memref<6x16x1024xf32, #tpu.memory_space<vmem>> -> memref<1x16x1024xf32, #tpu.memory_space<vmem>>
      %dma_wait3A_1002 = tpu.memref_squeeze %dma_wait3A_1001 : memref<1x16x1024xf32, #tpu.memory_space<vmem>> -> memref<16x1024xf32, #tpu.memory_space<vmem>>
      %dma_wait3A_1003 = arith.constant 0 : i32
      %dma_wait3A_1004 = tpu.memref_slice %arg5[%add3A_997, %dma_wait3A_1003] : memref<64x16xi32, #tpu.memory_space<vmem>> -> memref<1x16xi32, #tpu.memory_space<vmem>>
      %dma_wait3A_1005 = tpu.memref_squeeze %dma_wait3A_1004 : memref<1x16xi32, #tpu.memory_space<vmem>> -> memref<16xi32, #tpu.memory_space<vmem>>
      %dma_wait3A_1006 = arith.constant 0 : i32
      %dma_wait3A_1007 = arith.constant 0 : i32
      %dma_wait3A_1008 = tpu.memref_slice %arg2[%dma_wait3A_1006, %dma_wait3A_1007] : memref<8192x1024xf32, #tpu.memory_space<hbm>> -> memref<8192x1024xf32, #tpu.memory_space<hbm>>
      tpu.wait_indirect_dma semaphore(%arg9 : memref<!tpu.dma_semaphore, #tpu.memory_space<semaphore_mem>>) src(%dma_wait3A_1008 : memref<8192x1024xf32, #tpu.memory_space<hbm>>) dst(%dma_wait3A_1002 : memref<16x1024xf32, #tpu.memory_space<vmem>>)
      %mul3A_1009 = arith.constant 16 : i32
      %mul3A_1010 = arith.muli %add3A_997, %mul3A_1009 : i32
      %add3A_1011 = arith.addi %mul3A_2, %mul3A_1010 : i32
      %dma_start3A_1012 = arith.constant 2 : i32
      %dma_start3A_1013 = arith.constant 0 : i32
      %dma_start3A_1014 = arith.constant 0 : i32
      %dma_start3A_1015 = tpu.memref_slice %arg6[%dma_start3A_1012, %dma_start3A_1013, %dma_start3A_1014] : memref<6x16x1024xf32, #tpu.memory_space<vmem>> -> memref<1x16x1024xf32, #tpu.memory_space<vmem>>
      %dma_start3A_1016 = tpu.memref_squeeze %dma_start3A_1015 : memref<1x16x1024xf32, #tpu.memory_space<vmem>> -> memref<16x1024xf32, #tpu.memory_space<vmem>>
      %dma_start3A_1017 = arith.constant 0 : i32
      %dma_start3A_1018 = tpu.memref_slice %arg4[%add3A_1011, %dma_start3A_1017] : memref<32768x1024xf32, #tpu.memory_space<hbm>> -> memref<16x1024xf32, #tpu.memory_space<hbm>>
      %dma_start3A_1019 = arith.constant 0 : i32
      %dma_start3A_1020 = tpu.memref_slice %arg4[%add3A_1011, %dma_start3A_1019] : memref<32768x1024xf32, #tpu.memory_space<hbm>> -> memref<16x1024xf32, #tpu.memory_space<hbm>>
      %dma_start3A_1021 = arith.constant 0 : i32
      %dma_start3A_1022 = arith.constant 0 : i32
      %dma_start3A_1023 = tpu.memref_slice %arg6[%dma_start3A_1012, %dma_start3A_1021, %dma_start3A_1022] : memref<6x16x1024xf32, #tpu.memory_space<vmem>> -> memref<1x16x1024xf32, #tpu.memory_space<vmem>>
      %dma_start3A_1024 = tpu.memref_squeeze %dma_start3A_1023 : memref<1x16x1024xf32, #tpu.memory_space<vmem>> -> memref<16x1024xf32, #tpu.memory_space<vmem>>
      tpu.enqueue_dma source(%dma_start3A_1024 : memref<16x1024xf32, #tpu.memory_space<vmem>>) target(%dma_start3A_1020 : memref<16x1024xf32, #tpu.memory_space<hbm>>) target_semaphore(%arg15 : memref<!tpu.dma_semaphore, #tpu.memory_space<semaphore_mem>>)
      %add3A_1025 = arith.constant 3 : i32
      %add3A_1026 = arith.addi %add3A_997, %add3A_1025 : i32
      %sub3A_1027 = arith.constant 6 : i32
      %sub3A_1028 = arith.subi %add3A_1026, %sub3A_1027 : i32
      %mul3A_1029 = arith.constant 16 : i32
      %mul3A_1030 = arith.muli %sub3A_1028, %mul3A_1029 : i32
      %add3A_1031 = arith.addi %mul3A_2, %mul3A_1030 : i32
      %dma_wait3A_1032 = arith.constant 5 : i32
      %dma_wait3A_1033 = arith.constant 0 : i32
      %dma_wait3A_1034 = arith.constant 0 : i32
      %dma_wait3A_1035 = tpu.memref_slice %arg6[%dma_wait3A_1032, %dma_wait3A_1033, %dma_wait3A_1034] : memref<6x16x1024xf32, #tpu.memory_space<vmem>> -> memref<1x16x1024xf32, #tpu.memory_space<vmem>>
      %dma_wait3A_1036 = tpu.memref_squeeze %dma_wait3A_1035 : memref<1x16x1024xf32, #tpu.memory_space<vmem>> -> memref<16x1024xf32, #tpu.memory_space<vmem>>
      %dma_wait3A_1037 = arith.constant 0 : i32
      %dma_wait3A_1038 = tpu.memref_slice %arg4[%add3A_1031, %dma_wait3A_1037] : memref<32768x1024xf32, #tpu.memory_space<hbm>> -> memref<16x1024xf32, #tpu.memory_space<hbm>>
      %dma_wait3A_1039 = arith.constant 0 : i32
      %dma_wait3A_1040 = tpu.memref_slice %arg4[%add3A_1031, %dma_wait3A_1039] : memref<32768x1024xf32, #tpu.memory_space<hbm>> -> memref<16x1024xf32, #tpu.memory_space<hbm>>
      %dma_wait3A_1041 = arith.constant 0 : i32
      %dma_wait3A_1042 = arith.constant 0 : i32
      %dma_wait3A_1043 = tpu.memref_slice %arg6[%dma_wait3A_1032, %dma_wait3A_1041, %dma_wait3A_1042] : memref<6x16x1024xf32, #tpu.memory_space<vmem>> -> memref<1x16x1024xf32, #tpu.memory_space<vmem>>
      %dma_wait3A_1044 = tpu.memref_squeeze %dma_wait3A_1043 : memref<1x16x1024xf32, #tpu.memory_space<vmem>> -> memref<16x1024xf32, #tpu.memory_space<vmem>>
      tpu.wait_dma2 semaphore(%arg18 : memref<!tpu.dma_semaphore, #tpu.memory_space<semaphore_mem>>) src(%dma_wait3A_1044 : memref<16x1024xf32, #tpu.memory_space<vmem>>) dst(%dma_wait3A_1040 : memref<16x1024xf32, #tpu.memory_space<hbm>>)
      %dma_start3A_1045 = arith.constant 5 : i32
      %dma_start3A_1046 = arith.constant 0 : i32
      %dma_start3A_1047 = arith.constant 0 : i32
      %dma_start3A_1048 = tpu.memref_slice %arg6[%dma_start3A_1045, %dma_start3A_1046, %dma_start3A_1047] : memref<6x16x1024xf32, #tpu.memory_space<vmem>> -> memref<1x16x1024xf32, #tpu.memory_space<vmem>>
      %dma_start3A_1049 = tpu.memref_squeeze %dma_start3A_1048 : memref<1x16x1024xf32, #tpu.memory_space<vmem>> -> memref<16x1024xf32, #tpu.memory_space<vmem>>
      %dma_start3A_1050 = arith.constant 0 : i32
      %dma_start3A_1051 = tpu.memref_slice %arg5[%add3A_1026, %dma_start3A_1050] : memref<64x16xi32, #tpu.memory_space<vmem>> -> memref<1x16xi32, #tpu.memory_space<vmem>>
      %dma_start3A_1052 = tpu.memref_squeeze %dma_start3A_1051 : memref<1x16xi32, #tpu.memory_space<vmem>> -> memref<16xi32, #tpu.memory_space<vmem>>
      %dma_start3A_1053 = arith.constant 0 : i32
      %dma_start3A_1054 = arith.constant 0 : i32
      %dma_start3A_1055 = tpu.memref_slice %arg2[%dma_start3A_1053, %dma_start3A_1054] : memref<8192x1024xf32, #tpu.memory_space<hbm>> -> memref<8192x1024xf32, #tpu.memory_space<hbm>>
      tpu.enqueue_indirect_dma source(%dma_start3A_1055 : memref<8192x1024xf32, #tpu.memory_space<hbm>>) target(%dma_start3A_1049 : memref<16x1024xf32, #tpu.memory_space<vmem>>) offsets(%dma_start3A_1052 : memref<16xi32, #tpu.memory_space<vmem>>) semaphore(%arg12 : memref<!tpu.dma_semaphore, #tpu.memory_space<semaphore_mem>>)
      %mul3A_1056 = arith.constant 6 : i32
      %mul3A_1057 = arith.muli %scan3A_870, %mul3A_1056 : i32
      %add3A_1058 = arith.constant 3 : i32
      %add3A_1059 = arith.addi %mul3A_1057, %add3A_1058 : i32
      %dma_wait3A_1060 = arith.constant 3 : i32
      %dma_wait3A_1061 = arith.constant 0 : i32
      %dma_wait3A_1062 = arith.constant 0 : i32
      %dma_wait3A_1063 = tpu.memref_slice %arg6[%dma_wait3A_1060, %dma_wait3A_1061, %dma_wait3A_1062] : memref<6x16x1024xf32, #tpu.memory_space<vmem>> -> memref<1x16x1024xf32, #tpu.memory_space<vmem>>
      %dma_wait3A_1064 = tpu.memref_squeeze %dma_wait3A_1063 : memref<1x16x1024xf32, #tpu.memory_space<vmem>> -> memref<16x1024xf32, #tpu.memory_space<vmem>>
      %dma_wait3A_1065 = arith.constant 0 : i32
      %dma_wait3A_1066 = tpu.memref_slice %arg5[%add3A_1059, %dma_wait3A_1065] : memref<64x16xi32, #tpu.memory_space<vmem>> -> memref<1x16xi32, #tpu.memory_space<vmem>>
      %dma_wait3A_1067 = tpu.memref_squeeze %dma_wait3A_1066 : memref<1x16xi32, #tpu.memory_space<vmem>> -> memref<16xi32, #tpu.memory_space<vmem>>
      %dma_wait3A_1068 = arith.constant 0 : i32
      %dma_wait3A_1069 = arith.constant 0 : i32
      %dma_wait3A_1070 = tpu.memref_slice %arg2[%dma_wait3A_1068, %dma_wait3A_1069] : memref<8192x1024xf32, #tpu.memory_space<hbm>> -> memref<8192x1024xf32, #tpu.memory_space<hbm>>
      tpu.wait_indirect_dma semaphore(%arg10 : memref<!tpu.dma_semaphore, #tpu.memory_space<semaphore_mem>>) src(%dma_wait3A_1070 : memref<8192x1024xf32, #tpu.memory_space<hbm>>) dst(%dma_wait3A_1064 : memref<16x1024xf32, #tpu.memory_space<vmem>>)
      %mul3A_1071 = arith.constant 16 : i32
      %mul3A_1072 = arith.muli %add3A_1059, %mul3A_1071 : i32
      %add3A_1073 = arith.addi %mul3A_2, %mul3A_1072 : i32
      %dma_start3A_1074 = arith.constant 3 : i32
      %dma_start3A_1075 = arith.constant 0 : i32
      %dma_start3A_1076 = arith.constant 0 : i32
      %dma_start3A_1077 = tpu.memref_slice %arg6[%dma_start3A_1074, %dma_start3A_1075, %dma_start3A_1076] : memref<6x16x1024xf32, #tpu.memory_space<vmem>> -> memref<1x16x1024xf32, #tpu.memory_space<vmem>>
      %dma_start3A_1078 = tpu.memref_squeeze %dma_start3A_1077 : memref<1x16x1024xf32, #tpu.memory_space<vmem>> -> memref<16x1024xf32, #tpu.memory_space<vmem>>
      %dma_start3A_1079 = arith.constant 0 : i32
      %dma_start3A_1080 = tpu.memref_slice %arg4[%add3A_1073, %dma_start3A_1079] : memref<32768x1024xf32, #tpu.memory_space<hbm>> -> memref<16x1024xf32, #tpu.memory_space<hbm>>
      %dma_start3A_1081 = arith.constant 0 : i32
      %dma_start3A_1082 = tpu.memref_slice %arg4[%add3A_1073, %dma_start3A_1081] : memref<32768x1024xf32, #tpu.memory_space<hbm>> -> memref<16x1024xf32, #tpu.memory_space<hbm>>
      %dma_start3A_1083 = arith.constant 0 : i32
      %dma_start3A_1084 = arith.constant 0 : i32
      %dma_start3A_1085 = tpu.memref_slice %arg6[%dma_start3A_1074, %dma_start3A_1083, %dma_start3A_1084] : memref<6x16x1024xf32, #tpu.memory_space<vmem>> -> memref<1x16x1024xf32, #tpu.memory_space<vmem>>
      %dma_start3A_1086 = tpu.memref_squeeze %dma_start3A_1085 : memref<1x16x1024xf32, #tpu.memory_space<vmem>> -> memref<16x1024xf32, #tpu.memory_space<vmem>>
      tpu.enqueue_dma source(%dma_start3A_1086 : memref<16x1024xf32, #tpu.memory_space<vmem>>) target(%dma_start3A_1082 : memref<16x1024xf32, #tpu.memory_space<hbm>>) target_semaphore(%arg16 : memref<!tpu.dma_semaphore, #tpu.memory_space<semaphore_mem>>)
      %add3A_1087 = arith.constant 3 : i32
      %add3A_1088 = arith.addi %add3A_1059, %add3A_1087 : i32
      %sub3A_1089 = arith.constant 6 : i32
      %sub3A_1090 = arith.subi %add3A_1088, %sub3A_1089 : i32
      %mul3A_1091 = arith.constant 16 : i32
      %mul3A_1092 = arith.muli %sub3A_1090, %mul3A_1091 : i32
      %add3A_1093 = arith.addi %mul3A_2, %mul3A_1092 : i32
      %dma_wait3A_1094 = arith.constant 0 : i32
      %dma_wait3A_1095 = arith.constant 0 : i32
      %dma_wait3A_1096 = arith.constant 0 : i32
      %dma_wait3A_1097 = tpu.memref_slice %arg6[%dma_wait3A_1094, %dma_wait3A_1095, %dma_wait3A_1096] : memref<6x16x1024xf32, #tpu.memory_space<vmem>> -> memref<1x16x1024xf32, #tpu.memory_space<vmem>>
      %dma_wait3A_1098 = tpu.memref_squeeze %dma_wait3A_1097 : memref<1x16x1024xf32, #tpu.memory_space<vmem>> -> memref<16x1024xf32, #tpu.memory_space<vmem>>
      %dma_wait3A_1099 = arith.constant 0 : i32
      %dma_wait3A_1100 = tpu.memref_slice %arg4[%add3A_1093, %dma_wait3A_1099] : memref<32768x1024xf32, #tpu.memory_space<hbm>> -> memref<16x1024xf32, #tpu.memory_space<hbm>>
      %dma_wait3A_1101 = arith.constant 0 : i32
      %dma_wait3A_1102 = tpu.memref_slice %arg4[%add3A_1093, %dma_wait3A_1101] : memref<32768x1024xf32, #tpu.memory_space<hbm>> -> memref<16x1024xf32, #tpu.memory_space<hbm>>
      %dma_wait3A_1103 = arith.constant 0 : i32
      %dma_wait3A_1104 = arith.constant 0 : i32
      %dma_wait3A_1105 = tpu.memref_slice %arg6[%dma_wait3A_1094, %dma_wait3A_1103, %dma_wait3A_1104] : memref<6x16x1024xf32, #tpu.memory_space<vmem>> -> memref<1x16x1024xf32, #tpu.memory_space<vmem>>
      %dma_wait3A_1106 = tpu.memref_squeeze %dma_wait3A_1105 : memref<1x16x1024xf32, #tpu.memory_space<vmem>> -> memref<16x1024xf32, #tpu.memory_space<vmem>>
      tpu.wait_dma2 semaphore(%arg13 : memref<!tpu.dma_semaphore, #tpu.memory_space<semaphore_mem>>) src(%dma_wait3A_1106 : memref<16x1024xf32, #tpu.memory_space<vmem>>) dst(%dma_wait3A_1102 : memref<16x1024xf32, #tpu.memory_space<hbm>>)
      %dma_start3A_1107 = arith.constant 0 : i32
      %dma_start3A_1108 = arith.constant 0 : i32
      %dma_start3A_1109 = arith.constant 0 : i32
      %dma_start3A_1110 = tpu.memref_slice %arg6[%dma_start3A_1107, %dma_start3A_1108, %dma_start3A_1109] : memref<6x16x1024xf32, #tpu.memory_space<vmem>> -> memref<1x16x1024xf32, #tpu.memory_space<vmem>>
      %dma_start3A_1111 = tpu.memref_squeeze %dma_start3A_1110 : memref<1x16x1024xf32, #tpu.memory_space<vmem>> -> memref<16x1024xf32, #tpu.memory_space<vmem>>
      %dma_start3A_1112 = arith.constant 0 : i32
      %dma_start3A_1113 = tpu.memref_slice %arg5[%add3A_1088, %dma_start3A_1112] : memref<64x16xi32, #tpu.memory_space<vmem>> -> memref<1x16xi32, #tpu.memory_space<vmem>>
      %dma_start3A_1114 = tpu.memref_squeeze %dma_start3A_1113 : memref<1x16xi32, #tpu.memory_space<vmem>> -> memref<16xi32, #tpu.memory_space<vmem>>
      %dma_start3A_1115 = arith.constant 0 : i32
      %dma_start3A_1116 = arith.constant 0 : i32
      %dma_start3A_1117 = tpu.memref_slice %arg2[%dma_start3A_1115, %dma_start3A_1116] : memref<8192x1024xf32, #tpu.memory_space<hbm>> -> memref<8192x1024xf32, #tpu.memory_space<hbm>>
      tpu.enqueue_indirect_dma source(%dma_start3A_1117 : memref<8192x1024xf32, #tpu.memory_space<hbm>>) target(%dma_start3A_1111 : memref<16x1024xf32, #tpu.memory_space<vmem>>) offsets(%dma_start3A_1114 : memref<16xi32, #tpu.memory_space<vmem>>) semaphore(%arg7 : memref<!tpu.dma_semaphore, #tpu.memory_space<semaphore_mem>>)
      %mul3A_1118 = arith.constant 6 : i32
      %mul3A_1119 = arith.muli %scan3A_870, %mul3A_1118 : i32
      %add3A_1120 = arith.constant 4 : i32
      %add3A_1121 = arith.addi %mul3A_1119, %add3A_1120 : i32
      %dma_wait3A_1122 = arith.constant 4 : i32
      %dma_wait3A_1123 = arith.constant 0 : i32
      %dma_wait3A_1124 = arith.constant 0 : i32
      %dma_wait3A_1125 = tpu.memref_slice %arg6[%dma_wait3A_1122, %dma_wait3A_1123, %dma_wait3A_1124] : memref<6x16x1024xf32, #tpu.memory_space<vmem>> -> memref<1x16x1024xf32, #tpu.memory_space<vmem>>
      %dma_wait3A_1126 = tpu.memref_squeeze %dma_wait3A_1125 : memref<1x16x1024xf32, #tpu.memory_space<vmem>> -> memref<16x1024xf32, #tpu.memory_space<vmem>>
      %dma_wait3A_1127 = arith.constant 0 : i32
      %dma_wait3A_1128 = tpu.memref_slice %arg5[%add3A_1121, %dma_wait3A_1127] : memref<64x16xi32, #tpu.memory_space<vmem>> -> memref<1x16xi32, #tpu.memory_space<vmem>>
      %dma_wait3A_1129 = tpu.memref_squeeze %dma_wait3A_1128 : memref<1x16xi32, #tpu.memory_space<vmem>> -> memref<16xi32, #tpu.memory_space<vmem>>
      %dma_wait3A_1130 = arith.constant 0 : i32
      %dma_wait3A_1131 = arith.constant 0 : i32
      %dma_wait3A_1132 = tpu.memref_slice %arg2[%dma_wait3A_1130, %dma_wait3A_1131] : memref<8192x1024xf32, #tpu.memory_space<hbm>> -> memref<8192x1024xf32, #tpu.memory_space<hbm>>
      tpu.wait_indirect_dma semaphore(%arg11 : memref<!tpu.dma_semaphore, #tpu.memory_space<semaphore_mem>>) src(%dma_wait3A_1132 : memref<8192x1024xf32, #tpu.memory_space<hbm>>) dst(%dma_wait3A_1126 : memref<16x1024xf32, #tpu.memory_space<vmem>>)
      %mul3A_1133 = arith.constant 16 : i32
      %mul3A_1134 = arith.muli %add3A_1121, %mul3A_1133 : i32
      %add3A_1135 = arith.addi %mul3A_2, %mul3A_1134 : i32
      %dma_start3A_1136 = arith.constant 4 : i32
      %dma_start3A_1137 = arith.constant 0 : i32
      %dma_start3A_1138 = arith.constant 0 : i32
      %dma_start3A_1139 = tpu.memref_slice %arg6[%dma_start3A_1136, %dma_start3A_1137, %dma_start3A_1138] : memref<6x16x1024xf32, #tpu.memory_space<vmem>> -> memref<1x16x1024xf32, #tpu.memory_space<vmem>>
      %dma_start3A_1140 = tpu.memref_squeeze %dma_start3A_1139 : memref<1x16x1024xf32, #tpu.memory_space<vmem>> -> memref<16x1024xf32, #tpu.memory_space<vmem>>
      %dma_start3A_1141 = arith.constant 0 : i32
      %dma_start3A_1142 = tpu.memref_slice %arg4[%add3A_1135, %dma_start3A_1141] : memref<32768x1024xf32, #tpu.memory_space<hbm>> -> memref<16x1024xf32, #tpu.memory_space<hbm>>
      %dma_start3A_1143 = arith.constant 0 : i32
      %dma_start3A_1144 = tpu.memref_slice %arg4[%add3A_1135, %dma_start3A_1143] : memref<32768x1024xf32, #tpu.memory_space<hbm>> -> memref<16x1024xf32, #tpu.memory_space<hbm>>
      %dma_start3A_1145 = arith.constant 0 : i32
      %dma_start3A_1146 = arith.constant 0 : i32
      %dma_start3A_1147 = tpu.memref_slice %arg6[%dma_start3A_1136, %dma_start3A_1145, %dma_start3A_1146] : memref<6x16x1024xf32, #tpu.memory_space<vmem>> -> memref<1x16x1024xf32, #tpu.memory_space<vmem>>
      %dma_start3A_1148 = tpu.memref_squeeze %dma_start3A_1147 : memref<1x16x1024xf32, #tpu.memory_space<vmem>> -> memref<16x1024xf32, #tpu.memory_space<vmem>>
      tpu.enqueue_dma source(%dma_start3A_1148 : memref<16x1024xf32, #tpu.memory_space<vmem>>) target(%dma_start3A_1144 : memref<16x1024xf32, #tpu.memory_space<hbm>>) target_semaphore(%arg17 : memref<!tpu.dma_semaphore, #tpu.memory_space<semaphore_mem>>)
      %add3A_1149 = arith.constant 3 : i32
      %add3A_1150 = arith.addi %add3A_1121, %add3A_1149 : i32
      %sub3A_1151 = arith.constant 6 : i32
      %sub3A_1152 = arith.subi %add3A_1150, %sub3A_1151 : i32
      %mul3A_1153 = arith.constant 16 : i32
      %mul3A_1154 = arith.muli %sub3A_1152, %mul3A_1153 : i32
      %add3A_1155 = arith.addi %mul3A_2, %mul3A_1154 : i32
      %dma_wait3A_1156 = arith.constant 1 : i32
      %dma_wait3A_1157 = arith.constant 0 : i32
      %dma_wait3A_1158 = arith.constant 0 : i32
      %dma_wait3A_1159 = tpu.memref_slice %arg6[%dma_wait3A_1156, %dma_wait3A_1157, %dma_wait3A_1158] : memref<6x16x1024xf32, #tpu.memory_space<vmem>> -> memref<1x16x1024xf32, #tpu.memory_space<vmem>>
      %dma_wait3A_1160 = tpu.memref_squeeze %dma_wait3A_1159 : memref<1x16x1024xf32, #tpu.memory_space<vmem>> -> memref<16x1024xf32, #tpu.memory_space<vmem>>
      %dma_wait3A_1161 = arith.constant 0 : i32
      %dma_wait3A_1162 = tpu.memref_slice %arg4[%add3A_1155, %dma_wait3A_1161] : memref<32768x1024xf32, #tpu.memory_space<hbm>> -> memref<16x1024xf32, #tpu.memory_space<hbm>>
      %dma_wait3A_1163 = arith.constant 0 : i32
      %dma_wait3A_1164 = tpu.memref_slice %arg4[%add3A_1155, %dma_wait3A_1163] : memref<32768x1024xf32, #tpu.memory_space<hbm>> -> memref<16x1024xf32, #tpu.memory_space<hbm>>
      %dma_wait3A_1165 = arith.constant 0 : i32
      %dma_wait3A_1166 = arith.constant 0 : i32
      %dma_wait3A_1167 = tpu.memref_slice %arg6[%dma_wait3A_1156, %dma_wait3A_1165, %dma_wait3A_1166] : memref<6x16x1024xf32, #tpu.memory_space<vmem>> -> memref<1x16x1024xf32, #tpu.memory_space<vmem>>
      %dma_wait3A_1168 = tpu.memref_squeeze %dma_wait3A_1167 : memref<1x16x1024xf32, #tpu.memory_space<vmem>> -> memref<16x1024xf32, #tpu.memory_space<vmem>>
      tpu.wait_dma2 semaphore(%arg14 : memref<!tpu.dma_semaphore, #tpu.memory_space<semaphore_mem>>) src(%dma_wait3A_1168 : memref<16x1024xf32, #tpu.memory_space<vmem>>) dst(%dma_wait3A_1164 : memref<16x1024xf32, #tpu.memory_space<hbm>>)
      %dma_start3A_1169 = arith.constant 1 : i32
      %dma_start3A_1170 = arith.constant 0 : i32
      %dma_start3A_1171 = arith.constant 0 : i32
      %dma_start3A_1172 = tpu.memref_slice %arg6[%dma_start3A_1169, %dma_start3A_1170, %dma_start3A_1171] : memref<6x16x1024xf32, #tpu.memory_space<vmem>> -> memref<1x16x1024xf32, #tpu.memory_space<vmem>>
      %dma_start3A_1173 = tpu.memref_squeeze %dma_start3A_1172 : memref<1x16x1024xf32, #tpu.memory_space<vmem>> -> memref<16x1024xf32, #tpu.memory_space<vmem>>
      %dma_start3A_1174 = arith.constant 0 : i32
      %dma_start3A_1175 = tpu.memref_slice %arg5[%add3A_1150, %dma_start3A_1174] : memref<64x16xi32, #tpu.memory_space<vmem>> -> memref<1x16xi32, #tpu.memory_space<vmem>>
      %dma_start3A_1176 = tpu.memref_squeeze %dma_start3A_1175 : memref<1x16xi32, #tpu.memory_space<vmem>> -> memref<16xi32, #tpu.memory_space<vmem>>
      %dma_start3A_1177 = arith.constant 0 : i32
      %dma_start3A_1178 = arith.constant 0 : i32
      %dma_start3A_1179 = tpu.memref_slice %arg2[%dma_start3A_1177, %dma_start3A_1178] : memref<8192x1024xf32, #tpu.memory_space<hbm>> -> memref<8192x1024xf32, #tpu.memory_space<hbm>>
      tpu.enqueue_indirect_dma source(%dma_start3A_1179 : memref<8192x1024xf32, #tpu.memory_space<hbm>>) target(%dma_start3A_1173 : memref<16x1024xf32, #tpu.memory_space<vmem>>) offsets(%dma_start3A_1176 : memref<16xi32, #tpu.memory_space<vmem>>) semaphore(%arg8 : memref<!tpu.dma_semaphore, #tpu.memory_space<semaphore_mem>>)
      %mul3A_1180 = arith.constant 6 : i32
      %mul3A_1181 = arith.muli %scan3A_870, %mul3A_1180 : i32
      %add3A_1182 = arith.constant 5 : i32
      %add3A_1183 = arith.addi %mul3A_1181, %add3A_1182 : i32
      %dma_wait3A_1184 = arith.constant 5 : i32
      %dma_wait3A_1185 = arith.constant 0 : i32
      %dma_wait3A_1186 = arith.constant 0 : i32
      %dma_wait3A_1187 = tpu.memref_slice %arg6[%dma_wait3A_1184, %dma_wait3A_1185, %dma_wait3A_1186] : memref<6x16x1024xf32, #tpu.memory_space<vmem>> -> memref<1x16x1024xf32, #tpu.memory_space<vmem>>
      %dma_wait3A_1188 = tpu.memref_squeeze %dma_wait3A_1187 : memref<1x16x1024xf32, #tpu.memory_space<vmem>> -> memref<16x1024xf32, #tpu.memory_space<vmem>>
      %dma_wait3A_1189 = arith.constant 0 : i32
      %dma_wait3A_1190 = tpu.memref_slice %arg5[%add3A_1183, %dma_wait3A_1189] : memref<64x16xi32, #tpu.memory_space<vmem>> -> memref<1x16xi32, #tpu.memory_space<vmem>>
      %dma_wait3A_1191 = tpu.memref_squeeze %dma_wait3A_1190 : memref<1x16xi32, #tpu.memory_space<vmem>> -> memref<16xi32, #tpu.memory_space<vmem>>
      %dma_wait3A_1192 = arith.constant 0 : i32
      %dma_wait3A_1193 = arith.constant 0 : i32
      %dma_wait3A_1194 = tpu.memref_slice %arg2[%dma_wait3A_1192, %dma_wait3A_1193] : memref<8192x1024xf32, #tpu.memory_space<hbm>> -> memref<8192x1024xf32, #tpu.memory_space<hbm>>
      tpu.wait_indirect_dma semaphore(%arg12 : memref<!tpu.dma_semaphore, #tpu.memory_space<semaphore_mem>>) src(%dma_wait3A_1194 : memref<8192x1024xf32, #tpu.memory_space<hbm>>) dst(%dma_wait3A_1188 : memref<16x1024xf32, #tpu.memory_space<vmem>>)
      %mul3A_1195 = arith.constant 16 : i32
      %mul3A_1196 = arith.muli %add3A_1183, %mul3A_1195 : i32
      %add3A_1197 = arith.addi %mul3A_2, %mul3A_1196 : i32
      %dma_start3A_1198 = arith.constant 5 : i32
      %dma_start3A_1199 = arith.constant 0 : i32
      %dma_start3A_1200 = arith.constant 0 : i32
      %dma_start3A_1201 = tpu.memref_slice %arg6[%dma_start3A_1198, %dma_start3A_1199, %dma_start3A_1200] : memref<6x16x1024xf32, #tpu.memory_space<vmem>> -> memref<1x16x1024xf32, #tpu.memory_space<vmem>>
      %dma_start3A_1202 = tpu.memref_squeeze %dma_start3A_1201 : memref<1x16x1024xf32, #tpu.memory_space<vmem>> -> memref<16x1024xf32, #tpu.memory_space<vmem>>
      %dma_start3A_1203 = arith.constant 0 : i32
      %dma_start3A_1204 = tpu.memref_slice %arg4[%add3A_1197, %dma_start3A_1203] : memref<32768x1024xf32, #tpu.memory_space<hbm>> -> memref<16x1024xf32, #tpu.memory_space<hbm>>
      %dma_start3A_1205 = arith.constant 0 : i32
      %dma_start3A_1206 = tpu.memref_slice %arg4[%add3A_1197, %dma_start3A_1205] : memref<32768x1024xf32, #tpu.memory_space<hbm>> -> memref<16x1024xf32, #tpu.memory_space<hbm>>
      %dma_start3A_1207 = arith.constant 0 : i32
      %dma_start3A_1208 = arith.constant 0 : i32
      %dma_start3A_1209 = tpu.memref_slice %arg6[%dma_start3A_1198, %dma_start3A_1207, %dma_start3A_1208] : memref<6x16x1024xf32, #tpu.memory_space<vmem>> -> memref<1x16x1024xf32, #tpu.memory_space<vmem>>
      %dma_start3A_1210 = tpu.memref_squeeze %dma_start3A_1209 : memref<1x16x1024xf32, #tpu.memory_space<vmem>> -> memref<16x1024xf32, #tpu.memory_space<vmem>>
      tpu.enqueue_dma source(%dma_start3A_1210 : memref<16x1024xf32, #tpu.memory_space<vmem>>) target(%dma_start3A_1206 : memref<16x1024xf32, #tpu.memory_space<hbm>>) target_semaphore(%arg18 : memref<!tpu.dma_semaphore, #tpu.memory_space<semaphore_mem>>)
      %add3A_1211 = arith.constant 3 : i32
      %add3A_1212 = arith.addi %add3A_1183, %add3A_1211 : i32
      %sub3A_1213 = arith.constant 6 : i32
      %sub3A_1214 = arith.subi %add3A_1212, %sub3A_1213 : i32
      %mul3A_1215 = arith.constant 16 : i32
      %mul3A_1216 = arith.muli %sub3A_1214, %mul3A_1215 : i32
      %add3A_1217 = arith.addi %mul3A_2, %mul3A_1216 : i32
      %dma_wait3A_1218 = arith.constant 2 : i32
      %dma_wait3A_1219 = arith.constant 0 : i32
      %dma_wait3A_1220 = arith.constant 0 : i32
      %dma_wait3A_1221 = tpu.memref_slice %arg6[%dma_wait3A_1218, %dma_wait3A_1219, %dma_wait3A_1220] : memref<6x16x1024xf32, #tpu.memory_space<vmem>> -> memref<1x16x1024xf32, #tpu.memory_space<vmem>>
      %dma_wait3A_1222 = tpu.memref_squeeze %dma_wait3A_1221 : memref<1x16x1024xf32, #tpu.memory_space<vmem>> -> memref<16x1024xf32, #tpu.memory_space<vmem>>
      %dma_wait3A_1223 = arith.constant 0 : i32
      %dma_wait3A_1224 = tpu.memref_slice %arg4[%add3A_1217, %dma_wait3A_1223] : memref<32768x1024xf32, #tpu.memory_space<hbm>> -> memref<16x1024xf32, #tpu.memory_space<hbm>>
      %dma_wait3A_1225 = arith.constant 0 : i32
      %dma_wait3A_1226 = tpu.memref_slice %arg4[%add3A_1217, %dma_wait3A_1225] : memref<32768x1024xf32, #tpu.memory_space<hbm>> -> memref<16x1024xf32, #tpu.memory_space<hbm>>
      %dma_wait3A_1227 = arith.constant 0 : i32
      %dma_wait3A_1228 = arith.constant 0 : i32
      %dma_wait3A_1229 = tpu.memref_slice %arg6[%dma_wait3A_1218, %dma_wait3A_1227, %dma_wait3A_1228] : memref<6x16x1024xf32, #tpu.memory_space<vmem>> -> memref<1x16x1024xf32, #tpu.memory_space<vmem>>
      %dma_wait3A_1230 = tpu.memref_squeeze %dma_wait3A_1229 : memref<1x16x1024xf32, #tpu.memory_space<vmem>> -> memref<16x1024xf32, #tpu.memory_space<vmem>>
      tpu.wait_dma2 semaphore(%arg15 : memref<!tpu.dma_semaphore, #tpu.memory_space<semaphore_mem>>) src(%dma_wait3A_1230 : memref<16x1024xf32, #tpu.memory_space<vmem>>) dst(%dma_wait3A_1226 : memref<16x1024xf32, #tpu.memory_space<hbm>>)
      %dma_start3A_1231 = arith.constant 2 : i32
      %dma_start3A_1232 = arith.constant 0 : i32
      %dma_start3A_1233 = arith.constant 0 : i32
      %dma_start3A_1234 = tpu.memref_slice %arg6[%dma_start3A_1231, %dma_start3A_1232, %dma_start3A_1233] : memref<6x16x1024xf32, #tpu.memory_space<vmem>> -> memref<1x16x1024xf32, #tpu.memory_space<vmem>>
      %dma_start3A_1235 = tpu.memref_squeeze %dma_start3A_1234 : memref<1x16x1024xf32, #tpu.memory_space<vmem>> -> memref<16x1024xf32, #tpu.memory_space<vmem>>
      %dma_start3A_1236 = arith.constant 0 : i32
      %dma_start3A_1237 = tpu.memref_slice %arg5[%add3A_1212, %dma_start3A_1236] : memref<64x16xi32, #tpu.memory_space<vmem>> -> memref<1x16xi32, #tpu.memory_space<vmem>>
      %dma_start3A_1238 = tpu.memref_squeeze %dma_start3A_1237 : memref<1x16xi32, #tpu.memory_space<vmem>> -> memref<16xi32, #tpu.memory_space<vmem>>
      %dma_start3A_1239 = arith.constant 0 : i32
      %dma_start3A_1240 = arith.constant 0 : i32
      %dma_start3A_1241 = tpu.memref_slice %arg2[%dma_start3A_1239, %dma_start3A_1240] : memref<8192x1024xf32, #tpu.memory_space<hbm>> -> memref<8192x1024xf32, #tpu.memory_space<hbm>>
      tpu.enqueue_indirect_dma source(%dma_start3A_1241 : memref<8192x1024xf32, #tpu.memory_space<hbm>>) target(%dma_start3A_1235 : memref<16x1024xf32, #tpu.memory_space<vmem>>) offsets(%dma_start3A_1238 : memref<16xi32, #tpu.memory_space<vmem>>) semaphore(%arg9 : memref<!tpu.dma_semaphore, #tpu.memory_space<semaphore_mem>>)
    }
    %scan3A_320 = arith.constant 8 : i32
    %dma_wait3A_321 = arith.constant 54 : i32
    %dma_wait3A_322 = arith.constant 0 : i32
    %dma_wait3A_323 = arith.constant 0 : i32
    %dma_wait3A_324 = arith.constant 0 : i32
    %dma_wait3A_325 = tpu.memref_slice %arg6[%dma_wait3A_322, %dma_wait3A_323, %dma_wait3A_324] : memref<6x16x1024xf32, #tpu.memory_space<vmem>> -> memref<1x16x1024xf32, #tpu.memory_space<vmem>>
    %dma_wait3A_326 = tpu.memref_squeeze %dma_wait3A_325 : memref<1x16x1024xf32, #tpu.memory_space<vmem>> -> memref<16x1024xf32, #tpu.memory_space<vmem>>
    %dma_wait3A_327 = arith.constant 0 : i32
    %dma_wait3A_328 = tpu.memref_slice %arg5[%dma_wait3A_321, %dma_wait3A_327] : memref<64x16xi32, #tpu.memory_space<vmem>> -> memref<1x16xi32, #tpu.memory_space<vmem>>
    %dma_wait3A_329 = tpu.memref_squeeze %dma_wait3A_328 : memref<1x16xi32, #tpu.memory_space<vmem>> -> memref<16xi32, #tpu.memory_space<vmem>>
    %dma_wait3A_330 = arith.constant 0 : i32
    %dma_wait3A_331 = arith.constant 0 : i32
    %dma_wait3A_332 = tpu.memref_slice %arg2[%dma_wait3A_330, %dma_wait3A_331] : memref<8192x1024xf32, #tpu.memory_space<hbm>> -> memref<8192x1024xf32, #tpu.memory_space<hbm>>
    tpu.wait_indirect_dma semaphore(%arg7 : memref<!tpu.dma_semaphore, #tpu.memory_space<semaphore_mem>>) src(%dma_wait3A_332 : memref<8192x1024xf32, #tpu.memory_space<hbm>>) dst(%dma_wait3A_326 : memref<16x1024xf32, #tpu.memory_space<vmem>>)
    %add3A_333 = arith.constant 864 : i32
    %add3A_334 = arith.addi %mul3A_2, %add3A_333 : i32
    %dma_start3A_335 = arith.constant 0 : i32
    %dma_start3A_336 = arith.constant 0 : i32
    %dma_start3A_337 = arith.constant 0 : i32
    %dma_start3A_338 = tpu.memref_slice %arg6[%dma_start3A_335, %dma_start3A_336, %dma_start3A_337] : memref<6x16x1024xf32, #tpu.memory_space<vmem>> -> memref<1x16x1024xf32, #tpu.memory_space<vmem>>
    %dma_start3A_339 = tpu.memref_squeeze %dma_start3A_338 : memref<1x16x1024xf32, #tpu.memory_space<vmem>> -> memref<16x1024xf32, #tpu.memory_space<vmem>>
    %dma_start3A_340 = arith.constant 0 : i32
    %dma_start3A_341 = tpu.memref_slice %arg4[%add3A_334, %dma_start3A_340] : memref<32768x1024xf32, #tpu.memory_space<hbm>> -> memref<16x1024xf32, #tpu.memory_space<hbm>>
    %dma_start3A_342 = arith.constant 0 : i32
    %dma_start3A_343 = tpu.memref_slice %arg4[%add3A_334, %dma_start3A_342] : memref<32768x1024xf32, #tpu.memory_space<hbm>> -> memref<16x1024xf32, #tpu.memory_space<hbm>>
    %dma_start3A_344 = arith.constant 0 : i32
    %dma_start3A_345 = arith.constant 0 : i32
    %dma_start3A_346 = tpu.memref_slice %arg6[%dma_start3A_335, %dma_start3A_344, %dma_start3A_345] : memref<6x16x1024xf32, #tpu.memory_space<vmem>> -> memref<1x16x1024xf32, #tpu.memory_space<vmem>>
    %dma_start3A_347 = tpu.memref_squeeze %dma_start3A_346 : memref<1x16x1024xf32, #tpu.memory_space<vmem>> -> memref<16x1024xf32, #tpu.memory_space<vmem>>
    tpu.enqueue_dma source(%dma_start3A_347 : memref<16x1024xf32, #tpu.memory_space<vmem>>) target(%dma_start3A_343 : memref<16x1024xf32, #tpu.memory_space<hbm>>) target_semaphore(%arg13 : memref<!tpu.dma_semaphore, #tpu.memory_space<semaphore_mem>>)
    %add3A_348 = arith.constant 816 : i32
    %add3A_349 = arith.addi %mul3A_2, %add3A_348 : i32
    %dma_wait3A_350 = arith.constant 3 : i32
    %dma_wait3A_351 = arith.constant 0 : i32
    %dma_wait3A_352 = arith.constant 0 : i32
    %dma_wait3A_353 = tpu.memref_slice %arg6[%dma_wait3A_350, %dma_wait3A_351, %dma_wait3A_352] : memref<6x16x1024xf32, #tpu.memory_space<vmem>> -> memref<1x16x1024xf32, #tpu.memory_space<vmem>>
    %dma_wait3A_354 = tpu.memref_squeeze %dma_wait3A_353 : memref<1x16x1024xf32, #tpu.memory_space<vmem>> -> memref<16x1024xf32, #tpu.memory_space<vmem>>
    %dma_wait3A_355 = arith.constant 0 : i32
    %dma_wait3A_356 = tpu.memref_slice %arg4[%add3A_349, %dma_wait3A_355] : memref<32768x1024xf32, #tpu.memory_space<hbm>> -> memref<16x1024xf32, #tpu.memory_space<hbm>>
    %dma_wait3A_357 = arith.constant 0 : i32
    %dma_wait3A_358 = tpu.memref_slice %arg4[%add3A_349, %dma_wait3A_357] : memref<32768x1024xf32, #tpu.memory_space<hbm>> -> memref<16x1024xf32, #tpu.memory_space<hbm>>
    %dma_wait3A_359 = arith.constant 0 : i32
    %dma_wait3A_360 = arith.constant 0 : i32
    %dma_wait3A_361 = tpu.memref_slice %arg6[%dma_wait3A_350, %dma_wait3A_359, %dma_wait3A_360] : memref<6x16x1024xf32, #tpu.memory_space<vmem>> -> memref<1x16x1024xf32, #tpu.memory_space<vmem>>
    %dma_wait3A_362 = tpu.memref_squeeze %dma_wait3A_361 : memref<1x16x1024xf32, #tpu.memory_space<vmem>> -> memref<16x1024xf32, #tpu.memory_space<vmem>>
    tpu.wait_dma2 semaphore(%arg16 : memref<!tpu.dma_semaphore, #tpu.memory_space<semaphore_mem>>) src(%dma_wait3A_362 : memref<16x1024xf32, #tpu.memory_space<vmem>>) dst(%dma_wait3A_358 : memref<16x1024xf32, #tpu.memory_space<hbm>>)
    %dma_start3A_363 = arith.constant 57 : i32
    %dma_start3A_364 = arith.constant 3 : i32
    %dma_start3A_365 = arith.constant 0 : i32
    %dma_start3A_366 = arith.constant 0 : i32
    %dma_start3A_367 = tpu.memref_slice %arg6[%dma_start3A_364, %dma_start3A_365, %dma_start3A_366] : memref<6x16x1024xf32, #tpu.memory_space<vmem>> -> memref<1x16x1024xf32, #tpu.memory_space<vmem>>
    %dma_start3A_368 = tpu.memref_squeeze %dma_start3A_367 : memref<1x16x1024xf32, #tpu.memory_space<vmem>> -> memref<16x1024xf32, #tpu.memory_space<vmem>>
    %dma_start3A_369 = arith.constant 0 : i32
    %dma_start3A_370 = tpu.memref_slice %arg5[%dma_start3A_363, %dma_start3A_369] : memref<64x16xi32, #tpu.memory_space<vmem>> -> memref<1x16xi32, #tpu.memory_space<vmem>>
    %dma_start3A_371 = tpu.memref_squeeze %dma_start3A_370 : memref<1x16xi32, #tpu.memory_space<vmem>> -> memref<16xi32, #tpu.memory_space<vmem>>
    %dma_start3A_372 = arith.constant 0 : i32
    %dma_start3A_373 = arith.constant 0 : i32
    %dma_start3A_374 = tpu.memref_slice %arg2[%dma_start3A_372, %dma_start3A_373] : memref<8192x1024xf32, #tpu.memory_space<hbm>> -> memref<8192x1024xf32, #tpu.memory_space<hbm>>
    tpu.enqueue_indirect_dma source(%dma_start3A_374 : memref<8192x1024xf32, #tpu.memory_space<hbm>>) target(%dma_start3A_368 : memref<16x1024xf32, #tpu.memory_space<vmem>>) offsets(%dma_start3A_371 : memref<16xi32, #tpu.memory_space<vmem>>) semaphore(%arg10 : memref<!tpu.dma_semaphore, #tpu.memory_space<semaphore_mem>>)
    %dma_wait3A_375 = arith.constant 55 : i32
    %dma_wait3A_376 = arith.constant 1 : i32
    %dma_wait3A_377 = arith.constant 0 : i32
    %dma_wait3A_378 = arith.constant 0 : i32
    %dma_wait3A_379 = tpu.memref_slice %arg6[%dma_wait3A_376, %dma_wait3A_377, %dma_wait3A_378] : memref<6x16x1024xf32, #tpu.memory_space<vmem>> -> memref<1x16x1024xf32, #tpu.memory_space<vmem>>
    %dma_wait3A_380 = tpu.memref_squeeze %dma_wait3A_379 : memref<1x16x1024xf32, #tpu.memory_space<vmem>> -> memref<16x1024xf32, #tpu.memory_space<vmem>>
    %dma_wait3A_381 = arith.constant 0 : i32
    %dma_wait3A_382 = tpu.memref_slice %arg5[%dma_wait3A_375, %dma_wait3A_381] : memref<64x16xi32, #tpu.memory_space<vmem>> -> memref<1x16xi32, #tpu.memory_space<vmem>>
    %dma_wait3A_383 = tpu.memref_squeeze %dma_wait3A_382 : memref<1x16xi32, #tpu.memory_space<vmem>> -> memref<16xi32, #tpu.memory_space<vmem>>
    %dma_wait3A_384 = arith.constant 0 : i32
    %dma_wait3A_385 = arith.constant 0 : i32
    %dma_wait3A_386 = tpu.memref_slice %arg2[%dma_wait3A_384, %dma_wait3A_385] : memref<8192x1024xf32, #tpu.memory_space<hbm>> -> memref<8192x1024xf32, #tpu.memory_space<hbm>>
    tpu.wait_indirect_dma semaphore(%arg8 : memref<!tpu.dma_semaphore, #tpu.memory_space<semaphore_mem>>) src(%dma_wait3A_386 : memref<8192x1024xf32, #tpu.memory_space<hbm>>) dst(%dma_wait3A_380 : memref<16x1024xf32, #tpu.memory_space<vmem>>)
    %add3A_387 = arith.constant 880 : i32
    %add3A_388 = arith.addi %mul3A_2, %add3A_387 : i32
    %dma_start3A_389 = arith.constant 1 : i32
    %dma_start3A_390 = arith.constant 0 : i32
    %dma_start3A_391 = arith.constant 0 : i32
    %dma_start3A_392 = tpu.memref_slice %arg6[%dma_start3A_389, %dma_start3A_390, %dma_start3A_391] : memref<6x16x1024xf32, #tpu.memory_space<vmem>> -> memref<1x16x1024xf32, #tpu.memory_space<vmem>>
    %dma_start3A_393 = tpu.memref_squeeze %dma_start3A_392 : memref<1x16x1024xf32, #tpu.memory_space<vmem>> -> memref<16x1024xf32, #tpu.memory_space<vmem>>
    %dma_start3A_394 = arith.constant 0 : i32
    %dma_start3A_395 = tpu.memref_slice %arg4[%add3A_388, %dma_start3A_394] : memref<32768x1024xf32, #tpu.memory_space<hbm>> -> memref<16x1024xf32, #tpu.memory_space<hbm>>
    %dma_start3A_396 = arith.constant 0 : i32
    %dma_start3A_397 = tpu.memref_slice %arg4[%add3A_388, %dma_start3A_396] : memref<32768x1024xf32, #tpu.memory_space<hbm>> -> memref<16x1024xf32, #tpu.memory_space<hbm>>
    %dma_start3A_398 = arith.constant 0 : i32
    %dma_start3A_399 = arith.constant 0 : i32
    %dma_start3A_400 = tpu.memref_slice %arg6[%dma_start3A_389, %dma_start3A_398, %dma_start3A_399] : memref<6x16x1024xf32, #tpu.memory_space<vmem>> -> memref<1x16x1024xf32, #tpu.memory_space<vmem>>
    %dma_start3A_401 = tpu.memref_squeeze %dma_start3A_400 : memref<1x16x1024xf32, #tpu.memory_space<vmem>> -> memref<16x1024xf32, #tpu.memory_space<vmem>>
    tpu.enqueue_dma source(%dma_start3A_401 : memref<16x1024xf32, #tpu.memory_space<vmem>>) target(%dma_start3A_397 : memref<16x1024xf32, #tpu.memory_space<hbm>>) target_semaphore(%arg14 : memref<!tpu.dma_semaphore, #tpu.memory_space<semaphore_mem>>)
    %add3A_402 = arith.constant 832 : i32
    %add3A_403 = arith.addi %mul3A_2, %add3A_402 : i32
    %dma_wait3A_404 = arith.constant 4 : i32
    %dma_wait3A_405 = arith.constant 0 : i32
    %dma_wait3A_406 = arith.constant 0 : i32
    %dma_wait3A_407 = tpu.memref_slice %arg6[%dma_wait3A_404, %dma_wait3A_405, %dma_wait3A_406] : memref<6x16x1024xf32, #tpu.memory_space<vmem>> -> memref<1x16x1024xf32, #tpu.memory_space<vmem>>
    %dma_wait3A_408 = tpu.memref_squeeze %dma_wait3A_407 : memref<1x16x1024xf32, #tpu.memory_space<vmem>> -> memref<16x1024xf32, #tpu.memory_space<vmem>>
    %dma_wait3A_409 = arith.constant 0 : i32
    %dma_wait3A_410 = tpu.memref_slice %arg4[%add3A_403, %dma_wait3A_409] : memref<32768x1024xf32, #tpu.memory_space<hbm>> -> memref<16x1024xf32, #tpu.memory_space<hbm>>
    %dma_wait3A_411 = arith.constant 0 : i32
    %dma_wait3A_412 = tpu.memref_slice %arg4[%add3A_403, %dma_wait3A_411] : memref<32768x1024xf32, #tpu.memory_space<hbm>> -> memref<16x1024xf32, #tpu.memory_space<hbm>>
    %dma_wait3A_413 = arith.constant 0 : i32
    %dma_wait3A_414 = arith.constant 0 : i32
    %dma_wait3A_415 = tpu.memref_slice %arg6[%dma_wait3A_404, %dma_wait3A_413, %dma_wait3A_414] : memref<6x16x1024xf32, #tpu.memory_space<vmem>> -> memref<1x16x1024xf32, #tpu.memory_space<vmem>>
    %dma_wait3A_416 = tpu.memref_squeeze %dma_wait3A_415 : memref<1x16x1024xf32, #tpu.memory_space<vmem>> -> memref<16x1024xf32, #tpu.memory_space<vmem>>
    tpu.wait_dma2 semaphore(%arg17 : memref<!tpu.dma_semaphore, #tpu.memory_space<semaphore_mem>>) src(%dma_wait3A_416 : memref<16x1024xf32, #tpu.memory_space<vmem>>) dst(%dma_wait3A_412 : memref<16x1024xf32, #tpu.memory_space<hbm>>)
    %dma_start3A_417 = arith.constant 58 : i32
    %dma_start3A_418 = arith.constant 4 : i32
    %dma_start3A_419 = arith.constant 0 : i32
    %dma_start3A_420 = arith.constant 0 : i32
    %dma_start3A_421 = tpu.memref_slice %arg6[%dma_start3A_418, %dma_start3A_419, %dma_start3A_420] : memref<6x16x1024xf32, #tpu.memory_space<vmem>> -> memref<1x16x1024xf32, #tpu.memory_space<vmem>>
    %dma_start3A_422 = tpu.memref_squeeze %dma_start3A_421 : memref<1x16x1024xf32, #tpu.memory_space<vmem>> -> memref<16x1024xf32, #tpu.memory_space<vmem>>
    %dma_start3A_423 = arith.constant 0 : i32
    %dma_start3A_424 = tpu.memref_slice %arg5[%dma_start3A_417, %dma_start3A_423] : memref<64x16xi32, #tpu.memory_space<vmem>> -> memref<1x16xi32, #tpu.memory_space<vmem>>
    %dma_start3A_425 = tpu.memref_squeeze %dma_start3A_424 : memref<1x16xi32, #tpu.memory_space<vmem>> -> memref<16xi32, #tpu.memory_space<vmem>>
    %dma_start3A_426 = arith.constant 0 : i32
    %dma_start3A_427 = arith.constant 0 : i32
    %dma_start3A_428 = tpu.memref_slice %arg2[%dma_start3A_426, %dma_start3A_427] : memref<8192x1024xf32, #tpu.memory_space<hbm>> -> memref<8192x1024xf32, #tpu.memory_space<hbm>>
    tpu.enqueue_indirect_dma source(%dma_start3A_428 : memref<8192x1024xf32, #tpu.memory_space<hbm>>) target(%dma_start3A_422 : memref<16x1024xf32, #tpu.memory_space<vmem>>) offsets(%dma_start3A_425 : memref<16xi32, #tpu.memory_space<vmem>>) semaphore(%arg11 : memref<!tpu.dma_semaphore, #tpu.memory_space<semaphore_mem>>)
    %dma_wait3A_429 = arith.constant 56 : i32
    %dma_wait3A_430 = arith.constant 2 : i32
    %dma_wait3A_431 = arith.constant 0 : i32
    %dma_wait3A_432 = arith.constant 0 : i32
    %dma_wait3A_433 = tpu.memref_slice %arg6[%dma_wait3A_430, %dma_wait3A_431, %dma_wait3A_432] : memref<6x16x1024xf32, #tpu.memory_space<vmem>> -> memref<1x16x1024xf32, #tpu.memory_space<vmem>>
    %dma_wait3A_434 = tpu.memref_squeeze %dma_wait3A_433 : memref<1x16x1024xf32, #tpu.memory_space<vmem>> -> memref<16x1024xf32, #tpu.memory_space<vmem>>
    %dma_wait3A_435 = arith.constant 0 : i32
    %dma_wait3A_436 = tpu.memref_slice %arg5[%dma_wait3A_429, %dma_wait3A_435] : memref<64x16xi32, #tpu.memory_space<vmem>> -> memref<1x16xi32, #tpu.memory_space<vmem>>
    %dma_wait3A_437 = tpu.memref_squeeze %dma_wait3A_436 : memref<1x16xi32, #tpu.memory_space<vmem>> -> memref<16xi32, #tpu.memory_space<vmem>>
    %dma_wait3A_438 = arith.constant 0 : i32
    %dma_wait3A_439 = arith.constant 0 : i32
    %dma_wait3A_440 = tpu.memref_slice %arg2[%dma_wait3A_438, %dma_wait3A_439] : memref<8192x1024xf32, #tpu.memory_space<hbm>> -> memref<8192x1024xf32, #tpu.memory_space<hbm>>
    tpu.wait_indirect_dma semaphore(%arg9 : memref<!tpu.dma_semaphore, #tpu.memory_space<semaphore_mem>>) src(%dma_wait3A_440 : memref<8192x1024xf32, #tpu.memory_space<hbm>>) dst(%dma_wait3A_434 : memref<16x1024xf32, #tpu.memory_space<vmem>>)
    %add3A_441 = arith.constant 896 : i32
    %add3A_442 = arith.addi %mul3A_2, %add3A_441 : i32
    %dma_start3A_443 = arith.constant 2 : i32
    %dma_start3A_444 = arith.constant 0 : i32
    %dma_start3A_445 = arith.constant 0 : i32
    %dma_start3A_446 = tpu.memref_slice %arg6[%dma_start3A_443, %dma_start3A_444, %dma_start3A_445] : memref<6x16x1024xf32, #tpu.memory_space<vmem>> -> memref<1x16x1024xf32, #tpu.memory_space<vmem>>
    %dma_start3A_447 = tpu.memref_squeeze %dma_start3A_446 : memref<1x16x1024xf32, #tpu.memory_space<vmem>> -> memref<16x1024xf32, #tpu.memory_space<vmem>>
    %dma_start3A_448 = arith.constant 0 : i32
    %dma_start3A_449 = tpu.memref_slice %arg4[%add3A_442, %dma_start3A_448] : memref<32768x1024xf32, #tpu.memory_space<hbm>> -> memref<16x1024xf32, #tpu.memory_space<hbm>>
    %dma_start3A_450 = arith.constant 0 : i32
    %dma_start3A_451 = tpu.memref_slice %arg4[%add3A_442, %dma_start3A_450] : memref<32768x1024xf32, #tpu.memory_space<hbm>> -> memref<16x1024xf32, #tpu.memory_space<hbm>>
    %dma_start3A_452 = arith.constant 0 : i32
    %dma_start3A_453 = arith.constant 0 : i32
    %dma_start3A_454 = tpu.memref_slice %arg6[%dma_start3A_443, %dma_start3A_452, %dma_start3A_453] : memref<6x16x1024xf32, #tpu.memory_space<vmem>> -> memref<1x16x1024xf32, #tpu.memory_space<vmem>>
    %dma_start3A_455 = tpu.memref_squeeze %dma_start3A_454 : memref<1x16x1024xf32, #tpu.memory_space<vmem>> -> memref<16x1024xf32, #tpu.memory_space<vmem>>
    tpu.enqueue_dma source(%dma_start3A_455 : memref<16x1024xf32, #tpu.memory_space<vmem>>) target(%dma_start3A_451 : memref<16x1024xf32, #tpu.memory_space<hbm>>) target_semaphore(%arg15 : memref<!tpu.dma_semaphore, #tpu.memory_space<semaphore_mem>>)
    %add3A_456 = arith.constant 848 : i32
    %add3A_457 = arith.addi %mul3A_2, %add3A_456 : i32
    %dma_wait3A_458 = arith.constant 5 : i32
    %dma_wait3A_459 = arith.constant 0 : i32
    %dma_wait3A_460 = arith.constant 0 : i32
    %dma_wait3A_461 = tpu.memref_slice %arg6[%dma_wait3A_458, %dma_wait3A_459, %dma_wait3A_460] : memref<6x16x1024xf32, #tpu.memory_space<vmem>> -> memref<1x16x1024xf32, #tpu.memory_space<vmem>>
    %dma_wait3A_462 = tpu.memref_squeeze %dma_wait3A_461 : memref<1x16x1024xf32, #tpu.memory_space<vmem>> -> memref<16x1024xf32, #tpu.memory_space<vmem>>
    %dma_wait3A_463 = arith.constant 0 : i32
    %dma_wait3A_464 = tpu.memref_slice %arg4[%add3A_457, %dma_wait3A_463] : memref<32768x1024xf32, #tpu.memory_space<hbm>> -> memref<16x1024xf32, #tpu.memory_space<hbm>>
    %dma_wait3A_465 = arith.constant 0 : i32
    %dma_wait3A_466 = tpu.memref_slice %arg4[%add3A_457, %dma_wait3A_465] : memref<32768x1024xf32, #tpu.memory_space<hbm>> -> memref<16x1024xf32, #tpu.memory_space<hbm>>
    %dma_wait3A_467 = arith.constant 0 : i32
    %dma_wait3A_468 = arith.constant 0 : i32
    %dma_wait3A_469 = tpu.memref_slice %arg6[%dma_wait3A_458, %dma_wait3A_467, %dma_wait3A_468] : memref<6x16x1024xf32, #tpu.memory_space<vmem>> -> memref<1x16x1024xf32, #tpu.memory_space<vmem>>
    %dma_wait3A_470 = tpu.memref_squeeze %dma_wait3A_469 : memref<1x16x1024xf32, #tpu.memory_space<vmem>> -> memref<16x1024xf32, #tpu.memory_space<vmem>>
    tpu.wait_dma2 semaphore(%arg18 : memref<!tpu.dma_semaphore, #tpu.memory_space<semaphore_mem>>) src(%dma_wait3A_470 : memref<16x1024xf32, #tpu.memory_space<vmem>>) dst(%dma_wait3A_466 : memref<16x1024xf32, #tpu.memory_space<hbm>>)
    %dma_start3A_471 = arith.constant 59 : i32
    %dma_start3A_472 = arith.constant 5 : i32
    %dma_start3A_473 = arith.constant 0 : i32
    %dma_start3A_474 = arith.constant 0 : i32
    %dma_start3A_475 = tpu.memref_slice %arg6[%dma_start3A_472, %dma_start3A_473, %dma_start3A_474] : memref<6x16x1024xf32, #tpu.memory_space<vmem>> -> memref<1x16x1024xf32, #tpu.memory_space<vmem>>
    %dma_start3A_476 = tpu.memref_squeeze %dma_start3A_475 : memref<1x16x1024xf32, #tpu.memory_space<vmem>> -> memref<16x1024xf32, #tpu.memory_space<vmem>>
    %dma_start3A_477 = arith.constant 0 : i32
    %dma_start3A_478 = tpu.memref_slice %arg5[%dma_start3A_471, %dma_start3A_477] : memref<64x16xi32, #tpu.memory_space<vmem>> -> memref<1x16xi32, #tpu.memory_space<vmem>>
    %dma_start3A_479 = tpu.memref_squeeze %dma_start3A_478 : memref<1x16xi32, #tpu.memory_space<vmem>> -> memref<16xi32, #tpu.memory_space<vmem>>
    %dma_start3A_480 = arith.constant 0 : i32
    %dma_start3A_481 = arith.constant 0 : i32
    %dma_start3A_482 = tpu.memref_slice %arg2[%dma_start3A_480, %dma_start3A_481] : memref<8192x1024xf32, #tpu.memory_space<hbm>> -> memref<8192x1024xf32, #tpu.memory_space<hbm>>
    tpu.enqueue_indirect_dma source(%dma_start3A_482 : memref<8192x1024xf32, #tpu.memory_space<hbm>>) target(%dma_start3A_476 : memref<16x1024xf32, #tpu.memory_space<vmem>>) offsets(%dma_start3A_479 : memref<16xi32, #tpu.memory_space<vmem>>) semaphore(%arg12 : memref<!tpu.dma_semaphore, #tpu.memory_space<semaphore_mem>>)
    %dma_wait3A_483 = arith.constant 57 : i32
    %dma_wait3A_484 = arith.constant 3 : i32
    %dma_wait3A_485 = arith.constant 0 : i32
    %dma_wait3A_486 = arith.constant 0 : i32
    %dma_wait3A_487 = tpu.memref_slice %arg6[%dma_wait3A_484, %dma_wait3A_485, %dma_wait3A_486] : memref<6x16x1024xf32, #tpu.memory_space<vmem>> -> memref<1x16x1024xf32, #tpu.memory_space<vmem>>
    %dma_wait3A_488 = tpu.memref_squeeze %dma_wait3A_487 : memref<1x16x1024xf32, #tpu.memory_space<vmem>> -> memref<16x1024xf32, #tpu.memory_space<vmem>>
    %dma_wait3A_489 = arith.constant 0 : i32
    %dma_wait3A_490 = tpu.memref_slice %arg5[%dma_wait3A_483, %dma_wait3A_489] : memref<64x16xi32, #tpu.memory_space<vmem>> -> memref<1x16xi32, #tpu.memory_space<vmem>>
    %dma_wait3A_491 = tpu.memref_squeeze %dma_wait3A_490 : memref<1x16xi32, #tpu.memory_space<vmem>> -> memref<16xi32, #tpu.memory_space<vmem>>
    %dma_wait3A_492 = arith.constant 0 : i32
    %dma_wait3A_493 = arith.constant 0 : i32
    %dma_wait3A_494 = tpu.memref_slice %arg2[%dma_wait3A_492, %dma_wait3A_493] : memref<8192x1024xf32, #tpu.memory_space<hbm>> -> memref<8192x1024xf32, #tpu.memory_space<hbm>>
    tpu.wait_indirect_dma semaphore(%arg10 : memref<!tpu.dma_semaphore, #tpu.memory_space<semaphore_mem>>) src(%dma_wait3A_494 : memref<8192x1024xf32, #tpu.memory_space<hbm>>) dst(%dma_wait3A_488 : memref<16x1024xf32, #tpu.memory_space<vmem>>)
    %add3A_495 = arith.constant 912 : i32
    %add3A_496 = arith.addi %mul3A_2, %add3A_495 : i32
    %dma_start3A_497 = arith.constant 3 : i32
    %dma_start3A_498 = arith.constant 0 : i32
    %dma_start3A_499 = arith.constant 0 : i32
    %dma_start3A_500 = tpu.memref_slice %arg6[%dma_start3A_497, %dma_start3A_498, %dma_start3A_499] : memref<6x16x1024xf32, #tpu.memory_space<vmem>> -> memref<1x16x1024xf32, #tpu.memory_space<vmem>>
    %dma_start3A_501 = tpu.memref_squeeze %dma_start3A_500 : memref<1x16x1024xf32, #tpu.memory_space<vmem>> -> memref<16x1024xf32, #tpu.memory_space<vmem>>
    %dma_start3A_502 = arith.constant 0 : i32
    %dma_start3A_503 = tpu.memref_slice %arg4[%add3A_496, %dma_start3A_502] : memref<32768x1024xf32, #tpu.memory_space<hbm>> -> memref<16x1024xf32, #tpu.memory_space<hbm>>
    %dma_start3A_504 = arith.constant 0 : i32
    %dma_start3A_505 = tpu.memref_slice %arg4[%add3A_496, %dma_start3A_504] : memref<32768x1024xf32, #tpu.memory_space<hbm>> -> memref<16x1024xf32, #tpu.memory_space<hbm>>
    %dma_start3A_506 = arith.constant 0 : i32
    %dma_start3A_507 = arith.constant 0 : i32
    %dma_start3A_508 = tpu.memref_slice %arg6[%dma_start3A_497, %dma_start3A_506, %dma_start3A_507] : memref<6x16x1024xf32, #tpu.memory_space<vmem>> -> memref<1x16x1024xf32, #tpu.memory_space<vmem>>
    %dma_start3A_509 = tpu.memref_squeeze %dma_start3A_508 : memref<1x16x1024xf32, #tpu.memory_space<vmem>> -> memref<16x1024xf32, #tpu.memory_space<vmem>>
    tpu.enqueue_dma source(%dma_start3A_509 : memref<16x1024xf32, #tpu.memory_space<vmem>>) target(%dma_start3A_505 : memref<16x1024xf32, #tpu.memory_space<hbm>>) target_semaphore(%arg16 : memref<!tpu.dma_semaphore, #tpu.memory_space<semaphore_mem>>)
    %add3A_510 = arith.constant 864 : i32
    %add3A_511 = arith.addi %mul3A_2, %add3A_510 : i32
    %dma_wait3A_512 = arith.constant 0 : i32
    %dma_wait3A_513 = arith.constant 0 : i32
    %dma_wait3A_514 = arith.constant 0 : i32
    %dma_wait3A_515 = tpu.memref_slice %arg6[%dma_wait3A_512, %dma_wait3A_513, %dma_wait3A_514] : memref<6x16x1024xf32, #tpu.memory_space<vmem>> -> memref<1x16x1024xf32, #tpu.memory_space<vmem>>
    %dma_wait3A_516 = tpu.memref_squeeze %dma_wait3A_515 : memref<1x16x1024xf32, #tpu.memory_space<vmem>> -> memref<16x1024xf32, #tpu.memory_space<vmem>>
    %dma_wait3A_517 = arith.constant 0 : i32
    %dma_wait3A_518 = tpu.memref_slice %arg4[%add3A_511, %dma_wait3A_517] : memref<32768x1024xf32, #tpu.memory_space<hbm>> -> memref<16x1024xf32, #tpu.memory_space<hbm>>
    %dma_wait3A_519 = arith.constant 0 : i32
    %dma_wait3A_520 = tpu.memref_slice %arg4[%add3A_511, %dma_wait3A_519] : memref<32768x1024xf32, #tpu.memory_space<hbm>> -> memref<16x1024xf32, #tpu.memory_space<hbm>>
    %dma_wait3A_521 = arith.constant 0 : i32
    %dma_wait3A_522 = arith.constant 0 : i32
    %dma_wait3A_523 = tpu.memref_slice %arg6[%dma_wait3A_512, %dma_wait3A_521, %dma_wait3A_522] : memref<6x16x1024xf32, #tpu.memory_space<vmem>> -> memref<1x16x1024xf32, #tpu.memory_space<vmem>>
    %dma_wait3A_524 = tpu.memref_squeeze %dma_wait3A_523 : memref<1x16x1024xf32, #tpu.memory_space<vmem>> -> memref<16x1024xf32, #tpu.memory_space<vmem>>
    tpu.wait_dma2 semaphore(%arg13 : memref<!tpu.dma_semaphore, #tpu.memory_space<semaphore_mem>>) src(%dma_wait3A_524 : memref<16x1024xf32, #tpu.memory_space<vmem>>) dst(%dma_wait3A_520 : memref<16x1024xf32, #tpu.memory_space<hbm>>)
    %dma_start3A_525 = arith.constant 60 : i32
    %dma_start3A_526 = arith.constant 0 : i32
    %dma_start3A_527 = arith.constant 0 : i32
    %dma_start3A_528 = arith.constant 0 : i32
    %dma_start3A_529 = tpu.memref_slice %arg6[%dma_start3A_526, %dma_start3A_527, %dma_start3A_528] : memref<6x16x1024xf32, #tpu.memory_space<vmem>> -> memref<1x16x1024xf32, #tpu.memory_space<vmem>>
    %dma_start3A_530 = tpu.memref_squeeze %dma_start3A_529 : memref<1x16x1024xf32, #tpu.memory_space<vmem>> -> memref<16x1024xf32, #tpu.memory_space<vmem>>
    %dma_start3A_531 = arith.constant 0 : i32
    %dma_start3A_532 = tpu.memref_slice %arg5[%dma_start3A_525, %dma_start3A_531] : memref<64x16xi32, #tpu.memory_space<vmem>> -> memref<1x16xi32, #tpu.memory_space<vmem>>
    %dma_start3A_533 = tpu.memref_squeeze %dma_start3A_532 : memref<1x16xi32, #tpu.memory_space<vmem>> -> memref<16xi32, #tpu.memory_space<vmem>>
    %dma_start3A_534 = arith.constant 0 : i32
    %dma_start3A_535 = arith.constant 0 : i32
    %dma_start3A_536 = tpu.memref_slice %arg2[%dma_start3A_534, %dma_start3A_535] : memref<8192x1024xf32, #tpu.memory_space<hbm>> -> memref<8192x1024xf32, #tpu.memory_space<hbm>>
    tpu.enqueue_indirect_dma source(%dma_start3A_536 : memref<8192x1024xf32, #tpu.memory_space<hbm>>) target(%dma_start3A_530 : memref<16x1024xf32, #tpu.memory_space<vmem>>) offsets(%dma_start3A_533 : memref<16xi32, #tpu.memory_space<vmem>>) semaphore(%arg7 : memref<!tpu.dma_semaphore, #tpu.memory_space<semaphore_mem>>)
    %dma_wait3A_537 = arith.constant 58 : i32
    %dma_wait3A_538 = arith.constant 4 : i32
    %dma_wait3A_539 = arith.constant 0 : i32
    %dma_wait3A_540 = arith.constant 0 : i32
    %dma_wait3A_541 = tpu.memref_slice %arg6[%dma_wait3A_538, %dma_wait3A_539, %dma_wait3A_540] : memref<6x16x1024xf32, #tpu.memory_space<vmem>> -> memref<1x16x1024xf32, #tpu.memory_space<vmem>>
    %dma_wait3A_542 = tpu.memref_squeeze %dma_wait3A_541 : memref<1x16x1024xf32, #tpu.memory_space<vmem>> -> memref<16x1024xf32, #tpu.memory_space<vmem>>
    %dma_wait3A_543 = arith.constant 0 : i32
    %dma_wait3A_544 = tpu.memref_slice %arg5[%dma_wait3A_537, %dma_wait3A_543] : memref<64x16xi32, #tpu.memory_space<vmem>> -> memref<1x16xi32, #tpu.memory_space<vmem>>
    %dma_wait3A_545 = tpu.memref_squeeze %dma_wait3A_544 : memref<1x16xi32, #tpu.memory_space<vmem>> -> memref<16xi32, #tpu.memory_space<vmem>>
    %dma_wait3A_546 = arith.constant 0 : i32
    %dma_wait3A_547 = arith.constant 0 : i32
    %dma_wait3A_548 = tpu.memref_slice %arg2[%dma_wait3A_546, %dma_wait3A_547] : memref<8192x1024xf32, #tpu.memory_space<hbm>> -> memref<8192x1024xf32, #tpu.memory_space<hbm>>
    tpu.wait_indirect_dma semaphore(%arg11 : memref<!tpu.dma_semaphore, #tpu.memory_space<semaphore_mem>>) src(%dma_wait3A_548 : memref<8192x1024xf32, #tpu.memory_space<hbm>>) dst(%dma_wait3A_542 : memref<16x1024xf32, #tpu.memory_space<vmem>>)
    %add3A_549 = arith.constant 928 : i32
    %add3A_550 = arith.addi %mul3A_2, %add3A_549 : i32
    %dma_start3A_551 = arith.constant 4 : i32
    %dma_start3A_552 = arith.constant 0 : i32
    %dma_start3A_553 = arith.constant 0 : i32
    %dma_start3A_554 = tpu.memref_slice %arg6[%dma_start3A_551, %dma_start3A_552, %dma_start3A_553] : memref<6x16x1024xf32, #tpu.memory_space<vmem>> -> memref<1x16x1024xf32, #tpu.memory_space<vmem>>
    %dma_start3A_555 = tpu.memref_squeeze %dma_start3A_554 : memref<1x16x1024xf32, #tpu.memory_space<vmem>> -> memref<16x1024xf32, #tpu.memory_space<vmem>>
    %dma_start3A_556 = arith.constant 0 : i32
    %dma_start3A_557 = tpu.memref_slice %arg4[%add3A_550, %dma_start3A_556] : memref<32768x1024xf32, #tpu.memory_space<hbm>> -> memref<16x1024xf32, #tpu.memory_space<hbm>>
    %dma_start3A_558 = arith.constant 0 : i32
    %dma_start3A_559 = tpu.memref_slice %arg4[%add3A_550, %dma_start3A_558] : memref<32768x1024xf32, #tpu.memory_space<hbm>> -> memref<16x1024xf32, #tpu.memory_space<hbm>>
    %dma_start3A_560 = arith.constant 0 : i32
    %dma_start3A_561 = arith.constant 0 : i32
    %dma_start3A_562 = tpu.memref_slice %arg6[%dma_start3A_551, %dma_start3A_560, %dma_start3A_561] : memref<6x16x1024xf32, #tpu.memory_space<vmem>> -> memref<1x16x1024xf32, #tpu.memory_space<vmem>>
    %dma_start3A_563 = tpu.memref_squeeze %dma_start3A_562 : memref<1x16x1024xf32, #tpu.memory_space<vmem>> -> memref<16x1024xf32, #tpu.memory_space<vmem>>
    tpu.enqueue_dma source(%dma_start3A_563 : memref<16x1024xf32, #tpu.memory_space<vmem>>) target(%dma_start3A_559 : memref<16x1024xf32, #tpu.memory_space<hbm>>) target_semaphore(%arg17 : memref<!tpu.dma_semaphore, #tpu.memory_space<semaphore_mem>>)
    %add3A_564 = arith.constant 880 : i32
    %add3A_565 = arith.addi %mul3A_2, %add3A_564 : i32
    %dma_wait3A_566 = arith.constant 1 : i32
    %dma_wait3A_567 = arith.constant 0 : i32
    %dma_wait3A_568 = arith.constant 0 : i32
    %dma_wait3A_569 = tpu.memref_slice %arg6[%dma_wait3A_566, %dma_wait3A_567, %dma_wait3A_568] : memref<6x16x1024xf32, #tpu.memory_space<vmem>> -> memref<1x16x1024xf32, #tpu.memory_space<vmem>>
    %dma_wait3A_570 = tpu.memref_squeeze %dma_wait3A_569 : memref<1x16x1024xf32, #tpu.memory_space<vmem>> -> memref<16x1024xf32, #tpu.memory_space<vmem>>
    %dma_wait3A_571 = arith.constant 0 : i32
    %dma_wait3A_572 = tpu.memref_slice %arg4[%add3A_565, %dma_wait3A_571] : memref<32768x1024xf32, #tpu.memory_space<hbm>> -> memref<16x1024xf32, #tpu.memory_space<hbm>>
    %dma_wait3A_573 = arith.constant 0 : i32
    %dma_wait3A_574 = tpu.memref_slice %arg4[%add3A_565, %dma_wait3A_573] : memref<32768x1024xf32, #tpu.memory_space<hbm>> -> memref<16x1024xf32, #tpu.memory_space<hbm>>
    %dma_wait3A_575 = arith.constant 0 : i32
    %dma_wait3A_576 = arith.constant 0 : i32
    %dma_wait3A_577 = tpu.memref_slice %arg6[%dma_wait3A_566, %dma_wait3A_575, %dma_wait3A_576] : memref<6x16x1024xf32, #tpu.memory_space<vmem>> -> memref<1x16x1024xf32, #tpu.memory_space<vmem>>
    %dma_wait3A_578 = tpu.memref_squeeze %dma_wait3A_577 : memref<1x16x1024xf32, #tpu.memory_space<vmem>> -> memref<16x1024xf32, #tpu.memory_space<vmem>>
    tpu.wait_dma2 semaphore(%arg14 : memref<!tpu.dma_semaphore, #tpu.memory_space<semaphore_mem>>) src(%dma_wait3A_578 : memref<16x1024xf32, #tpu.memory_space<vmem>>) dst(%dma_wait3A_574 : memref<16x1024xf32, #tpu.memory_space<hbm>>)
    %dma_start3A_579 = arith.constant 61 : i32
    %dma_start3A_580 = arith.constant 1 : i32
    %dma_start3A_581 = arith.constant 0 : i32
    %dma_start3A_582 = arith.constant 0 : i32
    %dma_start3A_583 = tpu.memref_slice %arg6[%dma_start3A_580, %dma_start3A_581, %dma_start3A_582] : memref<6x16x1024xf32, #tpu.memory_space<vmem>> -> memref<1x16x1024xf32, #tpu.memory_space<vmem>>
    %dma_start3A_584 = tpu.memref_squeeze %dma_start3A_583 : memref<1x16x1024xf32, #tpu.memory_space<vmem>> -> memref<16x1024xf32, #tpu.memory_space<vmem>>
    %dma_start3A_585 = arith.constant 0 : i32
    %dma_start3A_586 = tpu.memref_slice %arg5[%dma_start3A_579, %dma_start3A_585] : memref<64x16xi32, #tpu.memory_space<vmem>> -> memref<1x16xi32, #tpu.memory_space<vmem>>
    %dma_start3A_587 = tpu.memref_squeeze %dma_start3A_586 : memref<1x16xi32, #tpu.memory_space<vmem>> -> memref<16xi32, #tpu.memory_space<vmem>>
    %dma_start3A_588 = arith.constant 0 : i32
    %dma_start3A_589 = arith.constant 0 : i32
    %dma_start3A_590 = tpu.memref_slice %arg2[%dma_start3A_588, %dma_start3A_589] : memref<8192x1024xf32, #tpu.memory_space<hbm>> -> memref<8192x1024xf32, #tpu.memory_space<hbm>>
    tpu.enqueue_indirect_dma source(%dma_start3A_590 : memref<8192x1024xf32, #tpu.memory_space<hbm>>) target(%dma_start3A_584 : memref<16x1024xf32, #tpu.memory_space<vmem>>) offsets(%dma_start3A_587 : memref<16xi32, #tpu.memory_space<vmem>>) semaphore(%arg8 : memref<!tpu.dma_semaphore, #tpu.memory_space<semaphore_mem>>)
    %dma_wait3A_591 = arith.constant 59 : i32
    %dma_wait3A_592 = arith.constant 5 : i32
    %dma_wait3A_593 = arith.constant 0 : i32
    %dma_wait3A_594 = arith.constant 0 : i32
    %dma_wait3A_595 = tpu.memref_slice %arg6[%dma_wait3A_592, %dma_wait3A_593, %dma_wait3A_594] : memref<6x16x1024xf32, #tpu.memory_space<vmem>> -> memref<1x16x1024xf32, #tpu.memory_space<vmem>>
    %dma_wait3A_596 = tpu.memref_squeeze %dma_wait3A_595 : memref<1x16x1024xf32, #tpu.memory_space<vmem>> -> memref<16x1024xf32, #tpu.memory_space<vmem>>
    %dma_wait3A_597 = arith.constant 0 : i32
    %dma_wait3A_598 = tpu.memref_slice %arg5[%dma_wait3A_591, %dma_wait3A_597] : memref<64x16xi32, #tpu.memory_space<vmem>> -> memref<1x16xi32, #tpu.memory_space<vmem>>
    %dma_wait3A_599 = tpu.memref_squeeze %dma_wait3A_598 : memref<1x16xi32, #tpu.memory_space<vmem>> -> memref<16xi32, #tpu.memory_space<vmem>>
    %dma_wait3A_600 = arith.constant 0 : i32
    %dma_wait3A_601 = arith.constant 0 : i32
    %dma_wait3A_602 = tpu.memref_slice %arg2[%dma_wait3A_600, %dma_wait3A_601] : memref<8192x1024xf32, #tpu.memory_space<hbm>> -> memref<8192x1024xf32, #tpu.memory_space<hbm>>
    tpu.wait_indirect_dma semaphore(%arg12 : memref<!tpu.dma_semaphore, #tpu.memory_space<semaphore_mem>>) src(%dma_wait3A_602 : memref<8192x1024xf32, #tpu.memory_space<hbm>>) dst(%dma_wait3A_596 : memref<16x1024xf32, #tpu.memory_space<vmem>>)
    %add3A_603 = arith.constant 944 : i32
    %add3A_604 = arith.addi %mul3A_2, %add3A_603 : i32
    %dma_start3A_605 = arith.constant 5 : i32
    %dma_start3A_606 = arith.constant 0 : i32
    %dma_start3A_607 = arith.constant 0 : i32
    %dma_start3A_608 = tpu.memref_slice %arg6[%dma_start3A_605, %dma_start3A_606, %dma_start3A_607] : memref<6x16x1024xf32, #tpu.memory_space<vmem>> -> memref<1x16x1024xf32, #tpu.memory_space<vmem>>
    %dma_start3A_609 = tpu.memref_squeeze %dma_start3A_608 : memref<1x16x1024xf32, #tpu.memory_space<vmem>> -> memref<16x1024xf32, #tpu.memory_space<vmem>>
    %dma_start3A_610 = arith.constant 0 : i32
    %dma_start3A_611 = tpu.memref_slice %arg4[%add3A_604, %dma_start3A_610] : memref<32768x1024xf32, #tpu.memory_space<hbm>> -> memref<16x1024xf32, #tpu.memory_space<hbm>>
    %dma_start3A_612 = arith.constant 0 : i32
    %dma_start3A_613 = tpu.memref_slice %arg4[%add3A_604, %dma_start3A_612] : memref<32768x1024xf32, #tpu.memory_space<hbm>> -> memref<16x1024xf32, #tpu.memory_space<hbm>>
    %dma_start3A_614 = arith.constant 0 : i32
    %dma_start3A_615 = arith.constant 0 : i32
    %dma_start3A_616 = tpu.memref_slice %arg6[%dma_start3A_605, %dma_start3A_614, %dma_start3A_615] : memref<6x16x1024xf32, #tpu.memory_space<vmem>> -> memref<1x16x1024xf32, #tpu.memory_space<vmem>>
    %dma_start3A_617 = tpu.memref_squeeze %dma_start3A_616 : memref<1x16x1024xf32, #tpu.memory_space<vmem>> -> memref<16x1024xf32, #tpu.memory_space<vmem>>
    tpu.enqueue_dma source(%dma_start3A_617 : memref<16x1024xf32, #tpu.memory_space<vmem>>) target(%dma_start3A_613 : memref<16x1024xf32, #tpu.memory_space<hbm>>) target_semaphore(%arg18 : memref<!tpu.dma_semaphore, #tpu.memory_space<semaphore_mem>>)
    %add3A_618 = arith.constant 896 : i32
    %add3A_619 = arith.addi %mul3A_2, %add3A_618 : i32
    %dma_wait3A_620 = arith.constant 2 : i32
    %dma_wait3A_621 = arith.constant 0 : i32
    %dma_wait3A_622 = arith.constant 0 : i32
    %dma_wait3A_623 = tpu.memref_slice %arg6[%dma_wait3A_620, %dma_wait3A_621, %dma_wait3A_622] : memref<6x16x1024xf32, #tpu.memory_space<vmem>> -> memref<1x16x1024xf32, #tpu.memory_space<vmem>>
    %dma_wait3A_624 = tpu.memref_squeeze %dma_wait3A_623 : memref<1x16x1024xf32, #tpu.memory_space<vmem>> -> memref<16x1024xf32, #tpu.memory_space<vmem>>
    %dma_wait3A_625 = arith.constant 0 : i32
    %dma_wait3A_626 = tpu.memref_slice %arg4[%add3A_619, %dma_wait3A_625] : memref<32768x1024xf32, #tpu.memory_space<hbm>> -> memref<16x1024xf32, #tpu.memory_space<hbm>>
    %dma_wait3A_627 = arith.constant 0 : i32
    %dma_wait3A_628 = tpu.memref_slice %arg4[%add3A_619, %dma_wait3A_627] : memref<32768x1024xf32, #tpu.memory_space<hbm>> -> memref<16x1024xf32, #tpu.memory_space<hbm>>
    %dma_wait3A_629 = arith.constant 0 : i32
    %dma_wait3A_630 = arith.constant 0 : i32
    %dma_wait3A_631 = tpu.memref_slice %arg6[%dma_wait3A_620, %dma_wait3A_629, %dma_wait3A_630] : memref<6x16x1024xf32, #tpu.memory_space<vmem>> -> memref<1x16x1024xf32, #tpu.memory_space<vmem>>
    %dma_wait3A_632 = tpu.memref_squeeze %dma_wait3A_631 : memref<1x16x1024xf32, #tpu.memory_space<vmem>> -> memref<16x1024xf32, #tpu.memory_space<vmem>>
    tpu.wait_dma2 semaphore(%arg15 : memref<!tpu.dma_semaphore, #tpu.memory_space<semaphore_mem>>) src(%dma_wait3A_632 : memref<16x1024xf32, #tpu.memory_space<vmem>>) dst(%dma_wait3A_628 : memref<16x1024xf32, #tpu.memory_space<hbm>>)
    %dma_start3A_633 = arith.constant 62 : i32
    %dma_start3A_634 = arith.constant 2 : i32
    %dma_start3A_635 = arith.constant 0 : i32
    %dma_start3A_636 = arith.constant 0 : i32
    %dma_start3A_637 = tpu.memref_slice %arg6[%dma_start3A_634, %dma_start3A_635, %dma_start3A_636] : memref<6x16x1024xf32, #tpu.memory_space<vmem>> -> memref<1x16x1024xf32, #tpu.memory_space<vmem>>
    %dma_start3A_638 = tpu.memref_squeeze %dma_start3A_637 : memref<1x16x1024xf32, #tpu.memory_space<vmem>> -> memref<16x1024xf32, #tpu.memory_space<vmem>>
    %dma_start3A_639 = arith.constant 0 : i32
    %dma_start3A_640 = tpu.memref_slice %arg5[%dma_start3A_633, %dma_start3A_639] : memref<64x16xi32, #tpu.memory_space<vmem>> -> memref<1x16xi32, #tpu.memory_space<vmem>>
    %dma_start3A_641 = tpu.memref_squeeze %dma_start3A_640 : memref<1x16xi32, #tpu.memory_space<vmem>> -> memref<16xi32, #tpu.memory_space<vmem>>
    %dma_start3A_642 = arith.constant 0 : i32
    %dma_start3A_643 = arith.constant 0 : i32
    %dma_start3A_644 = tpu.memref_slice %arg2[%dma_start3A_642, %dma_start3A_643] : memref<8192x1024xf32, #tpu.memory_space<hbm>> -> memref<8192x1024xf32, #tpu.memory_space<hbm>>
    tpu.enqueue_indirect_dma source(%dma_start3A_644 : memref<8192x1024xf32, #tpu.memory_space<hbm>>) target(%dma_start3A_638 : memref<16x1024xf32, #tpu.memory_space<vmem>>) offsets(%dma_start3A_641 : memref<16xi32, #tpu.memory_space<vmem>>) semaphore(%arg9 : memref<!tpu.dma_semaphore, #tpu.memory_space<semaphore_mem>>)
    %dma_wait3A_645 = arith.constant 60 : i32
    %dma_wait3A_646 = arith.constant 0 : i32
    %dma_wait3A_647 = arith.constant 0 : i32
    %dma_wait3A_648 = arith.constant 0 : i32
    %dma_wait3A_649 = tpu.memref_slice %arg6[%dma_wait3A_646, %dma_wait3A_647, %dma_wait3A_648] : memref<6x16x1024xf32, #tpu.memory_space<vmem>> -> memref<1x16x1024xf32, #tpu.memory_space<vmem>>
    %dma_wait3A_650 = tpu.memref_squeeze %dma_wait3A_649 : memref<1x16x1024xf32, #tpu.memory_space<vmem>> -> memref<16x1024xf32, #tpu.memory_space<vmem>>
    %dma_wait3A_651 = arith.constant 0 : i32
    %dma_wait3A_652 = tpu.memref_slice %arg5[%dma_wait3A_645, %dma_wait3A_651] : memref<64x16xi32, #tpu.memory_space<vmem>> -> memref<1x16xi32, #tpu.memory_space<vmem>>
    %dma_wait3A_653 = tpu.memref_squeeze %dma_wait3A_652 : memref<1x16xi32, #tpu.memory_space<vmem>> -> memref<16xi32, #tpu.memory_space<vmem>>
    %dma_wait3A_654 = arith.constant 0 : i32
    %dma_wait3A_655 = arith.constant 0 : i32
    %dma_wait3A_656 = tpu.memref_slice %arg2[%dma_wait3A_654, %dma_wait3A_655] : memref<8192x1024xf32, #tpu.memory_space<hbm>> -> memref<8192x1024xf32, #tpu.memory_space<hbm>>
    tpu.wait_indirect_dma semaphore(%arg7 : memref<!tpu.dma_semaphore, #tpu.memory_space<semaphore_mem>>) src(%dma_wait3A_656 : memref<8192x1024xf32, #tpu.memory_space<hbm>>) dst(%dma_wait3A_650 : memref<16x1024xf32, #tpu.memory_space<vmem>>)
    %add3A_657 = arith.constant 960 : i32
    %add3A_658 = arith.addi %mul3A_2, %add3A_657 : i32
    %dma_start3A_659 = arith.constant 0 : i32
    %dma_start3A_660 = arith.constant 0 : i32
    %dma_start3A_661 = arith.constant 0 : i32
    %dma_start3A_662 = tpu.memref_slice %arg6[%dma_start3A_659, %dma_start3A_660, %dma_start3A_661] : memref<6x16x1024xf32, #tpu.memory_space<vmem>> -> memref<1x16x1024xf32, #tpu.memory_space<vmem>>
    %dma_start3A_663 = tpu.memref_squeeze %dma_start3A_662 : memref<1x16x1024xf32, #tpu.memory_space<vmem>> -> memref<16x1024xf32, #tpu.memory_space<vmem>>
    %dma_start3A_664 = arith.constant 0 : i32
    %dma_start3A_665 = tpu.memref_slice %arg4[%add3A_658, %dma_start3A_664] : memref<32768x1024xf32, #tpu.memory_space<hbm>> -> memref<16x1024xf32, #tpu.memory_space<hbm>>
    %dma_start3A_666 = arith.constant 0 : i32
    %dma_start3A_667 = tpu.memref_slice %arg4[%add3A_658, %dma_start3A_666] : memref<32768x1024xf32, #tpu.memory_space<hbm>> -> memref<16x1024xf32, #tpu.memory_space<hbm>>
    %dma_start3A_668 = arith.constant 0 : i32
    %dma_start3A_669 = arith.constant 0 : i32
    %dma_start3A_670 = tpu.memref_slice %arg6[%dma_start3A_659, %dma_start3A_668, %dma_start3A_669] : memref<6x16x1024xf32, #tpu.memory_space<vmem>> -> memref<1x16x1024xf32, #tpu.memory_space<vmem>>
    %dma_start3A_671 = tpu.memref_squeeze %dma_start3A_670 : memref<1x16x1024xf32, #tpu.memory_space<vmem>> -> memref<16x1024xf32, #tpu.memory_space<vmem>>
    tpu.enqueue_dma source(%dma_start3A_671 : memref<16x1024xf32, #tpu.memory_space<vmem>>) target(%dma_start3A_667 : memref<16x1024xf32, #tpu.memory_space<hbm>>) target_semaphore(%arg13 : memref<!tpu.dma_semaphore, #tpu.memory_space<semaphore_mem>>)
    %add3A_672 = arith.constant 912 : i32
    %add3A_673 = arith.addi %mul3A_2, %add3A_672 : i32
    %dma_wait3A_674 = arith.constant 3 : i32
    %dma_wait3A_675 = arith.constant 0 : i32
    %dma_wait3A_676 = arith.constant 0 : i32
    %dma_wait3A_677 = tpu.memref_slice %arg6[%dma_wait3A_674, %dma_wait3A_675, %dma_wait3A_676] : memref<6x16x1024xf32, #tpu.memory_space<vmem>> -> memref<1x16x1024xf32, #tpu.memory_space<vmem>>
    %dma_wait3A_678 = tpu.memref_squeeze %dma_wait3A_677 : memref<1x16x1024xf32, #tpu.memory_space<vmem>> -> memref<16x1024xf32, #tpu.memory_space<vmem>>
    %dma_wait3A_679 = arith.constant 0 : i32
    %dma_wait3A_680 = tpu.memref_slice %arg4[%add3A_673, %dma_wait3A_679] : memref<32768x1024xf32, #tpu.memory_space<hbm>> -> memref<16x1024xf32, #tpu.memory_space<hbm>>
    %dma_wait3A_681 = arith.constant 0 : i32
    %dma_wait3A_682 = tpu.memref_slice %arg4[%add3A_673, %dma_wait3A_681] : memref<32768x1024xf32, #tpu.memory_space<hbm>> -> memref<16x1024xf32, #tpu.memory_space<hbm>>
    %dma_wait3A_683 = arith.constant 0 : i32
    %dma_wait3A_684 = arith.constant 0 : i32
    %dma_wait3A_685 = tpu.memref_slice %arg6[%dma_wait3A_674, %dma_wait3A_683, %dma_wait3A_684] : memref<6x16x1024xf32, #tpu.memory_space<vmem>> -> memref<1x16x1024xf32, #tpu.memory_space<vmem>>
    %dma_wait3A_686 = tpu.memref_squeeze %dma_wait3A_685 : memref<1x16x1024xf32, #tpu.memory_space<vmem>> -> memref<16x1024xf32, #tpu.memory_space<vmem>>
    tpu.wait_dma2 semaphore(%arg16 : memref<!tpu.dma_semaphore, #tpu.memory_space<semaphore_mem>>) src(%dma_wait3A_686 : memref<16x1024xf32, #tpu.memory_space<vmem>>) dst(%dma_wait3A_682 : memref<16x1024xf32, #tpu.memory_space<hbm>>)
    %dma_start3A_687 = arith.constant 63 : i32
    %dma_start3A_688 = arith.constant 3 : i32
    %dma_start3A_689 = arith.constant 0 : i32
    %dma_start3A_690 = arith.constant 0 : i32
    %dma_start3A_691 = tpu.memref_slice %arg6[%dma_start3A_688, %dma_start3A_689, %dma_start3A_690] : memref<6x16x1024xf32, #tpu.memory_space<vmem>> -> memref<1x16x1024xf32, #tpu.memory_space<vmem>>
    %dma_start3A_692 = tpu.memref_squeeze %dma_start3A_691 : memref<1x16x1024xf32, #tpu.memory_space<vmem>> -> memref<16x1024xf32, #tpu.memory_space<vmem>>
    %dma_start3A_693 = arith.constant 0 : i32
    %dma_start3A_694 = tpu.memref_slice %arg5[%dma_start3A_687, %dma_start3A_693] : memref<64x16xi32, #tpu.memory_space<vmem>> -> memref<1x16xi32, #tpu.memory_space<vmem>>
    %dma_start3A_695 = tpu.memref_squeeze %dma_start3A_694 : memref<1x16xi32, #tpu.memory_space<vmem>> -> memref<16xi32, #tpu.memory_space<vmem>>
    %dma_start3A_696 = arith.constant 0 : i32
    %dma_start3A_697 = arith.constant 0 : i32
    %dma_start3A_698 = tpu.memref_slice %arg2[%dma_start3A_696, %dma_start3A_697] : memref<8192x1024xf32, #tpu.memory_space<hbm>> -> memref<8192x1024xf32, #tpu.memory_space<hbm>>
    tpu.enqueue_indirect_dma source(%dma_start3A_698 : memref<8192x1024xf32, #tpu.memory_space<hbm>>) target(%dma_start3A_692 : memref<16x1024xf32, #tpu.memory_space<vmem>>) offsets(%dma_start3A_695 : memref<16xi32, #tpu.memory_space<vmem>>) semaphore(%arg10 : memref<!tpu.dma_semaphore, #tpu.memory_space<semaphore_mem>>)
    %dma_wait3A_699 = arith.constant 61 : i32
    %dma_wait3A_700 = arith.constant 1 : i32
    %dma_wait3A_701 = arith.constant 0 : i32
    %dma_wait3A_702 = arith.constant 0 : i32
    %dma_wait3A_703 = tpu.memref_slice %arg6[%dma_wait3A_700, %dma_wait3A_701, %dma_wait3A_702] : memref<6x16x1024xf32, #tpu.memory_space<vmem>> -> memref<1x16x1024xf32, #tpu.memory_space<vmem>>
    %dma_wait3A_704 = tpu.memref_squeeze %dma_wait3A_703 : memref<1x16x1024xf32, #tpu.memory_space<vmem>> -> memref<16x1024xf32, #tpu.memory_space<vmem>>
    %dma_wait3A_705 = arith.constant 0 : i32
    %dma_wait3A_706 = tpu.memref_slice %arg5[%dma_wait3A_699, %dma_wait3A_705] : memref<64x16xi32, #tpu.memory_space<vmem>> -> memref<1x16xi32, #tpu.memory_space<vmem>>
    %dma_wait3A_707 = tpu.memref_squeeze %dma_wait3A_706 : memref<1x16xi32, #tpu.memory_space<vmem>> -> memref<16xi32, #tpu.memory_space<vmem>>
    %dma_wait3A_708 = arith.constant 0 : i32
    %dma_wait3A_709 = arith.constant 0 : i32
    %dma_wait3A_710 = tpu.memref_slice %arg2[%dma_wait3A_708, %dma_wait3A_709] : memref<8192x1024xf32, #tpu.memory_space<hbm>> -> memref<8192x1024xf32, #tpu.memory_space<hbm>>
    tpu.wait_indirect_dma semaphore(%arg8 : memref<!tpu.dma_semaphore, #tpu.memory_space<semaphore_mem>>) src(%dma_wait3A_710 : memref<8192x1024xf32, #tpu.memory_space<hbm>>) dst(%dma_wait3A_704 : memref<16x1024xf32, #tpu.memory_space<vmem>>)
    %add3A_711 = arith.constant 976 : i32
    %add3A_712 = arith.addi %mul3A_2, %add3A_711 : i32
    %dma_start3A_713 = arith.constant 1 : i32
    %dma_start3A_714 = arith.constant 0 : i32
    %dma_start3A_715 = arith.constant 0 : i32
    %dma_start3A_716 = tpu.memref_slice %arg6[%dma_start3A_713, %dma_start3A_714, %dma_start3A_715] : memref<6x16x1024xf32, #tpu.memory_space<vmem>> -> memref<1x16x1024xf32, #tpu.memory_space<vmem>>
    %dma_start3A_717 = tpu.memref_squeeze %dma_start3A_716 : memref<1x16x1024xf32, #tpu.memory_space<vmem>> -> memref<16x1024xf32, #tpu.memory_space<vmem>>
    %dma_start3A_718 = arith.constant 0 : i32
    %dma_start3A_719 = tpu.memref_slice %arg4[%add3A_712, %dma_start3A_718] : memref<32768x1024xf32, #tpu.memory_space<hbm>> -> memref<16x1024xf32, #tpu.memory_space<hbm>>
    %dma_start3A_720 = arith.constant 0 : i32
    %dma_start3A_721 = tpu.memref_slice %arg4[%add3A_712, %dma_start3A_720] : memref<32768x1024xf32, #tpu.memory_space<hbm>> -> memref<16x1024xf32, #tpu.memory_space<hbm>>
    %dma_start3A_722 = arith.constant 0 : i32
    %dma_start3A_723 = arith.constant 0 : i32
    %dma_start3A_724 = tpu.memref_slice %arg6[%dma_start3A_713, %dma_start3A_722, %dma_start3A_723] : memref<6x16x1024xf32, #tpu.memory_space<vmem>> -> memref<1x16x1024xf32, #tpu.memory_space<vmem>>
    %dma_start3A_725 = tpu.memref_squeeze %dma_start3A_724 : memref<1x16x1024xf32, #tpu.memory_space<vmem>> -> memref<16x1024xf32, #tpu.memory_space<vmem>>
    tpu.enqueue_dma source(%dma_start3A_725 : memref<16x1024xf32, #tpu.memory_space<vmem>>) target(%dma_start3A_721 : memref<16x1024xf32, #tpu.memory_space<hbm>>) target_semaphore(%arg14 : memref<!tpu.dma_semaphore, #tpu.memory_space<semaphore_mem>>)
    %dma_wait3A_726 = arith.constant 62 : i32
    %dma_wait3A_727 = arith.constant 2 : i32
    %dma_wait3A_728 = arith.constant 0 : i32
    %dma_wait3A_729 = arith.constant 0 : i32
    %dma_wait3A_730 = tpu.memref_slice %arg6[%dma_wait3A_727, %dma_wait3A_728, %dma_wait3A_729] : memref<6x16x1024xf32, #tpu.memory_space<vmem>> -> memref<1x16x1024xf32, #tpu.memory_space<vmem>>
    %dma_wait3A_731 = tpu.memref_squeeze %dma_wait3A_730 : memref<1x16x1024xf32, #tpu.memory_space<vmem>> -> memref<16x1024xf32, #tpu.memory_space<vmem>>
    %dma_wait3A_732 = arith.constant 0 : i32
    %dma_wait3A_733 = tpu.memref_slice %arg5[%dma_wait3A_726, %dma_wait3A_732] : memref<64x16xi32, #tpu.memory_space<vmem>> -> memref<1x16xi32, #tpu.memory_space<vmem>>
    %dma_wait3A_734 = tpu.memref_squeeze %dma_wait3A_733 : memref<1x16xi32, #tpu.memory_space<vmem>> -> memref<16xi32, #tpu.memory_space<vmem>>
    %dma_wait3A_735 = arith.constant 0 : i32
    %dma_wait3A_736 = arith.constant 0 : i32
    %dma_wait3A_737 = tpu.memref_slice %arg2[%dma_wait3A_735, %dma_wait3A_736] : memref<8192x1024xf32, #tpu.memory_space<hbm>> -> memref<8192x1024xf32, #tpu.memory_space<hbm>>
    tpu.wait_indirect_dma semaphore(%arg9 : memref<!tpu.dma_semaphore, #tpu.memory_space<semaphore_mem>>) src(%dma_wait3A_737 : memref<8192x1024xf32, #tpu.memory_space<hbm>>) dst(%dma_wait3A_731 : memref<16x1024xf32, #tpu.memory_space<vmem>>)
    %add3A_738 = arith.constant 992 : i32
    %add3A_739 = arith.addi %mul3A_2, %add3A_738 : i32
    %dma_start3A_740 = arith.constant 2 : i32
    %dma_start3A_741 = arith.constant 0 : i32
    %dma_start3A_742 = arith.constant 0 : i32
    %dma_start3A_743 = tpu.memref_slice %arg6[%dma_start3A_740, %dma_start3A_741, %dma_start3A_742] : memref<6x16x1024xf32, #tpu.memory_space<vmem>> -> memref<1x16x1024xf32, #tpu.memory_space<vmem>>
    %dma_start3A_744 = tpu.memref_squeeze %dma_start3A_743 : memref<1x16x1024xf32, #tpu.memory_space<vmem>> -> memref<16x1024xf32, #tpu.memory_space<vmem>>
    %dma_start3A_745 = arith.constant 0 : i32
    %dma_start3A_746 = tpu.memref_slice %arg4[%add3A_739, %dma_start3A_745] : memref<32768x1024xf32, #tpu.memory_space<hbm>> -> memref<16x1024xf32, #tpu.memory_space<hbm>>
    %dma_start3A_747 = arith.constant 0 : i32
    %dma_start3A_748 = tpu.memref_slice %arg4[%add3A_739, %dma_start3A_747] : memref<32768x1024xf32, #tpu.memory_space<hbm>> -> memref<16x1024xf32, #tpu.memory_space<hbm>>
    %dma_start3A_749 = arith.constant 0 : i32
    %dma_start3A_750 = arith.constant 0 : i32
    %dma_start3A_751 = tpu.memref_slice %arg6[%dma_start3A_740, %dma_start3A_749, %dma_start3A_750] : memref<6x16x1024xf32, #tpu.memory_space<vmem>> -> memref<1x16x1024xf32, #tpu.memory_space<vmem>>
    %dma_start3A_752 = tpu.memref_squeeze %dma_start3A_751 : memref<1x16x1024xf32, #tpu.memory_space<vmem>> -> memref<16x1024xf32, #tpu.memory_space<vmem>>
    tpu.enqueue_dma source(%dma_start3A_752 : memref<16x1024xf32, #tpu.memory_space<vmem>>) target(%dma_start3A_748 : memref<16x1024xf32, #tpu.memory_space<hbm>>) target_semaphore(%arg15 : memref<!tpu.dma_semaphore, #tpu.memory_space<semaphore_mem>>)
    %dma_wait3A_753 = arith.constant 63 : i32
    %dma_wait3A_754 = arith.constant 3 : i32
    %dma_wait3A_755 = arith.constant 0 : i32
    %dma_wait3A_756 = arith.constant 0 : i32
    %dma_wait3A_757 = tpu.memref_slice %arg6[%dma_wait3A_754, %dma_wait3A_755, %dma_wait3A_756] : memref<6x16x1024xf32, #tpu.memory_space<vmem>> -> memref<1x16x1024xf32, #tpu.memory_space<vmem>>
    %dma_wait3A_758 = tpu.memref_squeeze %dma_wait3A_757 : memref<1x16x1024xf32, #tpu.memory_space<vmem>> -> memref<16x1024xf32, #tpu.memory_space<vmem>>
    %dma_wait3A_759 = arith.constant 0 : i32
    %dma_wait3A_760 = tpu.memref_slice %arg5[%dma_wait3A_753, %dma_wait3A_759] : memref<64x16xi32, #tpu.memory_space<vmem>> -> memref<1x16xi32, #tpu.memory_space<vmem>>
    %dma_wait3A_761 = tpu.memref_squeeze %dma_wait3A_760 : memref<1x16xi32, #tpu.memory_space<vmem>> -> memref<16xi32, #tpu.memory_space<vmem>>
    %dma_wait3A_762 = arith.constant 0 : i32
    %dma_wait3A_763 = arith.constant 0 : i32
    %dma_wait3A_764 = tpu.memref_slice %arg2[%dma_wait3A_762, %dma_wait3A_763] : memref<8192x1024xf32, #tpu.memory_space<hbm>> -> memref<8192x1024xf32, #tpu.memory_space<hbm>>
    tpu.wait_indirect_dma semaphore(%arg10 : memref<!tpu.dma_semaphore, #tpu.memory_space<semaphore_mem>>) src(%dma_wait3A_764 : memref<8192x1024xf32, #tpu.memory_space<hbm>>) dst(%dma_wait3A_758 : memref<16x1024xf32, #tpu.memory_space<vmem>>)
    %add3A_765 = arith.constant 1008 : i32
    %add3A_766 = arith.addi %mul3A_2, %add3A_765 : i32
    %dma_start3A_767 = arith.constant 3 : i32
    %dma_start3A_768 = arith.constant 0 : i32
    %dma_start3A_769 = arith.constant 0 : i32
    %dma_start3A_770 = tpu.memref_slice %arg6[%dma_start3A_767, %dma_start3A_768, %dma_start3A_769] : memref<6x16x1024xf32, #tpu.memory_space<vmem>> -> memref<1x16x1024xf32, #tpu.memory_space<vmem>>
    %dma_start3A_771 = tpu.memref_squeeze %dma_start3A_770 : memref<1x16x1024xf32, #tpu.memory_space<vmem>> -> memref<16x1024xf32, #tpu.memory_space<vmem>>
    %dma_start3A_772 = arith.constant 0 : i32
    %dma_start3A_773 = tpu.memref_slice %arg4[%add3A_766, %dma_start3A_772] : memref<32768x1024xf32, #tpu.memory_space<hbm>> -> memref<16x1024xf32, #tpu.memory_space<hbm>>
    %dma_start3A_774 = arith.constant 0 : i32
    %dma_start3A_775 = tpu.memref_slice %arg4[%add3A_766, %dma_start3A_774] : memref<32768x1024xf32, #tpu.memory_space<hbm>> -> memref<16x1024xf32, #tpu.memory_space<hbm>>
    %dma_start3A_776 = arith.constant 0 : i32
    %dma_start3A_777 = arith.constant 0 : i32
    %dma_start3A_778 = tpu.memref_slice %arg6[%dma_start3A_767, %dma_start3A_776, %dma_start3A_777] : memref<6x16x1024xf32, #tpu.memory_space<vmem>> -> memref<1x16x1024xf32, #tpu.memory_space<vmem>>
    %dma_start3A_779 = tpu.memref_squeeze %dma_start3A_778 : memref<1x16x1024xf32, #tpu.memory_space<vmem>> -> memref<16x1024xf32, #tpu.memory_space<vmem>>
    tpu.enqueue_dma source(%dma_start3A_779 : memref<16x1024xf32, #tpu.memory_space<vmem>>) target(%dma_start3A_775 : memref<16x1024xf32, #tpu.memory_space<hbm>>) target_semaphore(%arg16 : memref<!tpu.dma_semaphore, #tpu.memory_space<semaphore_mem>>)
    %add3A_780 = arith.constant 928 : i32
    %add3A_781 = arith.addi %mul3A_2, %add3A_780 : i32
    %dma_wait3A_782 = arith.constant 4 : i32
    %dma_wait3A_783 = arith.constant 0 : i32
    %dma_wait3A_784 = arith.constant 0 : i32
    %dma_wait3A_785 = tpu.memref_slice %arg6[%dma_wait3A_782, %dma_wait3A_783, %dma_wait3A_784] : memref<6x16x1024xf32, #tpu.memory_space<vmem>> -> memref<1x16x1024xf32, #tpu.memory_space<vmem>>
    %dma_wait3A_786 = tpu.memref_squeeze %dma_wait3A_785 : memref<1x16x1024xf32, #tpu.memory_space<vmem>> -> memref<16x1024xf32, #tpu.memory_space<vmem>>
    %dma_wait3A_787 = arith.constant 0 : i32
    %dma_wait3A_788 = tpu.memref_slice %arg4[%add3A_781, %dma_wait3A_787] : memref<32768x1024xf32, #tpu.memory_space<hbm>> -> memref<16x1024xf32, #tpu.memory_space<hbm>>
    %dma_wait3A_789 = arith.constant 0 : i32
    %dma_wait3A_790 = tpu.memref_slice %arg4[%add3A_781, %dma_wait3A_789] : memref<32768x1024xf32, #tpu.memory_space<hbm>> -> memref<16x1024xf32, #tpu.memory_space<hbm>>
    %dma_wait3A_791 = arith.constant 0 : i32
    %dma_wait3A_792 = arith.constant 0 : i32
    %dma_wait3A_793 = tpu.memref_slice %arg6[%dma_wait3A_782, %dma_wait3A_791, %dma_wait3A_792] : memref<6x16x1024xf32, #tpu.memory_space<vmem>> -> memref<1x16x1024xf32, #tpu.memory_space<vmem>>
    %dma_wait3A_794 = tpu.memref_squeeze %dma_wait3A_793 : memref<1x16x1024xf32, #tpu.memory_space<vmem>> -> memref<16x1024xf32, #tpu.memory_space<vmem>>
    tpu.wait_dma2 semaphore(%arg17 : memref<!tpu.dma_semaphore, #tpu.memory_space<semaphore_mem>>) src(%dma_wait3A_794 : memref<16x1024xf32, #tpu.memory_space<vmem>>) dst(%dma_wait3A_790 : memref<16x1024xf32, #tpu.memory_space<hbm>>)
    %add3A_795 = arith.constant 944 : i32
    %add3A_796 = arith.addi %mul3A_2, %add3A_795 : i32
    %dma_wait3A_797 = arith.constant 5 : i32
    %dma_wait3A_798 = arith.constant 0 : i32
    %dma_wait3A_799 = arith.constant 0 : i32
    %dma_wait3A_800 = tpu.memref_slice %arg6[%dma_wait3A_797, %dma_wait3A_798, %dma_wait3A_799] : memref<6x16x1024xf32, #tpu.memory_space<vmem>> -> memref<1x16x1024xf32, #tpu.memory_space<vmem>>
    %dma_wait3A_801 = tpu.memref_squeeze %dma_wait3A_800 : memref<1x16x1024xf32, #tpu.memory_space<vmem>> -> memref<16x1024xf32, #tpu.memory_space<vmem>>
    %dma_wait3A_802 = arith.constant 0 : i32
    %dma_wait3A_803 = tpu.memref_slice %arg4[%add3A_796, %dma_wait3A_802] : memref<32768x1024xf32, #tpu.memory_space<hbm>> -> memref<16x1024xf32, #tpu.memory_space<hbm>>
    %dma_wait3A_804 = arith.constant 0 : i32
    %dma_wait3A_805 = tpu.memref_slice %arg4[%add3A_796, %dma_wait3A_804] : memref<32768x1024xf32, #tpu.memory_space<hbm>> -> memref<16x1024xf32, #tpu.memory_space<hbm>>
    %dma_wait3A_806 = arith.constant 0 : i32
    %dma_wait3A_807 = arith.constant 0 : i32
    %dma_wait3A_808 = tpu.memref_slice %arg6[%dma_wait3A_797, %dma_wait3A_806, %dma_wait3A_807] : memref<6x16x1024xf32, #tpu.memory_space<vmem>> -> memref<1x16x1024xf32, #tpu.memory_space<vmem>>
    %dma_wait3A_809 = tpu.memref_squeeze %dma_wait3A_808 : memref<1x16x1024xf32, #tpu.memory_space<vmem>> -> memref<16x1024xf32, #tpu.memory_space<vmem>>
    tpu.wait_dma2 semaphore(%arg18 : memref<!tpu.dma_semaphore, #tpu.memory_space<semaphore_mem>>) src(%dma_wait3A_809 : memref<16x1024xf32, #tpu.memory_space<vmem>>) dst(%dma_wait3A_805 : memref<16x1024xf32, #tpu.memory_space<hbm>>)
    %add3A_810 = arith.constant 960 : i32
    %add3A_811 = arith.addi %mul3A_2, %add3A_810 : i32
    %dma_wait3A_812 = arith.constant 0 : i32
    %dma_wait3A_813 = arith.constant 0 : i32
    %dma_wait3A_814 = arith.constant 0 : i32
    %dma_wait3A_815 = tpu.memref_slice %arg6[%dma_wait3A_812, %dma_wait3A_813, %dma_wait3A_814] : memref<6x16x1024xf32, #tpu.memory_space<vmem>> -> memref<1x16x1024xf32, #tpu.memory_space<vmem>>
    %dma_wait3A_816 = tpu.memref_squeeze %dma_wait3A_815 : memref<1x16x1024xf32, #tpu.memory_space<vmem>> -> memref<16x1024xf32, #tpu.memory_space<vmem>>
    %dma_wait3A_817 = arith.constant 0 : i32
    %dma_wait3A_818 = tpu.memref_slice %arg4[%add3A_811, %dma_wait3A_817] : memref<32768x1024xf32, #tpu.memory_space<hbm>> -> memref<16x1024xf32, #tpu.memory_space<hbm>>
    %dma_wait3A_819 = arith.constant 0 : i32
    %dma_wait3A_820 = tpu.memref_slice %arg4[%add3A_811, %dma_wait3A_819] : memref<32768x1024xf32, #tpu.memory_space<hbm>> -> memref<16x1024xf32, #tpu.memory_space<hbm>>
    %dma_wait3A_821 = arith.constant 0 : i32
    %dma_wait3A_822 = arith.constant 0 : i32
    %dma_wait3A_823 = tpu.memref_slice %arg6[%dma_wait3A_812, %dma_wait3A_821, %dma_wait3A_822] : memref<6x16x1024xf32, #tpu.memory_space<vmem>> -> memref<1x16x1024xf32, #tpu.memory_space<vmem>>
    %dma_wait3A_824 = tpu.memref_squeeze %dma_wait3A_823 : memref<1x16x1024xf32, #tpu.memory_space<vmem>> -> memref<16x1024xf32, #tpu.memory_space<vmem>>
    tpu.wait_dma2 semaphore(%arg13 : memref<!tpu.dma_semaphore, #tpu.memory_space<semaphore_mem>>) src(%dma_wait3A_824 : memref<16x1024xf32, #tpu.memory_space<vmem>>) dst(%dma_wait3A_820 : memref<16x1024xf32, #tpu.memory_space<hbm>>)
    %add3A_825 = arith.constant 976 : i32
    %add3A_826 = arith.addi %mul3A_2, %add3A_825 : i32
    %dma_wait3A_827 = arith.constant 1 : i32
    %dma_wait3A_828 = arith.constant 0 : i32
    %dma_wait3A_829 = arith.constant 0 : i32
    %dma_wait3A_830 = tpu.memref_slice %arg6[%dma_wait3A_827, %dma_wait3A_828, %dma_wait3A_829] : memref<6x16x1024xf32, #tpu.memory_space<vmem>> -> memref<1x16x1024xf32, #tpu.memory_space<vmem>>
    %dma_wait3A_831 = tpu.memref_squeeze %dma_wait3A_830 : memref<1x16x1024xf32, #tpu.memory_space<vmem>> -> memref<16x1024xf32, #tpu.memory_space<vmem>>
    %dma_wait3A_832 = arith.constant 0 : i32
    %dma_wait3A_833 = tpu.memref_slice %arg4[%add3A_826, %dma_wait3A_832] : memref<32768x1024xf32, #tpu.memory_space<hbm>> -> memref<16x1024xf32, #tpu.memory_space<hbm>>
    %dma_wait3A_834 = arith.constant 0 : i32
    %dma_wait3A_835 = tpu.memref_slice %arg4[%add3A_826, %dma_wait3A_834] : memref<32768x1024xf32, #tpu.memory_space<hbm>> -> memref<16x1024xf32, #tpu.memory_space<hbm>>
    %dma_wait3A_836 = arith.constant 0 : i32
    %dma_wait3A_837 = arith.constant 0 : i32
    %dma_wait3A_838 = tpu.memref_slice %arg6[%dma_wait3A_827, %dma_wait3A_836, %dma_wait3A_837] : memref<6x16x1024xf32, #tpu.memory_space<vmem>> -> memref<1x16x1024xf32, #tpu.memory_space<vmem>>
    %dma_wait3A_839 = tpu.memref_squeeze %dma_wait3A_838 : memref<1x16x1024xf32, #tpu.memory_space<vmem>> -> memref<16x1024xf32, #tpu.memory_space<vmem>>
    tpu.wait_dma2 semaphore(%arg14 : memref<!tpu.dma_semaphore, #tpu.memory_space<semaphore_mem>>) src(%dma_wait3A_839 : memref<16x1024xf32, #tpu.memory_space<vmem>>) dst(%dma_wait3A_835 : memref<16x1024xf32, #tpu.memory_space<hbm>>)
    %add3A_840 = arith.constant 992 : i32
    %add3A_841 = arith.addi %mul3A_2, %add3A_840 : i32
    %dma_wait3A_842 = arith.constant 2 : i32
    %dma_wait3A_843 = arith.constant 0 : i32
    %dma_wait3A_844 = arith.constant 0 : i32
    %dma_wait3A_845 = tpu.memref_slice %arg6[%dma_wait3A_842, %dma_wait3A_843, %dma_wait3A_844] : memref<6x16x1024xf32, #tpu.memory_space<vmem>> -> memref<1x16x1024xf32, #tpu.memory_space<vmem>>
    %dma_wait3A_846 = tpu.memref_squeeze %dma_wait3A_845 : memref<1x16x1024xf32, #tpu.memory_space<vmem>> -> memref<16x1024xf32, #tpu.memory_space<vmem>>
    %dma_wait3A_847 = arith.constant 0 : i32
    %dma_wait3A_848 = tpu.memref_slice %arg4[%add3A_841, %dma_wait3A_847] : memref<32768x1024xf32, #tpu.memory_space<hbm>> -> memref<16x1024xf32, #tpu.memory_space<hbm>>
    %dma_wait3A_849 = arith.constant 0 : i32
    %dma_wait3A_850 = tpu.memref_slice %arg4[%add3A_841, %dma_wait3A_849] : memref<32768x1024xf32, #tpu.memory_space<hbm>> -> memref<16x1024xf32, #tpu.memory_space<hbm>>
    %dma_wait3A_851 = arith.constant 0 : i32
    %dma_wait3A_852 = arith.constant 0 : i32
    %dma_wait3A_853 = tpu.memref_slice %arg6[%dma_wait3A_842, %dma_wait3A_851, %dma_wait3A_852] : memref<6x16x1024xf32, #tpu.memory_space<vmem>> -> memref<1x16x1024xf32, #tpu.memory_space<vmem>>
    %dma_wait3A_854 = tpu.memref_squeeze %dma_wait3A_853 : memref<1x16x1024xf32, #tpu.memory_space<vmem>> -> memref<16x1024xf32, #tpu.memory_space<vmem>>
    tpu.wait_dma2 semaphore(%arg15 : memref<!tpu.dma_semaphore, #tpu.memory_space<semaphore_mem>>) src(%dma_wait3A_854 : memref<16x1024xf32, #tpu.memory_space<vmem>>) dst(%dma_wait3A_850 : memref<16x1024xf32, #tpu.memory_space<hbm>>)
    %add3A_855 = arith.constant 1008 : i32
    %add3A_856 = arith.addi %mul3A_2, %add3A_855 : i32
    %dma_wait3A_857 = arith.constant 3 : i32
    %dma_wait3A_858 = arith.constant 0 : i32
    %dma_wait3A_859 = arith.constant 0 : i32
    %dma_wait3A_860 = tpu.memref_slice %arg6[%dma_wait3A_857, %dma_wait3A_858, %dma_wait3A_859] : memref<6x16x1024xf32, #tpu.memory_space<vmem>> -> memref<1x16x1024xf32, #tpu.memory_space<vmem>>
    %dma_wait3A_861 = tpu.memref_squeeze %dma_wait3A_860 : memref<1x16x1024xf32, #tpu.memory_space<vmem>> -> memref<16x1024xf32, #tpu.memory_space<vmem>>
    %dma_wait3A_862 = arith.constant 0 : i32
    %dma_wait3A_863 = tpu.memref_slice %arg4[%add3A_856, %dma_wait3A_862] : memref<32768x1024xf32, #tpu.memory_space<hbm>> -> memref<16x1024xf32, #tpu.memory_space<hbm>>
    %dma_wait3A_864 = arith.constant 0 : i32
    %dma_wait3A_865 = tpu.memref_slice %arg4[%add3A_856, %dma_wait3A_864] : memref<32768x1024xf32, #tpu.memory_space<hbm>> -> memref<16x1024xf32, #tpu.memory_space<hbm>>
    %dma_wait3A_866 = arith.constant 0 : i32
    %dma_wait3A_867 = arith.constant 0 : i32
    %dma_wait3A_868 = tpu.memref_slice %arg6[%dma_wait3A_857, %dma_wait3A_866, %dma_wait3A_867] : memref<6x16x1024xf32, #tpu.memory_space<vmem>> -> memref<1x16x1024xf32, #tpu.memory_space<vmem>>
    %dma_wait3A_869 = tpu.memref_squeeze %dma_wait3A_868 : memref<1x16x1024xf32, #tpu.memory_space<vmem>> -> memref<16x1024xf32, #tpu.memory_space<vmem>>
    tpu.wait_dma2 semaphore(%arg16 : memref<!tpu.dma_semaphore, #tpu.memory_space<semaphore_mem>>) src(%dma_wait3A_869 : memref<16x1024xf32, #tpu.memory_space<vmem>>) dst(%dma_wait3A_865 : memref<16x1024xf32, #tpu.memory_space<hbm>>)
    return
  }
}

module attributes {stable_mosaic.version = 14 : i64} {
  func.func @_normalize_rows_body(%arg0: i32, %arg1: memref<2048x1024xf32, #tpu.memory_space<vmem>>, %arg2: memref<2048x1024xf32, #tpu.memory_space<vmem>>) attributes {dimension_semantics = [#tpu.dimension_semantics<arbitrary>], iteration_bounds = array<i64: 4>, scalar_prefetch = 0 : i64, scratch_operands = 0 : i64, tpu.core_type = #tpu.core_type<tc>, window_params = [{transform_indices = @transform_0, window_bounds = array<i64: 2048, 1024>}, {transform_indices = @transform_1, window_bounds = array<i64: 2048, 1024>}]} {
    %get3A = arith.constant 0 : index
    %get3A_0 = arith.constant 0 : index
    %get3A_1 = vector.load %arg1[%get3A, %get3A_0] : memref<2048x1024xf32, #tpu.memory_space<vmem>>, vector<2048x1024xf32>
    %mul3A = arith.mulf %get3A_1, %get3A_1 : vector<2048x1024xf32>
    %reduce_sum3A = arith.constant dense<0.000000e+00> : vector<2048xf32>
    %reduce_sum3A_2 = vector.multi_reduction <add>, %mul3A, %reduce_sum3A [1] : vector<2048x1024xf32> to vector<2048xf32>
    %broadcast_in_dim3A = vector.shape_cast %reduce_sum3A_2 : vector<2048xf32> to vector<2048x1xf32>
    %sqrt3A = math.sqrt %broadcast_in_dim3A : vector<2048x1xf32>
    %max3A = arith.constant 9.99999996E-13 : f32
    %max3A_3 = vector.broadcast %max3A : f32 to vector<2048x1xf32>
    %max3A_4 = arith.maximumf %sqrt3A, %max3A_3 : vector<2048x1xf32>
    %div3A = arith.constant 1.000000e+00 : f32
    %div3A_5 = vector.broadcast %div3A : f32 to vector<2048x1xf32>
    %div3A_6 = arith.divf %div3A_5, %max3A_4 : vector<2048x1xf32>
    %mul3A_7 = vector.broadcast %div3A_6 : vector<2048x1xf32> to vector<2048x1024xf32>
    %mul3A_8 = arith.mulf %get3A_1, %mul3A_7 : vector<2048x1024xf32>
    %swap3A = arith.constant 0 : index
    %swap3A_9 = arith.constant 0 : index
    %swap3A_10 = vector.load %arg2[%swap3A, %swap3A_9] : memref<2048x1024xf32, #tpu.memory_space<vmem>>, vector<2048x1024xf32>
    tpu.vector_store %arg2[%swap3A, %swap3A_9], %mul3A_8 {strides = array<i32>} : memref<2048x1024xf32, #tpu.memory_space<vmem>>, vector<2048x1024xf32>,
    return
  }
  func.func @transform_0(%arg0: i32) -> (i32, i32) {
    %c0_i32 = arith.constant 0 : i32
    %c0_i32_0 = arith.constant 0 : i32
    return %arg0, %c0_i32 : i32, i32
  }
  func.func @transform_1(%arg0: i32) -> (i32, i32) {
    %c0_i32 = arith.constant 0 : i32
    %c0_i32_0 = arith.constant 0 : i32
    return %arg0, %c0_i32 : i32, i32
  }
}

</mosaic_0001>

<sc_bundles>
// kernel: kernel.4.cloned.1.call-start
scs
__scs_entry_jumppad:
0x0: {  	(pc) =	sbr.rel $0x88, $3  }
0x1: {  	(tag) =	ssettag $0x0;
	lr =	simm.s32 $0x1  }
0x2: {  	[smem:$0x3F9F] =	sst lr;
	_ =	strace $0xD0000000  }
0x3: {  	_ = 	snop  }
0x4: {  	_ = 	snop  }
0x5: {  	_ = 	snop  }
0x6: {  	_ = 	snop  }
0x7: {  	_ = 	snop  }
__scs_overlays_trampoline_lowered:
0x8: {  	[smem:$0x3FAE] =	sst s0  }
0x9: {  	[smem:$0x3FAF] =	sst s1  }
0xa: {  	[smem:$0x3FB0] =	sst s2  }
0xb: {  	[smem:$0x3FB1] =	sst s3  }
0xc: {  	[smem:$0x3FB2] =	sst s4  }
0xd: {  	[smem:$0x3FB3] =	sst s5  }
0xe: {  	[smem:$0x3FB4] =	sst s6  }
0xf: {  	[smem:$0x3FB5] =	sst s7  }
0x10: {  	[smem:$0x3FB6] =	sst s8  }
0x11: {  	[smem:$0x3FB7] =	sst s9;
	s0 =	simm.s32 @!p0 $0x0  }
0x12: {  	s1 =	sld [smem:$0x3F9D];
	s0 =	simm.s32 @p0 $0x1  }
0x13: {  	[smem:$0x3FB8] =	sst s0;
	s0 =	simm.s32 @!p1 $0x0  }
0x14: {  	s2 =	sld [smem:$0x3F9C];
	s0 =	simm.s32 @p1 $0x1  }
0x15: {  	[smem:$0x3FB9] =	sst s0;
	s0 =	simm.s32 @!p2 $0x0  }
0x16: {  	s3 =	sld [smem:$0x3FDB];
	s0 =	simm.s32 @p2 $0x1  }
0x17: {  	s4 =	simm.s32 $0x1BF5;
	[smem:$0x3FBB] =	sst s0  }
0x18: {  	s0 =	sld [smem:$0x3F9E];
	_ =	swait.ge [sflag:s4], $0x0  }
0x19: {  	s7 =	sld [smem:$0x3F9F]  }
0x1a: {  	s8 =	sadd.s32 $0xFFFFE003, lr  }
0x1b: {  	s9 =	sadd.s32 $0xFFFFFEF7, lr;
	s5 =	simm.s32 $0xFFFFFFFF;
	p2 =	slt.u32 s8, $0xFFFFF086  }
0x1c: {  	p1 =	slt.u32 s9, $0xF7A;
	s5 =	simm.s32 @!p2 $0x0  }
0x1d: {  	s5 =	simm.s32 @p1 $0x1;
	p0 =	seq.s32 s7, s2  }
0x1e: {  	s7 =	smul.u32 @!p0 $0xF7A, s2;
	p2 =	seq.s32 @!p0 s5, $0x0  }
0x1f: {  	s9 =	smul.u32 $0xF7A, s1;
	s8 =	simm.s32 @!p0 $0x1BF5;
	p2 =	por !p2, p0  }
0x20: {  	[sflag:s8] =	ssyncset.s32 @!p0 $0xFFFFF086;
	s6 =	sadd.s32 @!p0 s3, s7;
	s7 =	simm.s32 @!p0 $0x108  }
0x21: {  	s3 =	sadd.s32 s3, s9;
	s6 =	sadd.s32 @!p0 $0x88, s6;
	s7 =	simm.s32 @p2 $0x1082  }
0x22: {  	[simem:s7], [sflag:s8] =	dma.local @!p0 [hbm:s6], $0xF7A  }
0x23: {  	s9 =	sor.u32 $0xD0000000, s2;
	s6 =	simm.s32 $0x108;
	_ =	swait.ge @!p0 [sflag:s8], $0x0  }
0x24: {  	s3 =	sadd.s32 $0x88, s3;
	s6 =	simm.s32 @!p1 $0x1082;
	[sflag:s4] =	ssyncset.s32 $0xFFFFF086  }
0x25: {  	[simem:s6], [sflag:s4] =	dma.local [hbm:s3], $0xF7A  }
0x26: {  	[smem:$0x3F9F] =	sst s1;
	(tag) =	ssettag s2;
	_ =	strace s9  }
0x27: {  	s1 =	sld [smem:$0x3FAF]  }
0x28: {  	s2 =	sld [smem:$0x3FB0]  }
0x29: {  	s4 =	sld [smem:$0x3FB2]  }
0x2a: {  	p0 =	seq.s32 s5, $0x0;
	s5 =	sld [smem:$0x3FB3]  }
0x2b: {  	s6 =	sld [smem:$0x3FB4]  }
0x2c: {  	s7 =	sld [smem:$0x3FB5]  }
0x2d: {  	s3 =	simm.s32 $0x108;
	s8 =	sld [smem:$0x3FB6]  }
0x2e: {  	s3 =	simm.s32 @!p0 $0x1082;
	s9 =	sld [smem:$0x3FB7]  }
0x2f: {  	lr =	sadd.s32 s0, s3;
	s0 =	sld [smem:$0x3FAE]  }
0x30: {  	s3 =	sld [smem:$0x3FB1]  }
0x31: {  	[smem:$0x3FBA] =	sst s10  }
0x32: {  	s10 =	sld [smem:$0x3FB8];
	_ =	sdelay $0x3  }
0x33: {  	p0 =	seq.s32 s10, $0x1;
	s10 =	sld [smem:$0x3FBA];
	_ =	sdelay $0x3  }
0x34: {  	[smem:$0x3FBA] =	sst s10  }
0x35: {  	s10 =	sld [smem:$0x3FB9];
	_ =	sdelay $0x3  }
0x36: {  	p1 =	seq.s32 s10, $0x1;
	s10 =	sld [smem:$0x3FBA];
	_ =	sdelay $0x3  }
0x37: {  	[smem:$0x3FBA] =	sst s10  }
0x38: {  	s10 =	sld [smem:$0x3FBB]  }
0x39: {  	_ = 	snop;
	(pc) =	sbr.ind lr, $3  }
0x3a: {  	_ = 	snop  }
0x3b: {  	_ = 	snop  }
0x3c: {  	p2 =	seq.s32 s10, $0x1;
	s10 =	sld [smem:$0x3FBA]  }
0x3d: {  	_ =	shalt  }
0x3e: {  	_ =	shalt  }
0x3f: {  	_ =	shalt  }
0x40: {  	_ =	shalt  }
0x41: {  	_ =	shalt  }
0x42: {  	_ =	shalt  }
0x43: {  	_ =	shalt  }
0x44: {  	_ =	shalt  }
0x45: {  	_ =	shalt  }
0x46: {  	_ =	shalt  }
0x47: {  	_ =	shalt  }
0x48: {  	_ =	shalt  }
0x49: {  	_ =	shalt  }
0x4a: {  	_ =	shalt  }
0x4b: {  	_ =	shalt  }
0x4c: {  	_ =	shalt  }
0x4d: {  	_ =	shalt  }
0x4e: {  	_ =	shalt  }
0x4f: {  	_ =	shalt  }
0x50: {  	_ =	shalt  }
0x51: {  	_ =	shalt  }
0x52: {  	_ =	shalt  }
0x53: {  	_ =	shalt  }
0x54: {  	_ =	shalt  }
0x55: {  	_ =	shalt  }
0x56: {  	_ =	shalt  }
0x57: {  	_ =	shalt  }
0x58: {  	_ =	shalt  }
0x59: {  	_ =	shalt  }
0x5a: {  	_ =	shalt  }
0x5b: {  	_ =	shalt  }
0x5c: {  	_ =	shalt  }
0x5d: {  	_ =	shalt  }
0x5e: {  	_ =	shalt  }
0x5f: {  	_ =	shalt  }
0x60: {  	_ =	shalt  }
0x61: {  	_ =	shalt  }
0x62: {  	_ =	shalt  }
0x63: {  	_ =	shalt  }
0x64: {  	_ =	shalt  }
0x65: {  	_ =	shalt  }
0x66: {  	_ =	shalt  }
0x67: {  	_ =	shalt  }
0x68: {  	_ =	shalt  }
0x69: {  	_ =	shalt  }
0x6a: {  	_ =	shalt  }
0x6b: {  	_ =	shalt  }
0x6c: {  	_ =	shalt  }
0x6d: {  	_ =	shalt  }
0x6e: {  	_ =	shalt  }
0x6f: {  	_ =	shalt  }
0x70: {  	_ =	shalt  }
0x71: {  	_ =	shalt  }
0x72: {  	_ =	shalt  }
0x73: {  	_ =	shalt  }
0x74: {  	_ =	shalt  }
0x75: {  	_ =	shalt  }
0x76: {  	_ =	shalt  }
0x77: {  	_ =	shalt  }
0x78: {  	_ =	shalt  }
0x79: {  	_ =	shalt  }
0x7a: {  	_ =	shalt  }
0x7b: {  	_ =	shalt  }
0x7c: {  	_ =	shalt  }
0x7d: {  	_ =	shalt  }
0x7e: {  	_ =	shalt  }
0x7f: {  	_ =	shalt  }
0x80: {  	_ =	shalt  }
0x81: {  	_ =	shalt  }
0x82: {  	_ =	shalt  }
0x83: {  	_ =	shalt  }
0x84: {  	_ =	shalt  }
0x85: {  	_ =	shalt  }
0x86: {  	_ =	shalt  }
0x87: {  	_ =	shalt  }
.Lfunc_end0:
.L_simem_size_0:
called_computation_lowered:
.L_overlay_start_0:
0x88: {  	s2 =	sld [smem:$0x3FD9]  }
0x89: {  	s3 =	sld [smem:$0x3FFE];
	_ =	sdelay $0x1  }
0x8a: {  	s1 =	srdreg.scid  }
0x8b: {  	s0 =	sand.u32 $0x1, s1  }
0x8c: {  	s17 =	sshll.u32 s0, $0xA;
	s2 =	sadd.s32 s3, s2  }
0x8d: {  	s2 =	sadd.s32 s2, s17  }
0x8e: {  	[smem:$0x3FC6] =	sst s2  }
0x8f: {  	_ = 	snop  }
0x90: {  	s2 =	sld [smem:$0x3FD0];
	(tm) =	ssettm $0x1  }
0x91: {  	s18 =	sld [smem:$0x3FFB];
	_ =	sdelay $0x3  }
0x92: {  	_ =	strace s18  }
0x93: {  	s3 =	sld [smem:$0x3FFC];
	_ =	sdelay $0x3  }
0x94: {  	_ =	strace s3  }
0x95: {  	s3 =	sld [smem:$0x3FFD];
	_ =	sdelay $0x3  }
0x96: {  	_ =	strace s3  }
0x97: {  	_ =	strace $0x8FFFFFFF  }
0x98: {  	s19 =	sld [smem:$0x3FDB];
	_ =	sdelay $0x1  }
0x99: {  	s4 =	simm.s32 $_scs_section_size  }
0x9a: {  	s5 =	simm.s32 $_size__tile_overlayer_lowered;
	s6 =	simm.s32 $_tile_overlayer_lowered  }
0x9b: {  	s22 =	simm.s32 $0x1BFF;
	s21 =	sshll.u32 s6, $0x1;
	s3 =	sadd.s32 s4, s19  }
0x9c: {  	s7 =	simm.s32 $0x0;
	s20 =	sshll.u32 s5, $0x1;
	s5 =	sadd.s32 s21, s3  }
0x9d: {  	[timem:s7], [sflag:s22] =	dma.local [hbm:s5], s20  }
0x9e: {  	_ =	swait.ge [sflag:s22], s20  }
0x9f: {  	s4 =	ssub.s32 $0x0, s20;
	[sflag:s22] =	ssyncset.done $0x0  }
0xa0: {  	[sflag:s22] =	ssyncadd.s32 s4;
	_ =	sdelay $0x1  }
0xa1: {  	s23 =	simm.s32 $0x1B8B  }
0xa2: {  	_ =	swait.ge [sflag:s23], $0x1  }
0xa3: {  	[sflag:s23] =	ssyncset.done $0x0  }
0xa4: {  	s25 =	simm.s32 $0x1B8E;
	s24 =	sld [smem:$0x3FFE];
	[sflag:s23] =	ssyncadd.s32 $0xFFFFFFFF  }
0xa5: {  	s26 =	simm.s32 $execute0_lowered;
	[smem:$0x3FD2] =	sst s25  }
0xa6: {  	s5 =	sshll.u32 s26, $0x1;
	_ =	strace $0x80000046;
	[dreg:$0x1] =	wrdreg $0xFFFFFFFF  }
0xa7: {  	s28 =	simm.s32 $_size_execute0_lowered;
	s3 =	sadd.s32 s3, s5;
	[dreg:$0x0] =	wrdreg $0x0  }
0xa8: {  	s5 =	sshll.u32 s28, $0x1;
	[dreg:$0x2] =	wrdreg s3  }
0xa9: {  	[dreg:$0x3] =	wrdreg s5  }
0xaa: {  	[dreg:$0x4] =	wrdreg $0xC0  }
0xab: {  	_ =	task [dreg:s7], $0x5FFFF  }
0xac: {  	[dreg:$0x1] =	wrdreg $0xFFFFFFFF  }
0xad: {  	[dreg:$0x0] =	wrdreg $0x60  }
0xae: {  	[dreg:$0x2] =	wrdreg s24  }
0xaf: {  	[dreg:$0x3] =	wrdreg s2  }
0xb0: {  	[dreg:$0x4] =	wrdreg $0x9  }
0xb1: {  	_ =	task.clear_ibuf [dreg:s7], $0x5FFFF;
	_ =	strace $0x90000046  }
0xb2: {  	s29 =	simm.s32 $0x9;
	_ =	strace $0x80000048  }
0xb3: {  	_ =	swait.ge [sflag:s29], $0x1  }
0xb4: {  	[sflag:s29] =	ssyncadd.s32 $0xFFFFFFFF  }
0xb5: {  	_ =	strace $0x90000048  }
0xb6: {  	_ =	sfence  }
0xb7: {  	s30 =	sld [smem:$0x0];
	_ =	sdelay $0x2  }
0xb8: {  	s31 =	sshll.u32 s1, $0xD;
	s1 =	sshrl.u32 s1, $0x2  }
0xb9: {  	s3 =	sand.u32 $0x4000, s31;
	s1 =	sadd.s32 s1, s30  }
0xba: {  	s0 =	sor.u32 s3, s0;
	s1 =	sshll.u32 s1, $0x11  }
0xbb: {  	s0 =	sor.u32 s1, s0  }
0xbc: {  	s0 =	sadd.s32 $0x8F2B, s0  }
0xbd: {  	[sflag:s0] =	ssyncadd.remote.s32 $0x1  }
0xbe: {  	_ =	sfence.sel $0xFFFF  }
0xbf: {  	[dreg:$0x0] =	wrdreg $0xFFFFFFFF;
	(pc) =	sbr.abs _section_cstart, $3  }
0xc0: {  	[dreg:$0x1] =	wrdreg $0xFFFFFFFF  }
0xc1: {  	_ =	task.clear_ibuf [dreg:s7], $0x2FFFF;
	_ =	strace $0x9FFFFFFF  }
0xc2: {  	(tm) =	ssettm $0x7FFFFFFF  }
0xc3: {  	_ =	shalt  }
tec
execute0_lowered:
.L_overlay_start_1:
0x0: {  	(tag) =	ssettag $0x1  }
0x1: {  	s3 =	srdreg.scid;
	s9 =	stileid.u32  }
0x2: {  	s0 =	rddreg [dreg:$0x0];
	s4 =	sand.u32 $0x1, s3;
	s25 =	sshll.u32 s9, $0x1  }
0x3: {  	s1 =	rddreg [dreg:$0x1];
	s5 =	sor.u32 s4, s25  }
0x4: {  	s2 =	simm.s32 $0x0;
	s6 =	sshll.u32 s5, $0xA;
	s26 =	sshll.u32 s5, $0x11  }
0x5: {  	[smem:$0x7FF] =	sst s2;
	s6 =	sadd.s32 s6, s0;
	s10 =	sadd.s32 s1, s26  }
0x6: {  	_ =	strace $0x80000047;
	s6 =	sadd.s32 $0x400, s6;
	[dreg:$0x5] =	wrdreg s10  }
0x7: {  	s31 =	sadd.s32 $0x800, s10;
	[dreg:$0x4] =	wrdreg s6  }
0x8: {  	s28 =	simm.s32 $0x8;
	s11 =	sadd.s32 $0x1000, s10;
	[dreg:$0x6] =	wrdreg s31  }
0x9: {  	s29 =	simm.s32 $0x9;
	s12 =	sadd.s32 $0x1800, s10;
	[dreg:$0x7] =	wrdreg s11  }
0xa: {  	s30 =	simm.s32 $0xB;
	s13 =	sadd.s32 $0x2000, s10;
	[dreg:$0x8] =	wrdreg s12  }
0xb: {  	s3 =	sadd.s32 $0x8400, s0;
	s14 =	sadd.s32 $0x2800, s10;
	[dreg:$0x9] =	wrdreg s13  }
0xc: {  	s23 =	sshll.u32 s9, $0x12;
	s15 =	sadd.s32 $0x1B000, s10;
	[dreg:$0xa] =	wrdreg s14  }
0xd: {  	s7 =	ssub.s32 $0x2, s4;
	s16 =	sadd.s32 $0x1B800, s10;
	[dreg:$0xb] =	wrdreg s15  }
0xe: {  	s25 =	sshll.u32 s4, $0x11;
	s17 =	sadd.s32 $0x1C000, s10;
	[dreg:$0xc] =	wrdreg s16  }
0xf: {  	s4 =	simm.s32 $0x0;
	s18 =	sadd.s32 $0x1C800, s10;
	[dreg:$0xd] =	wrdreg s17  }
0x10: {  	s8 =	sshrl.u32 s7, $0x1;
	s19 =	sadd.s32 $0x1D000, s10;
	[dreg:$0xe] =	wrdreg s18  }
0x11: {  	s5 =	sadd.s32 $0x8500, s0;
	s20 =	sadd.s32 $0x1D800, s10;
	[dreg:$0xf] =	wrdreg s19  }
0x12: {  	s7 =	ssub.s32 s7, s8;
	s21 =	sadd.s32 $0x1E000, s10;
	[dreg:$0x10] =	wrdreg s20  }
0x13: {  	s8 =	sadd.s32 $0x8700, s0;
	s22 =	sadd.s32 $0x1E800, s10;
	[dreg:$0x11] =	wrdreg s21  }
0x14: {  	s24 =	sadd.s32 $0x1F000, s10;
	s26 =	sadd.s32 $0x1F800, s10;
	[dreg:$0x12] =	wrdreg s22  }
0x15: {  	s10 =	simm.s32 $0x2;
	s6 =	sadd.s32 $0x8600, s0;
	[dreg:$0x13] =	wrdreg s24  }
0x16: {  	s0 =	sadd.s32 s23, s1;
	[dreg:$0x14] =	wrdreg s26;
	s31 =	smax.u32 s7, $0x1  }
0x17: {  	s7 =	simm.s32 $0x1;
	s23 =	simm.s32 $0x10000;
	s26 =	simm.s32 $0x10800  }
0x18: {  	s1 =	simm.s32 $0x11800;
	s19 =	simm.s32 $0x3;
	s18 =	simm.s32 $0x4  }
0x19: {  	v2 =	vlaneseq.u32;
	s24 =	simm.s32 $0x7;
	s12 =	simm.s32 $0x5;
	s20 =	simm.s32 $0x6  }
0x1a: {  	vm0 =	vmmov $0xffff;
	v1 =	vshrl.u32 v2, $0x3;
	s14 =	simm.s32 $0xA;
	s0 =	sadd.s32 s25, s0;
	[dreg:$0x15] =	wrdreg s31  }
0x1b: {  	v0 =	vand.u32 $0x7, v2;
	v2 =	vor.u32 $0x8, v2;
	v1 =	vmul.u32 $0x8, v1;
	s21 =	simm.s32 $0xC;
	s25 =	simm.s32 $0x11000;
	[dreg:$0x3] =	wrdreg s0  }
.LBB2_1:
0x1c: {  	[dreg:$0x16] =	wrdreg s4  }
0x1d: {  	s0 =	rddreg [dreg:$0x4];
	s22 =	simm.s32 $0xD  }
0x1e: {  	[tilespmem:s2], [sflag:$0xD] =	stream.linear.gather [hbm4b:s0+s2], $0x2000, $0x38;
	[tilespmem:$0x1A000] =	vst v63  }
0x1f: {  	_ =	swait.ge [sflag:s22], $0x2000  }
0x20: {  	[sflag:s22] =	ssyncset.done $0x0  }
0x21: {  	[sflag:s22] =	ssyncadd.s32 $0xFFFFE000  }
0x22: {  	v3 =	vld [tilespmem:$0x0];
	_ =	sdelay $0x4  }
0x23: {  	v4 =	vshll.u32 v3, $0x3  }
0x24: {  	v3 =	vand.u32 $0x7, v3;
	v4 =	vand.u32 $0xFFFFFFC0, v4  }
0x25: {  	v3 =	vor.u32 v3, v4  }
0x26: {  	v4 =	vperm.xlane v3, v0;
	_ =	sdelay $0x1  }
0x27: {  	v4 =	vadd.s32 v1, v4;
	_ =	sdelay $0x3  }
0x28: {  	s15 =	simm.s32 $0x2000  }
0x29: {  	[tilespmem:s15], [sflag:$0x1] =	stream.indirect_vreg.gather [hbm4b:s3+s2], $0x80, v4, vm0, $0xb8;
	[tilespmem:$0x1A000] =	vst v63  }
0x2a: {  	s4 =	simm.s32 $0x2800;
	v3 =	vperm.xlane v3, v2  }
0x2b: {  	[tilespmem:s4], [sflag:$0x1] =	stream.indirect_vreg.gather [hbm4b:s5+s2], $0x80, v4, vm0, $0xb8;
	[tilespmem:$0x1A000] =	vst v63  }
0x2c: {  	s22 =	simm.s32 $0x3000;
	v3 =	vadd.s32 v1, v3  }
0x2d: {  	[tilespmem:s22], [sflag:$0x1] =	stream.indirect_vreg.gather [hbm4b:s6+s2], $0x80, v4, vm0, $0xb8;
	[tilespmem:$0x1A000] =	vst v63  }
0x2e: {  	s31 =	simm.s32 $0x3800  }
0x2f: {  	[tilespmem:s31], [sflag:$0x1] =	stream.indirect_vreg.gather [hbm4b:s8+s2], $0x80, v4, vm0, $0xb8;
	[tilespmem:$0x1A000] =	vst v63  }
0x30: {  	s9 =	simm.s32 $0x4000  }
0x31: {  	[tilespmem:s9], [sflag:$0x1] =	stream.indirect_vreg.gather [hbm4b:s3+s2], $0x80, v3, vm0, $0xb8;
	[tilespmem:$0x1A000] =	vst v63  }
0x32: {  	s11 =	simm.s32 $0x4800  }
0x33: {  	[tilespmem:s11], [sflag:$0x1] =	stream.indirect_vreg.gather [hbm4b:s5+s2], $0x80, v3, vm0, $0xb8;
	[tilespmem:$0x1A000] =	vst v63  }
0x34: {  	s13 =	simm.s32 $0x5000  }
0x35: {  	[tilespmem:s13], [sflag:$0x1] =	stream.indirect_vreg.gather [hbm4b:s6+s2], $0x80, v3, vm0, $0xb8;
	[tilespmem:$0x1A000] =	vst v63  }
0x36: {  	s16 =	simm.s32 $0x5800  }
0x37: {  	[tilespmem:s16], [sflag:$0x1] =	stream.indirect_vreg.gather [hbm4b:s8+s2], $0x80, v3, vm0, $0xb8;
	[tilespmem:$0x1A000] =	vst v63  }
0x38: {  	v3 =	vld [tilespmem:$0x80];
	_ =	sdelay $0x4  }
0x39: {  	v56 =	vshll.u32 v3, $0x3  }
0x3a: {  	v3 =	vand.u32 $0x7, v3;
	v4 =	vand.u32 $0xFFFFFFC0, v56  }
0x3b: {  	v3 =	vor.u32 v3, v4  }
0x3c: {  	v4 =	vperm.xlane v3, v0;
	_ =	sdelay $0x1  }
0x3d: {  	v4 =	vadd.s32 v1, v4;
	_ =	sdelay $0x3  }
0x3e: {  	s9 =	simm.s32 $0x6000  }
0x3f: {  	[tilespmem:s9], [sflag:$0x2] =	stream.indirect_vreg.gather [hbm4b:s3+s2], $0x80, v4, vm0, $0xb8;
	[tilespmem:$0x1A000] =	vst v63  }
0x40: {  	s17 =	simm.s32 $0x6800;
	v3 =	vperm.xlane v3, v2  }
0x41: {  	[tilespmem:s17], [sflag:$0x2] =	stream.indirect_vreg.gather [hbm4b:s5+s2], $0x80, v4, vm0, $0xb8;
	[tilespmem:$0x1A000] =	vst v63  }
0x42: {  	s4 =	simm.s32 $0x7000;
	v3 =	vadd.s32 v1, v3  }
0x43: {  	[tilespmem:s4], [sflag:$0x2] =	stream.indirect_vreg.gather [hbm4b:s6+s2], $0x80, v4, vm0, $0xb8;
	[tilespmem:$0x1A000] =	vst v63  }
0x44: {  	s11 =	simm.s32 $0x7800  }
0x45: {  	[tilespmem:s11], [sflag:$0x2] =	stream.indirect_vreg.gather [hbm4b:s8+s2], $0x80, v4, vm0, $0xb8;
	[tilespmem:$0x1A000] =	vst v63  }
0x46: {  	s13 =	simm.s32 $0x8000  }
0x47: {  	[tilespmem:s13], [sflag:$0x2] =	stream.indirect_vreg.gather [hbm4b:s3+s2], $0x80, v3, vm0, $0xb8;
	[tilespmem:$0x1A000] =	vst v63  }
0x48: {  	s16 =	simm.s32 $0x8800  }
0x49: {  	[tilespmem:s16], [sflag:$0x2] =	stream.indirect_vreg.gather [hbm4b:s5+s2], $0x80, v3, vm0, $0xb8;
	[tilespmem:$0x1A000] =	vst v63  }
0x4a: {  	s17 =	simm.s32 $0x9000  }
0x4b: {  	[tilespmem:s17], [sflag:$0x2] =	stream.indirect_vreg.gather [hbm4b:s6+s2], $0x80, v3, vm0, $0xb8;
	[tilespmem:$0x1A000] =	vst v63  }
0x4c: {  	s4 =	simm.s32 $0x9800  }
0x4d: {  	[tilespmem:s4], [sflag:$0x2] =	stream.indirect_vreg.gather [hbm4b:s8+s2], $0x80, v3, vm0, $0xb8;
	[tilespmem:$0x1A000] =	vst v63  }
0x4e: {  	v3 =	vld [tilespmem:$0x100];
	_ =	sdelay $0x4  }
0x4f: {  	v57 =	vshll.u32 v3, $0x3  }
0x50: {  	v3 =	vand.u32 $0x7, v3;
	v4 =	vand.u32 $0xFFFFFFC0, v57  }
0x51: {  	v3 =	vor.u32 v3, v4  }
0x52: {  	v4 =	vperm.xlane v3, v0;
	_ =	sdelay $0x1  }
0x53: {  	v4 =	vadd.s32 v1, v4;
	_ =	sdelay $0x3  }
0x54: {  	s17 =	simm.s32 $0xA000  }
0x55: {  	[tilespmem:s17], [sflag:$0x3] =	stream.indirect_vreg.gather [hbm4b:s3+s2], $0x80, v4, vm0, $0xb8;
	[tilespmem:$0x1A000] =	vst v63  }
0x56: {  	s16 =	simm.s32 $0xA800;
	v3 =	vperm.xlane v3, v2  }
0x57: {  	[tilespmem:s16], [sflag:$0x3] =	stream.indirect_vreg.gather [hbm4b:s5+s2], $0x80, v4, vm0, $0xb8;
	[tilespmem:$0x1A000] =	vst v63  }
0x58: {  	s11 =	simm.s32 $0xB000;
	v3 =	vadd.s32 v1, v3  }
0x59: {  	[tilespmem:s11], [sflag:$0x3] =	stream.indirect_vreg.gather [hbm4b:s6+s2], $0x80, v4, vm0, $0xb8;
	[tilespmem:$0x1A000] =	vst v63  }
0x5a: {  	s13 =	simm.s32 $0xB800  }
0x5b: {  	[tilespmem:s13], [sflag:$0x3] =	stream.indirect_vreg.gather [hbm4b:s8+s2], $0x80, v4, vm0, $0xb8;
	[tilespmem:$0x1A000] =	vst v63  }
0x5c: {  	s4 =	simm.s32 $0xC000  }
0x5d: {  	[tilespmem:s4], [sflag:$0x3] =	stream.indirect_vreg.gather [hbm4b:s3+s2], $0x80, v3, vm0, $0xb8;
	[tilespmem:$0x1A000] =	vst v63  }
0x5e: {  	s11 =	simm.s32 $0xC800  }
0x5f: {  	[tilespmem:s11], [sflag:$0x3] =	stream.indirect_vreg.gather [hbm4b:s5+s2], $0x80, v3, vm0, $0xb8;
	[tilespmem:$0x1A000] =	vst v63  }
0x60: {  	s13 =	simm.s32 $0xD000  }
0x61: {  	[tilespmem:s13], [sflag:$0x3] =	stream.indirect_vreg.gather [hbm4b:s6+s2], $0x80, v3, vm0, $0xb8;
	[tilespmem:$0x1A000] =	vst v63  }
0x62: {  	s4 =	simm.s32 $0xD800  }
0x63: {  	[tilespmem:s4], [sflag:$0x3] =	stream.indirect_vreg.gather [hbm4b:s8+s2], $0x80, v3, vm0, $0xb8;
	[tilespmem:$0x1A000] =	vst v63  }
0x64: {  	_ =	swait.ge [sflag:s7], $0x4000  }
0x65: {  	[sflag:s7] =	ssyncset.done $0x0  }
0x66: {  	s11 =	rddreg [dreg:$0x5];
	[sflag:s7] =	ssyncadd.s32 $0xFFFFC000  }
0x67: {  	[hbm4b:s11+s2] =	stream.linear.scatter [tilespmem:s15], [sflag:$0x7], $0x4000, $0x38;
	[tilespmem:$0x1A000] =	vst v63  }
0x68: {  	v3 =	vld [tilespmem:$0x180];
	_ =	sdelay $0x4  }
0x69: {  	v58 =	vshll.u32 v3, $0x3  }
0x6a: {  	v3 =	vand.u32 $0x7, v3;
	v4 =	vand.u32 $0xFFFFFFC0, v58  }
0x6b: {  	v3 =	vor.u32 v3, v4  }
0x6c: {  	v4 =	vperm.xlane v3, v0;
	_ =	sdelay $0x1  }
0x6d: {  	v4 =	vadd.s32 v1, v4;
	_ =	sdelay $0x3  }
0x6e: {  	s11 =	simm.s32 $0xE000  }
0x6f: {  	[tilespmem:s11], [sflag:$0x4] =	stream.indirect_vreg.gather [hbm4b:s3+s2], $0x80, v4, vm0, $0xb8;
	[tilespmem:$0x1A000] =	vst v63  }
0x70: {  	s13 =	simm.s32 $0xE800;
	v3 =	vperm.xlane v3, v2  }
0x71: {  	[tilespmem:s13], [sflag:$0x4] =	stream.indirect_vreg.gather [hbm4b:s5+s2], $0x80, v4, vm0, $0xb8;
	[tilespmem:$0x1A000] =	vst v63  }
0x72: {  	s4 =	simm.s32 $0xF000;
	v3 =	vadd.s32 v1, v3  }
0x73: {  	[tilespmem:s4], [sflag:$0x4] =	stream.indirect_vreg.gather [hbm4b:s6+s2], $0x80, v4, vm0, $0xb8;
	[tilespmem:$0x1A000] =	vst v63  }
0x74: {  	s13 =	simm.s32 $0xF800  }
0x75: {  	[tilespmem:s13], [sflag:$0x4] =	stream.indirect_vreg.gather [hbm4b:s8+s2], $0x80, v4, vm0, $0xb8;
	[tilespmem:$0x1A000] =	vst v63  }
0x76: {  	_ = 	snop  }
0x77: {  	[tilespmem:s23], [sflag:$0x4] =	stream.indirect_vreg.gather [hbm4b:s3+s2], $0x80, v3, vm0, $0xb8;
	[tilespmem:$0x1A000] =	vst v63  }
0x78: {  	_ = 	snop  }
0x79: {  	[tilespmem:s26], [sflag:$0x4] =	stream.indirect_vreg.gather [hbm4b:s5+s2], $0x80, v3, vm0, $0xb8;
	[tilespmem:$0x1A000] =	vst v63  }
0x7a: {  	_ = 	snop  }
0x7b: {  	[tilespmem:s25], [sflag:$0x4] =	stream.indirect_vreg.gather [hbm4b:s6+s2], $0x80, v3, vm0, $0xb8;
	[tilespmem:$0x1A000] =	vst v63  }
0x7c: {  	_ = 	snop  }
0x7d: {  	[tilespmem:s1], [sflag:$0x4] =	stream.indirect_vreg.gather [hbm4b:s8+s2], $0x80, v3, vm0, $0xb8;
	[tilespmem:$0x1A000] =	vst v63  }
0x7e: {  	_ =	swait.ge [sflag:s10], $0x4000  }
0x7f: {  	[sflag:s10] =	ssyncset.done $0x0  }
0x80: {  	s4 =	rddreg [dreg:$0x6];
	[sflag:s10] =	ssyncadd.s32 $0xFFFFC000  }
0x81: {  	[hbm4b:s4+s2] =	stream.linear.scatter [tilespmem:s9], [sflag:$0x8], $0x4000, $0x38;
	[tilespmem:$0x1A000] =	vst v63  }
0x82: {  	v3 =	vld [tilespmem:$0x200];
	_ =	sdelay $0x4  }
0x83: {  	v59 =	vshll.u32 v3, $0x3  }
0x84: {  	v3 =	vand.u32 $0x7, v3;
	v4 =	vand.u32 $0xFFFFFFC0, v59  }
0x85: {  	v3 =	vor.u32 v3, v4  }
0x86: {  	v4 =	vperm.xlane v3, v0;
	_ =	sdelay $0x1  }
0x87: {  	v4 =	vadd.s32 v1, v4;
	_ =	sdelay $0x3  }
0x88: {  	s4 =	simm.s32 $0x12000  }
0x89: {  	[tilespmem:s4], [sflag:$0x5] =	stream.indirect_vreg.gather [hbm4b:s3+s2], $0x80, v4, vm0, $0xb8;
	[tilespmem:$0x1A000] =	vst v63  }
0x8a: {  	s13 =	simm.s32 $0x12800;
	v3 =	vperm.xlane v3, v2  }
0x8b: {  	[tilespmem:s13], [sflag:$0x5] =	stream.indirect_vreg.gather [hbm4b:s5+s2], $0x80, v4, vm0, $0xb8;
	[tilespmem:$0x1A000] =	vst v63  }
0x8c: {  	v3 =	vadd.s32 v1, v3;
	s13 =	simm.s32 $0x13000  }
0x8d: {  	[tilespmem:s13], [sflag:$0x5] =	stream.indirect_vreg.gather [hbm4b:s6+s2], $0x80, v4, vm0, $0xb8;
	[tilespmem:$0x1A000] =	vst v63  }
0x8e: {  	s13 =	simm.s32 $0x13800  }
0x8f: {  	[tilespmem:s13], [sflag:$0x5] =	stream.indirect_vreg.gather [hbm4b:s8+s2], $0x80, v4, vm0, $0xb8;
	[tilespmem:$0x1A000] =	vst v63  }
0x90: {  	s13 =	simm.s32 $0x14000  }
0x91: {  	[tilespmem:s13], [sflag:$0x5] =	stream.indirect_vreg.gather [hbm4b:s3+s2], $0x80, v3, vm0, $0xb8;
	[tilespmem:$0x1A000] =	vst v63  }
0x92: {  	s13 =	simm.s32 $0x14800  }
0x93: {  	[tilespmem:s13], [sflag:$0x5] =	stream.indirect_vreg.gather [hbm4b:s5+s2], $0x80, v3, vm0, $0xb8;
	[tilespmem:$0x1A000] =	vst v63  }
0x94: {  	s13 =	simm.s32 $0x15000  }
0x95: {  	[tilespmem:s13], [sflag:$0x5] =	stream.indirect_vreg.gather [hbm4b:s6+s2], $0x80, v3, vm0, $0xb8;
	[tilespmem:$0x1A000] =	vst v63  }
0x96: {  	s13 =	simm.s32 $0x15800  }
0x97: {  	[tilespmem:s13], [sflag:$0x5] =	stream.indirect_vreg.gather [hbm4b:s8+s2], $0x80, v3, vm0, $0xb8;
	[tilespmem:$0x1A000] =	vst v63  }
0x98: {  	_ =	swait.ge [sflag:s19], $0x4000  }
0x99: {  	[sflag:s19] =	ssyncset.done $0x0  }
0x9a: {  	s13 =	rddreg [dreg:$0x7];
	[sflag:s19] =	ssyncadd.s32 $0xFFFFC000  }
0x9b: {  	[hbm4b:s13+s2] =	stream.linear.scatter [tilespmem:s17], [sflag:$0x9], $0x4000, $0x38;
	[tilespmem:$0x1A000] =	vst v63  }
0x9c: {  	v3 =	vld [tilespmem:$0x280];
	_ =	sdelay $0x4  }
0x9d: {  	v60 =	vshll.u32 v3, $0x3  }
0x9e: {  	v3 =	vand.u32 $0x7, v3;
	v4 =	vand.u32 $0xFFFFFFC0, v60  }
0x9f: {  	v3 =	vor.u32 v3, v4  }
0xa0: {  	v4 =	vperm.xlane v3, v0;
	_ =	sdelay $0x1  }
0xa1: {  	v4 =	vadd.s32 v1, v4;
	_ =	sdelay $0x3  }
0xa2: {  	s13 =	simm.s32 $0x16000  }
0xa3: {  	[tilespmem:s13], [sflag:$0x6] =	stream.indirect_vreg.gather [hbm4b:s3+s2], $0x80, v4, vm0, $0xb8;
	[tilespmem:$0x1A000] =	vst v63  }
0xa4: {  	s0 =	simm.s32 $0x16800;
	v3 =	vperm.xlane v3, v2  }
0xa5: {  	[tilespmem:s0], [sflag:$0x6] =	stream.indirect_vreg.gather [hbm4b:s5+s2], $0x80, v4, vm0, $0xb8;
	[tilespmem:$0x1A000] =	vst v63  }
0xa6: {  	v3 =	vadd.s32 v1, v3;
	s0 =	simm.s32 $0x17000  }
0xa7: {  	[tilespmem:s0], [sflag:$0x6] =	stream.indirect_vreg.gather [hbm4b:s6+s2], $0x80, v4, vm0, $0xb8;
	[tilespmem:$0x1A000] =	vst v63  }
0xa8: {  	s0 =	simm.s32 $0x17800  }
0xa9: {  	[tilespmem:s0], [sflag:$0x6] =	stream.indirect_vreg.gather [hbm4b:s8+s2], $0x80, v4, vm0, $0xb8;
	[tilespmem:$0x1A000] =	vst v63  }
0xaa: {  	s0 =	simm.s32 $0x18000  }
0xab: {  	[tilespmem:s0], [sflag:$0x6] =	stream.indirect_vreg.gather [hbm4b:s3+s2], $0x80, v3, vm0, $0xb8;
	[tilespmem:$0x1A000] =	vst v63  }
0xac: {  	s0 =	simm.s32 $0x18800  }
0xad: {  	[tilespmem:s0], [sflag:$0x6] =	stream.indirect_vreg.gather [hbm4b:s5+s2], $0x80, v3, vm0, $0xb8;
	[tilespmem:$0x1A000] =	vst v63  }
0xae: {  	s0 =	simm.s32 $0x19000  }
0xaf: {  	[tilespmem:s0], [sflag:$0x6] =	stream.indirect_vreg.gather [hbm4b:s6+s2], $0x80, v3, vm0, $0xb8;
	[tilespmem:$0x1A000] =	vst v63  }
0xb0: {  	s0 =	simm.s32 $0x19800  }
0xb1: {  	[tilespmem:s0], [sflag:$0x6] =	stream.indirect_vreg.gather [hbm4b:s8+s2], $0x80, v3, vm0, $0xb8;
	[tilespmem:$0x1A000] =	vst v63  }
0xb2: {  	_ =	swait.ge [sflag:s18], $0x4000  }
0xb3: {  	[sflag:s18] =	ssyncset.done $0x0  }
0xb4: {  	s0 =	rddreg [dreg:$0x8];
	[sflag:s18] =	ssyncadd.s32 $0xFFFFC000  }
0xb5: {  	[hbm4b:s0+s2] =	stream.linear.scatter [tilespmem:s11], [sflag:$0xA], $0x4000, $0x38;
	[tilespmem:$0x1A000] =	vst v63  }
0xb6: {  	_ =	swait.ge [sflag:s24], $0x4000  }
0xb7: {  	[sflag:s24] =	ssyncset.done $0x0  }
0xb8: {  	[sflag:s24] =	ssyncadd.s32 $0xFFFFC000  }
0xb9: {  	v3 =	vld [tilespmem:$0x300];
	_ =	sdelay $0x4  }
0xba: {  	v61 =	vshll.u32 v3, $0x3  }
0xbb: {  	v3 =	vand.u32 $0x7, v3;
	v4 =	vand.u32 $0xFFFFFFC0, v61  }
0xbc: {  	v3 =	vor.u32 v3, v4  }
0xbd: {  	v4 =	vperm.xlane v3, v0;
	_ =	sdelay $0x1  }
0xbe: {  	v4 =	vadd.s32 v1, v4;
	_ =	sdelay $0x4  }
0xbf: {  	[tilespmem:s15], [sflag:$0x1] =	stream.indirect_vreg.gather [hbm4b:s3+s2], $0x80, v4, vm0, $0xb8;
	[tilespmem:$0x1A000] =	vst v63  }
0xc0: {  	v3 =	vperm.xlane v3, v2;
	s15 =	simm.s32 $0x2800  }
0xc1: {  	[tilespmem:s15], [sflag:$0x1] =	stream.indirect_vreg.gather [hbm4b:s5+s2], $0x80, v4, vm0, $0xb8;
	[tilespmem:$0x1A000] =	vst v63  }
0xc2: {  	v3 =	vadd.s32 v1, v3  }
0xc3: {  	[tilespmem:s22], [sflag:$0x1] =	stream.indirect_vreg.gather [hbm4b:s6+s2], $0x80, v4, vm0, $0xb8;
	[tilespmem:$0x1A000] =	vst v63  }
0xc4: {  	_ = 	snop  }
0xc5: {  	[tilespmem:s31], [sflag:$0x1] =	stream.indirect_vreg.gather [hbm4b:s8+s2], $0x80, v4, vm0, $0xb8;
	[tilespmem:$0x1A000] =	vst v63  }
0xc6: {  	s11 =	simm.s32 $0x4000  }
0xc7: {  	[tilespmem:s11], [sflag:$0x1] =	stream.indirect_vreg.gather [hbm4b:s3+s2], $0x80, v3, vm0, $0xb8;
	[tilespmem:$0x1A000] =	vst v63  }
0xc8: {  	s15 =	simm.s32 $0x4800  }
0xc9: {  	[tilespmem:s15], [sflag:$0x1] =	stream.indirect_vreg.gather [hbm4b:s5+s2], $0x80, v3, vm0, $0xb8;
	[tilespmem:$0x1A000] =	vst v63  }
0xca: {  	s22 =	simm.s32 $0x5000  }
0xcb: {  	[tilespmem:s22], [sflag:$0x1] =	stream.indirect_vreg.gather [hbm4b:s6+s2], $0x80, v3, vm0, $0xb8;
	[tilespmem:$0x1A000] =	vst v63  }
0xcc: {  	s11 =	simm.s32 $0x5800  }
0xcd: {  	[tilespmem:s11], [sflag:$0x1] =	stream.indirect_vreg.gather [hbm4b:s8+s2], $0x80, v3, vm0, $0xb8;
	[tilespmem:$0x1A000] =	vst v63  }
0xce: {  	_ =	swait.ge [sflag:s12], $0x4000  }
0xcf: {  	[sflag:s12] =	ssyncset.done $0x0  }
0xd0: {  	s15 =	rddreg [dreg:$0x9];
	[sflag:s12] =	ssyncadd.s32 $0xFFFFC000  }
0xd1: {  	[hbm4b:s15+s2] =	stream.linear.scatter [tilespmem:s4], [sflag:$0xB], $0x4000, $0x38;
	[tilespmem:$0x1A000] =	vst v63  }
0xd2: {  	_ =	swait.ge [sflag:s28], $0x4000  }
0xd3: {  	[sflag:s28] =	ssyncset.done $0x0  }
0xd4: {  	[sflag:s28] =	ssyncadd.s32 $0xFFFFC000  }
0xd5: {  	v3 =	vld [tilespmem:$0x380];
	_ =	sdelay $0x4  }
0xd6: {  	v62 =	vshll.u32 v3, $0x3  }
0xd7: {  	v3 =	vand.u32 $0x7, v3;
	v4 =	vand.u32 $0xFFFFFFC0, v62  }
0xd8: {  	v3 =	vor.u32 v3, v4  }
0xd9: {  	v4 =	vperm.xlane v3, v0;
	_ =	sdelay $0x1  }
0xda: {  	v4 =	vadd.s32 v1, v4;
	_ =	sdelay $0x4  }
0xdb: {  	[tilespmem:s9], [sflag:$0x2] =	stream.indirect_vreg.gather [hbm4b:s3+s2], $0x80, v4, vm0, $0xb8;
	[tilespmem:$0x1A000] =	vst v63  }
0xdc: {  	s22 =	simm.s32 $0x6800;
	v3 =	vperm.xlane v3, v2  }
0xdd: {  	[tilespmem:s22], [sflag:$0x2] =	stream.indirect_vreg.gather [hbm4b:s5+s2], $0x80, v4, vm0, $0xb8;
	[tilespmem:$0x1A000] =	vst v63  }
0xde: {  	s4 =	simm.s32 $0x7000;
	v3 =	vadd.s32 v1, v3  }
0xdf: {  	[tilespmem:s4], [sflag:$0x2] =	stream.indirect_vreg.gather [hbm4b:s6+s2], $0x80, v4, vm0, $0xb8;
	[tilespmem:$0x1A000] =	vst v63  }
0xe0: {  	s9 =	simm.s32 $0x7800  }
0xe1: {  	[tilespmem:s9], [sflag:$0x2] =	stream.indirect_vreg.gather [hbm4b:s8+s2], $0x80, v4, vm0, $0xb8;
	[tilespmem:$0x1A000] =	vst v63  }
0xe2: {  	s11 =	simm.s32 $0x8000  }
0xe3: {  	[tilespmem:s11], [sflag:$0x2] =	stream.indirect_vreg.gather [hbm4b:s3+s2], $0x80, v3, vm0, $0xb8;
	[tilespmem:$0x1A000] =	vst v63  }
0xe4: {  	s15 =	simm.s32 $0x8800  }
0xe5: {  	[tilespmem:s15], [sflag:$0x2] =	stream.indirect_vreg.gather [hbm4b:s5+s2], $0x80, v3, vm0, $0xb8;
	[tilespmem:$0x1A000] =	vst v63  }
0xe6: {  	s22 =	simm.s32 $0x9000  }
0xe7: {  	[tilespmem:s22], [sflag:$0x2] =	stream.indirect_vreg.gather [hbm4b:s6+s2], $0x80, v3, vm0, $0xb8;
	[tilespmem:$0x1A000] =	vst v63  }
0xe8: {  	s4 =	simm.s32 $0x9800  }
0xe9: {  	[tilespmem:s4], [sflag:$0x2] =	stream.indirect_vreg.gather [hbm4b:s8+s2], $0x80, v3, vm0, $0xb8;
	[tilespmem:$0x1A000] =	vst v63  }
0xea: {  	_ =	swait.ge [sflag:s20], $0x4000  }
0xeb: {  	[sflag:s20] =	ssyncset.done $0x0  }
0xec: {  	s9 =	rddreg [dreg:$0xa];
	[sflag:s20] =	ssyncadd.s32 $0xFFFFC000  }
0xed: {  	[hbm4b:s9+s2] =	stream.linear.scatter [tilespmem:s13], [sflag:$0xC], $0x4000, $0x38;
	[tilespmem:$0x1A000] =	vst v63  }
0xee: {  	_ =	swait.ge [sflag:s29], $0x4000  }
0xef: {  	[sflag:s29] =	ssyncset.done $0x0  }
0xf0: {  	[sflag:s29] =	ssyncadd.s32 $0xFFFFC000  }
0xf1: {  	v3 =	vld [tilespmem:$0x400];
	_ =	sdelay $0x4  }
0xf2: {  	v63 =	vshll.u32 v3, $0x3  }
0xf3: {  	v3 =	vand.u32 $0x7, v3;
	v4 =	vand.u32 $0xFFFFFFC0, v63  }
0xf4: {  	v3 =	vor.u32 v3, v4  }
0xf5: {  	v4 =	vperm.xlane v3, v0;
	_ =	sdelay $0x1  }
0xf6: {  	v4 =	vadd.s32 v1, v4;
	_ =	sdelay $0x4  }
0xf7: {  	[tilespmem:s17], [sflag:$0x3] =	stream.indirect_vreg.gather [hbm4b:s3+s2], $0x80, v4, vm0, $0xb8;
	[tilespmem:$0x1A000] =	vst v63  }
0xf8: {  	v3 =	vperm.xlane v3, v2  }
0xf9: {  	[tilespmem:s16], [sflag:$0x3] =	stream.indirect_vreg.gather [hbm4b:s5+s2], $0x80, v4, vm0, $0xb8;
	[tilespmem:$0x1A000] =	vst v63  }
0xfa: {  	s11 =	simm.s32 $0xB000;
	v3 =	vadd.s32 v1, v3  }
0xfb: {  	[tilespmem:s11], [sflag:$0x3] =	stream.indirect_vreg.gather [hbm4b:s6+s2], $0x80, v4, vm0, $0xb8;
	[tilespmem:$0x1A000] =	vst v63  }
0xfc: {  	s13 =	simm.s32 $0xB800  }
0xfd: {  	[tilespmem:s13], [sflag:$0x3] =	stream.indirect_vreg.gather [hbm4b:s8+s2], $0x80, v4, vm0, $0xb8;
	[tilespmem:$0x1A000] =	vst v63  }
0xfe: {  	s15 =	simm.s32 $0xC000  }
0xff: {  	[tilespmem:s15], [sflag:$0x3] =	stream.indirect_vreg.gather [hbm4b:s3+s2], $0x80, v3, vm0, $0xb8;
	[tilespmem:$0x1A000] =	vst v63  }
0x100: {  	s16 =	simm.s32 $0xC800  }
0x101: {  	[tilespmem:s16], [sflag:$0x3] =	stream.indirect_vreg.gather [hbm4b:s5+s2], $0x80, v3, vm0, $0xb8;
	[tilespmem:$0x1A000] =	vst v63  }
0x102: {  	s17 =	simm.s32 $0xD000  }
0x103: {  	[tilespmem:s17], [sflag:$0x3] =	stream.indirect_vreg.gather [hbm4b:s6+s2], $0x80, v3, vm0, $0xb8;
	[tilespmem:$0x1A000] =	vst v63  }
0x104: {  	s31 =	simm.s32 $0x700;
	s22 =	simm.s32 $0xD800;
	s15 =	simm.s32 $0x0  }
0x105: {  	[tilespmem:s22], [sflag:$0x3] =	stream.indirect_vreg.gather [hbm4b:s8+s2], $0x80, v3, vm0, $0xb8;
	[tilespmem:$0x1A000] =	vst v63  }
.LBB2_2:
0x106: {  	_ =	swait.ge [sflag:s7], $0x4000  }
0x107: {  	s0 =	rddreg [dreg:$0x3]  }
0x108: {  	[sflag:s7] =	ssyncset.done $0x0;
	s0 =	sadd.s32 s15, s0  }
0x109: {  	s9 =	simm.s32 $0x2000;
	[sflag:s7] =	ssyncadd.s32 $0xFFFFC000;
	s22 =	sadd.s32 $0x3000, s0  }
0x10a: {  	[hbm4b:s22+s2] =	stream.linear.scatter [tilespmem:s9], [sflag:$0x7], $0x4000, $0x38;
	[tilespmem:$0x1A000] =	vst v63  }
0x10b: {  	_ =	swait.ge [sflag:s14], $0x4000  }
0x10c: {  	[sflag:s14] =	ssyncset.done $0x0  }
0x10d: {  	[sflag:s14] =	ssyncadd.s32 $0xFFFFC000  }
0x10e: {  	v3 =	vld [tilespmem:s31+$0xFFFFFD80];
	_ =	sdelay $0x4  }
0x10f: {  	v4 =	vshll.u32 v3, $0x3  }
0x110: {  	v3 =	vand.u32 $0x7, v3;
	v4 =	vand.u32 $0xFFFFFFC0, v4  }
0x111: {  	v3 =	vor.u32 v3, v4  }
0x112: {  	v4 =	vperm.xlane v3, v0;
	_ =	sdelay $0x1  }
0x113: {  	v4 =	vadd.s32 v1, v4;
	_ =	sdelay $0x3  }
0x114: {  	s13 =	simm.s32 $0xE000  }
0x115: {  	[tilespmem:s13], [sflag:$0x4] =	stream.indirect_vreg.gather [hbm4b:s3+s2], $0x80, v4, vm0, $0xb8;
	[tilespmem:$0x1A000] =	vst v63  }
0x116: {  	s11 =	simm.s32 $0xE800;
	v3 =	vperm.xlane v3, v2  }
0x117: {  	[tilespmem:s11], [sflag:$0x4] =	stream.indirect_vreg.gather [hbm4b:s5+s2], $0x80, v4, vm0, $0xb8;
	[tilespmem:$0x1A000] =	vst v63  }
0x118: {  	s4 =	simm.s32 $0xF000;
	v3 =	vadd.s32 v1, v3  }
0x119: {  	[tilespmem:s4], [sflag:$0x4] =	stream.indirect_vreg.gather [hbm4b:s6+s2], $0x80, v4, vm0, $0xb8;
	[tilespmem:$0x1A000] =	vst v63  }
0x11a: {  	s11 =	simm.s32 $0xF800  }
0x11b: {  	[tilespmem:s11], [sflag:$0x4] =	stream.indirect_vreg.gather [hbm4b:s8+s2], $0x80, v4, vm0, $0xb8;
	[tilespmem:$0x1A000] =	vst v63  }
0x11c: {  	_ = 	snop  }
0x11d: {  	[tilespmem:s23], [sflag:$0x4] =	stream.indirect_vreg.gather [hbm4b:s3+s2], $0x80, v3, vm0, $0xb8;
	[tilespmem:$0x1A000] =	vst v63  }
0x11e: {  	_ = 	snop  }
0x11f: {  	[tilespmem:s26], [sflag:$0x4] =	stream.indirect_vreg.gather [hbm4b:s5+s2], $0x80, v3, vm0, $0xb8;
	[tilespmem:$0x1A000] =	vst v63  }
0x120: {  	_ = 	snop  }
0x121: {  	[tilespmem:s25], [sflag:$0x4] =	stream.indirect_vreg.gather [hbm4b:s6+s2], $0x80, v3, vm0, $0xb8;
	[tilespmem:$0x1A000] =	vst v63  }
0x122: {  	_ = 	snop  }
0x123: {  	[tilespmem:s1], [sflag:$0x4] =	stream.indirect_vreg.gather [hbm4b:s8+s2], $0x80, v3, vm0, $0xb8;
	[tilespmem:$0x1A000] =	vst v63  }
0x124: {  	_ =	swait.ge [sflag:s10], $0x4000  }
0x125: {  	[sflag:s10] =	ssyncset.done $0x0  }
0x126: {  	s17 =	simm.s32 $0x6000;
	s16 =	sadd.s32 $0x3800, s0;
	[sflag:s10] =	ssyncadd.s32 $0xFFFFC000  }
0x127: {  	[hbm4b:s16+s2] =	stream.linear.scatter [tilespmem:s17], [sflag:$0x8], $0x4000, $0x38;
	[tilespmem:$0x1A000] =	vst v63  }
0x128: {  	_ =	swait.ge [sflag:s30], $0x4000  }
0x129: {  	[sflag:s30] =	ssyncset.done $0x0  }
0x12a: {  	[sflag:s30] =	ssyncadd.s32 $0xFFFFC000  }
0x12b: {  	v3 =	vld [tilespmem:s31+$0xFFFFFE00];
	_ =	sdelay $0x4  }
0x12c: {  	v59 =	vshll.u32 v3, $0x3  }
0x12d: {  	v3 =	vand.u32 $0x7, v3;
	v4 =	vand.u32 $0xFFFFFFC0, v59  }
0x12e: {  	v3 =	vor.u32 v3, v4  }
0x12f: {  	v4 =	vperm.xlane v3, v0;
	_ =	sdelay $0x1  }
0x130: {  	v4 =	vadd.s32 v1, v4;
	_ =	sdelay $0x3  }
0x131: {  	s4 =	simm.s32 $0x12000  }
0x132: {  	[tilespmem:s4], [sflag:$0x5] =	stream.indirect_vreg.gather [hbm4b:s3+s2], $0x80, v4, vm0, $0xb8;
	[tilespmem:$0x1A000] =	vst v63  }
0x133: {  	s22 =	simm.s32 $0x12800;
	v3 =	vperm.xlane v3, v2  }
0x134: {  	[tilespmem:s22], [sflag:$0x5] =	stream.indirect_vreg.gather [hbm4b:s5+s2], $0x80, v4, vm0, $0xb8;
	[tilespmem:$0x1A000] =	vst v63  }
0x135: {  	s16 =	simm.s32 $0x13000;
	v3 =	vadd.s32 v1, v3  }
0x136: {  	[tilespmem:s16], [sflag:$0x5] =	stream.indirect_vreg.gather [hbm4b:s6+s2], $0x80, v4, vm0, $0xb8;
	[tilespmem:$0x1A000] =	vst v63  }
0x137: {  	s22 =	simm.s32 $0x13800  }
0x138: {  	[tilespmem:s22], [sflag:$0x5] =	stream.indirect_vreg.gather [hbm4b:s8+s2], $0x80, v4, vm0, $0xb8;
	[tilespmem:$0x1A000] =	vst v63  }
0x139: {  	s16 =	simm.s32 $0x14000  }
0x13a: {  	[tilespmem:s16], [sflag:$0x5] =	stream.indirect_vreg.gather [hbm4b:s3+s2], $0x80, v3, vm0, $0xb8;
	[tilespmem:$0x1A000] =	vst v63  }
0x13b: {  	s22 =	simm.s32 $0x14800  }
0x13c: {  	[tilespmem:s22], [sflag:$0x5] =	stream.indirect_vreg.gather [hbm4b:s5+s2], $0x80, v3, vm0, $0xb8;
	[tilespmem:$0x1A000] =	vst v63  }
0x13d: {  	s16 =	simm.s32 $0x15000  }
0x13e: {  	[tilespmem:s16], [sflag:$0x5] =	stream.indirect_vreg.gather [hbm4b:s6+s2], $0x80, v3, vm0, $0xb8;
	[tilespmem:$0x1A000] =	vst v63  }
0x13f: {  	s22 =	simm.s32 $0x15800  }
0x140: {  	[tilespmem:s22], [sflag:$0x5] =	stream.indirect_vreg.gather [hbm4b:s8+s2], $0x80, v3, vm0, $0xb8;
	[tilespmem:$0x1A000] =	vst v63  }
0x141: {  	_ =	swait.ge [sflag:s19], $0x4000  }
0x142: {  	[sflag:s19] =	ssyncset.done $0x0  }
0x143: {  	s11 =	simm.s32 $0xA000;
	s16 =	sadd.s32 $0x4000, s0;
	[sflag:s19] =	ssyncadd.s32 $0xFFFFC000  }
0x144: {  	[hbm4b:s16+s2] =	stream.linear.scatter [tilespmem:s11], [sflag:$0x9], $0x4000, $0x38;
	[tilespmem:$0x1A000] =	vst v63  }
0x145: {  	_ =	swait.ge [sflag:s21], $0x4000  }
0x146: {  	[sflag:s21] =	ssyncset.done $0x0  }
0x147: {  	[sflag:s21] =	ssyncadd.s32 $0xFFFFC000  }
0x148: {  	v3 =	vld [tilespmem:s31+$0xFFFFFE80];
	_ =	sdelay $0x4  }
0x149: {  	v60 =	vshll.u32 v3, $0x3  }
0x14a: {  	v3 =	vand.u32 $0x7, v3;
	v4 =	vand.u32 $0xFFFFFFC0, v60  }
0x14b: {  	v3 =	vor.u32 v3, v4  }
0x14c: {  	v4 =	vperm.xlane v3, v0;
	_ =	sdelay $0x1  }
0x14d: {  	v4 =	vadd.s32 v1, v4;
	_ =	sdelay $0x3  }
0x14e: {  	s16 =	simm.s32 $0x16000  }
0x14f: {  	[tilespmem:s16], [sflag:$0x6] =	stream.indirect_vreg.gather [hbm4b:s3+s2], $0x80, v4, vm0, $0xb8;
	[tilespmem:$0x1A000] =	vst v63  }
0x150: {  	s22 =	simm.s32 $0x16800;
	v3 =	vperm.xlane v3, v2  }
0x151: {  	[tilespmem:s22], [sflag:$0x6] =	stream.indirect_vreg.gather [hbm4b:s5+s2], $0x80, v4, vm0, $0xb8;
	[tilespmem:$0x1A000] =	vst v63  }
0x152: {  	v3 =	vadd.s32 v1, v3;
	s22 =	simm.s32 $0x17000  }
0x153: {  	[tilespmem:s22], [sflag:$0x6] =	stream.indirect_vreg.gather [hbm4b:s6+s2], $0x80, v4, vm0, $0xb8;
	[tilespmem:$0x1A000] =	vst v63  }
0x154: {  	s22 =	simm.s32 $0x17800  }
0x155: {  	[tilespmem:s22], [sflag:$0x6] =	stream.indirect_vreg.gather [hbm4b:s8+s2], $0x80, v4, vm0, $0xb8;
	[tilespmem:$0x1A000] =	vst v63  }
0x156: {  	s22 =	simm.s32 $0x18000  }
0x157: {  	[tilespmem:s22], [sflag:$0x6] =	stream.indirect_vreg.gather [hbm4b:s3+s2], $0x80, v3, vm0, $0xb8;
	[tilespmem:$0x1A000] =	vst v63  }
0x158: {  	s22 =	simm.s32 $0x18800  }
0x159: {  	[tilespmem:s22], [sflag:$0x6] =	stream.indirect_vreg.gather [hbm4b:s5+s2], $0x80, v3, vm0, $0xb8;
	[tilespmem:$0x1A000] =	vst v63  }
0x15a: {  	s22 =	simm.s32 $0x19000  }
0x15b: {  	[tilespmem:s22], [sflag:$0x6] =	stream.indirect_vreg.gather [hbm4b:s6+s2], $0x80, v3, vm0, $0xb8;
	[tilespmem:$0x1A000] =	vst v63  }
0x15c: {  	s22 =	simm.s32 $0x19800  }
0x15d: {  	[tilespmem:s22], [sflag:$0x6] =	stream.indirect_vreg.gather [hbm4b:s8+s2], $0x80, v3, vm0, $0xb8;
	[tilespmem:$0x1A000] =	vst v63  }
0x15e: {  	_ =	swait.ge [sflag:s18], $0x4000  }
0x15f: {  	[sflag:s18] =	ssyncset.done $0x0  }
0x160: {  	s22 =	sadd.s32 $0x4800, s0;
	[sflag:s18] =	ssyncadd.s32 $0xFFFFC000  }
0x161: {  	[hbm4b:s22+s2] =	stream.linear.scatter [tilespmem:s13], [sflag:$0xA], $0x4000, $0x38;
	[tilespmem:$0x1A000] =	vst v63  }
0x162: {  	_ =	swait.ge [sflag:s24], $0x4000  }
0x163: {  	[sflag:s24] =	ssyncset.done $0x0  }
0x164: {  	[sflag:s24] =	ssyncadd.s32 $0xFFFFC000  }
0x165: {  	v3 =	vld [tilespmem:s31+$0xFFFFFF00];
	_ =	sdelay $0x4  }
0x166: {  	v61 =	vshll.u32 v3, $0x3  }
0x167: {  	v3 =	vand.u32 $0x7, v3;
	v4 =	vand.u32 $0xFFFFFFC0, v61  }
0x168: {  	v3 =	vor.u32 v3, v4  }
0x169: {  	v4 =	vperm.xlane v3, v0;
	_ =	sdelay $0x1  }
0x16a: {  	v4 =	vadd.s32 v1, v4;
	_ =	sdelay $0x4  }
0x16b: {  	[tilespmem:s9], [sflag:$0x1] =	stream.indirect_vreg.gather [hbm4b:s3+s2], $0x80, v4, vm0, $0xb8;
	[tilespmem:$0x1A000] =	vst v63  }
0x16c: {  	v3 =	vperm.xlane v3, v2;
	s9 =	simm.s32 $0x2800  }
0x16d: {  	[tilespmem:s9], [sflag:$0x1] =	stream.indirect_vreg.gather [hbm4b:s5+s2], $0x80, v4, vm0, $0xb8;
	[tilespmem:$0x1A000] =	vst v63  }
0x16e: {  	s13 =	simm.s32 $0x3000;
	v3 =	vadd.s32 v1, v3  }
0x16f: {  	[tilespmem:s13], [sflag:$0x1] =	stream.indirect_vreg.gather [hbm4b:s6+s2], $0x80, v4, vm0, $0xb8;
	[tilespmem:$0x1A000] =	vst v63  }
0x170: {  	s9 =	simm.s32 $0x3800  }
0x171: {  	[tilespmem:s9], [sflag:$0x1] =	stream.indirect_vreg.gather [hbm4b:s8+s2], $0x80, v4, vm0, $0xb8;
	[tilespmem:$0x1A000] =	vst v63  }
0x172: {  	s13 =	simm.s32 $0x4000  }
0x173: {  	[tilespmem:s13], [sflag:$0x1] =	stream.indirect_vreg.gather [hbm4b:s3+s2], $0x80, v3, vm0, $0xb8;
	[tilespmem:$0x1A000] =	vst v63  }
0x174: {  	s9 =	simm.s32 $0x4800  }
0x175: {  	[tilespmem:s9], [sflag:$0x1] =	stream.indirect_vreg.gather [hbm4b:s5+s2], $0x80, v3, vm0, $0xb8;
	[tilespmem:$0x1A000] =	vst v63  }
0x176: {  	s13 =	simm.s32 $0x5000  }
0x177: {  	[tilespmem:s13], [sflag:$0x1] =	stream.indirect_vreg.gather [hbm4b:s6+s2], $0x80, v3, vm0, $0xb8;
	[tilespmem:$0x1A000] =	vst v63  }
0x178: {  	s9 =	simm.s32 $0x5800  }
0x179: {  	[tilespmem:s9], [sflag:$0x1] =	stream.indirect_vreg.gather [hbm4b:s8+s2], $0x80, v3, vm0, $0xb8;
	[tilespmem:$0x1A000] =	vst v63  }
0x17a: {  	_ =	swait.ge [sflag:s12], $0x4000  }
0x17b: {  	[sflag:s12] =	ssyncset.done $0x0  }
0x17c: {  	s13 =	sadd.s32 $0x5000, s0;
	[sflag:s12] =	ssyncadd.s32 $0xFFFFC000  }
0x17d: {  	[hbm4b:s13+s2] =	stream.linear.scatter [tilespmem:s4], [sflag:$0xB], $0x4000, $0x38;
	[tilespmem:$0x1A000] =	vst v63  }
0x17e: {  	_ =	swait.ge [sflag:s28], $0x4000  }
0x17f: {  	[sflag:s28] =	ssyncset.done $0x0  }
0x180: {  	[sflag:s28] =	ssyncadd.s32 $0xFFFFC000  }
0x181: {  	v3 =	vld [tilespmem:s31+$0xFFFFFF80];
	_ =	sdelay $0x4  }
0x182: {  	v62 =	vshll.u32 v3, $0x3  }
0x183: {  	v3 =	vand.u32 $0x7, v3;
	v4 =	vand.u32 $0xFFFFFFC0, v62  }
0x184: {  	v3 =	vor.u32 v3, v4  }
0x185: {  	v4 =	vperm.xlane v3, v0;
	_ =	sdelay $0x1  }
0x186: {  	v4 =	vadd.s32 v1, v4;
	_ =	sdelay $0x4  }
0x187: {  	[tilespmem:s17], [sflag:$0x2] =	stream.indirect_vreg.gather [hbm4b:s3+s2], $0x80, v4, vm0, $0xb8;
	[tilespmem:$0x1A000] =	vst v63  }
0x188: {  	s9 =	simm.s32 $0x6800;
	v3 =	vperm.xlane v3, v2  }
0x189: {  	[tilespmem:s9], [sflag:$0x2] =	stream.indirect_vreg.gather [hbm4b:s5+s2], $0x80, v4, vm0, $0xb8;
	[tilespmem:$0x1A000] =	vst v63  }
0x18a: {  	s13 =	simm.s32 $0x7000;
	v3 =	vadd.s32 v1, v3  }
0x18b: {  	[tilespmem:s13], [sflag:$0x2] =	stream.indirect_vreg.gather [hbm4b:s6+s2], $0x80, v4, vm0, $0xb8;
	[tilespmem:$0x1A000] =	vst v63  }
0x18c: {  	s17 =	simm.s32 $0x7800  }
0x18d: {  	[tilespmem:s17], [sflag:$0x2] =	stream.indirect_vreg.gather [hbm4b:s8+s2], $0x80, v4, vm0, $0xb8;
	[tilespmem:$0x1A000] =	vst v63  }
0x18e: {  	s4 =	simm.s32 $0x8000  }
0x18f: {  	[tilespmem:s4], [sflag:$0x2] =	stream.indirect_vreg.gather [hbm4b:s3+s2], $0x80, v3, vm0, $0xb8;
	[tilespmem:$0x1A000] =	vst v63  }
0x190: {  	s9 =	simm.s32 $0x8800  }
0x191: {  	[tilespmem:s9], [sflag:$0x2] =	stream.indirect_vreg.gather [hbm4b:s5+s2], $0x80, v3, vm0, $0xb8;
	[tilespmem:$0x1A000] =	vst v63  }
0x192: {  	s13 =	simm.s32 $0x9000  }
0x193: {  	[tilespmem:s13], [sflag:$0x2] =	stream.indirect_vreg.gather [hbm4b:s6+s2], $0x80, v3, vm0, $0xb8;
	[tilespmem:$0x1A000] =	vst v63  }
0x194: {  	s17 =	simm.s32 $0x9800  }
0x195: {  	[tilespmem:s17], [sflag:$0x2] =	stream.indirect_vreg.gather [hbm4b:s8+s2], $0x80, v3, vm0, $0xb8;
	[tilespmem:$0x1A000] =	vst v63  }
0x196: {  	_ =	swait.ge [sflag:s20], $0x4000  }
0x197: {  	[sflag:s20] =	ssyncset.done $0x0  }
0x198: {  	s0 =	sadd.s32 $0x5800, s0;
	[sflag:s20] =	ssyncadd.s32 $0xFFFFC000  }
0x199: {  	[hbm4b:s0+s2] =	stream.linear.scatter [tilespmem:s16], [sflag:$0xC], $0x4000, $0x38;
	[tilespmem:$0x1A000] =	vst v63  }
0x19a: {  	_ =	swait.ge [sflag:s29], $0x4000  }
0x19b: {  	[sflag:s29] =	ssyncset.done $0x0  }
0x19c: {  	[sflag:s29] =	ssyncadd.s32 $0xFFFFC000  }
0x19d: {  	v3 =	vld [tilespmem:s31+$0x0];
	_ =	sdelay $0x4  }
0x19e: {  	v63 =	vshll.u32 v3, $0x3  }
0x19f: {  	v3 =	vand.u32 $0x7, v3;
	v4 =	vand.u32 $0xFFFFFFC0, v63  }
0x1a0: {  	v3 =	vor.u32 v3, v4  }
0x1a1: {  	v4 =	vperm.xlane v3, v0;
	_ =	sdelay $0x1  }
0x1a2: {  	v4 =	vadd.s32 v1, v4;
	_ =	sdelay $0x4  }
0x1a3: {  	[tilespmem:s11], [sflag:$0x3] =	stream.indirect_vreg.gather [hbm4b:s3+s2], $0x80, v4, vm0, $0xb8;
	[tilespmem:$0x1A000] =	vst v63  }
0x1a4: {  	s4 =	simm.s32 $0xA800;
	v3 =	vperm.xlane v3, v2  }
0x1a5: {  	[tilespmem:s4], [sflag:$0x3] =	stream.indirect_vreg.gather [hbm4b:s5+s2], $0x80, v4, vm0, $0xb8;
	[tilespmem:$0x1A000] =	vst v63  }
0x1a6: {  	s9 =	simm.s32 $0xB000;
	v3 =	vadd.s32 v1, v3  }
0x1a7: {  	[tilespmem:s9], [sflag:$0x3] =	stream.indirect_vreg.gather [hbm4b:s6+s2], $0x80, v4, vm0, $0xb8;
	[tilespmem:$0x1A000] =	vst v63  }
0x1a8: {  	s11 =	simm.s32 $0xB800  }
0x1a9: {  	[tilespmem:s11], [sflag:$0x3] =	stream.indirect_vreg.gather [hbm4b:s8+s2], $0x80, v4, vm0, $0xb8;
	[tilespmem:$0x1A000] =	vst v63  }
0x1aa: {  	s13 =	simm.s32 $0xC000  }
0x1ab: {  	[tilespmem:s13], [sflag:$0x3] =	stream.indirect_vreg.gather [hbm4b:s3+s2], $0x80, v3, vm0, $0xb8;
	[tilespmem:$0x1A000] =	vst v63  }
0x1ac: {  	p0 =	sne.s32 s15, $0x15000;
	s16 =	simm.s32 $0xC800  }
0x1ad: {  	[tilespmem:s16], [sflag:$0x3] =	stream.indirect_vreg.gather [hbm4b:s5+s2], $0x80, v3, vm0, $0xb8;
	[tilespmem:$0x1A000] =	vst v63  }
.Ltmp0:
0x1ae: {  	_ = 	snop;
	(pc) =	sbr.rel @p0 .LBB2_2-.Ltmp0, $4  }
0x1af: {  	s17 =	simm.s32 $0xD000  }
0x1b0: {  	[tilespmem:s17], [sflag:$0x3] =	stream.indirect_vreg.gather [hbm4b:s6+s2], $0x80, v3, vm0, $0xb8;
	[tilespmem:$0x1A000] =	vst v63  }
0x1b1: {  	s15 =	sadd.s32 $0x3000, s15;
	s22 =	simm.s32 $0xD800;
	s31 =	sadd.s32 $0x300, s31  }
0x1b2: {  	[tilespmem:s22], [sflag:$0x3] =	stream.indirect_vreg.gather [hbm4b:s8+s2], $0x80, v3, vm0, $0xb8;
	[tilespmem:$0x1A000] =	vst v63  }
0x1b3: {  	_ =	swait.ge [sflag:s7], $0x4000  }
0x1b4: {  	[sflag:s7] =	ssyncset.done $0x0  }
0x1b5: {  	s1 =	simm.s32 $0x2000;
	s0 =	rddreg [dreg:$0xb];
	[sflag:s7] =	ssyncadd.s32 $0xFFFFC000  }
0x1b6: {  	[hbm4b:s0+s2] =	stream.linear.scatter [tilespmem:s1], [sflag:$0x7], $0x4000, $0x38;
	[tilespmem:$0x1A000] =	vst v63  }
0x1b7: {  	_ =	swait.ge [sflag:s14], $0x4000  }
0x1b8: {  	[sflag:s14] =	ssyncset.done $0x0  }
0x1b9: {  	[sflag:s14] =	ssyncadd.s32 $0xFFFFC000  }
0x1ba: {  	v3 =	vld [tilespmem:$0x1C80];
	_ =	sdelay $0x4  }
0x1bb: {  	v4 =	vshll.u32 v3, $0x3  }
0x1bc: {  	v3 =	vand.u32 $0x7, v3;
	v4 =	vand.u32 $0xFFFFFFC0, v4  }
0x1bd: {  	v3 =	vor.u32 v3, v4  }
0x1be: {  	v4 =	vperm.xlane v3, v0;
	_ =	sdelay $0x1  }
0x1bf: {  	v4 =	vadd.s32 v1, v4;
	_ =	sdelay $0x3  }
0x1c0: {  	s15 =	simm.s32 $0xE000  }
0x1c1: {  	[tilespmem:s15], [sflag:$0x4] =	stream.indirect_vreg.gather [hbm4b:s3+s2], $0x80, v4, vm0, $0xb8;
	[tilespmem:$0x1A000] =	vst v63  }
0x1c2: {  	s4 =	simm.s32 $0xE800;
	v3 =	vperm.xlane v3, v2  }
0x1c3: {  	[tilespmem:s4], [sflag:$0x4] =	stream.indirect_vreg.gather [hbm4b:s5+s2], $0x80, v4, vm0, $0xb8;
	[tilespmem:$0x1A000] =	vst v63  }
0x1c4: {  	s22 =	simm.s32 $0xF000;
	v3 =	vadd.s32 v1, v3  }
0x1c5: {  	[tilespmem:s22], [sflag:$0x4] =	stream.indirect_vreg.gather [hbm4b:s6+s2], $0x80, v4, vm0, $0xb8;
	[tilespmem:$0x1A000] =	vst v63  }
0x1c6: {  	s31 =	simm.s32 $0xF800  }
0x1c7: {  	[tilespmem:s31], [sflag:$0x4] =	stream.indirect_vreg.gather [hbm4b:s8+s2], $0x80, v4, vm0, $0xb8;
	[tilespmem:$0x1A000] =	vst v63  }
0x1c8: {  	s25 =	simm.s32 $0x10000  }
0x1c9: {  	[tilespmem:s25], [sflag:$0x4] =	stream.indirect_vreg.gather [hbm4b:s3+s2], $0x80, v3, vm0, $0xb8;
	[tilespmem:$0x1A000] =	vst v63  }
0x1ca: {  	s13 =	simm.s32 $0x10800  }
0x1cb: {  	[tilespmem:s13], [sflag:$0x4] =	stream.indirect_vreg.gather [hbm4b:s5+s2], $0x80, v3, vm0, $0xb8;
	[tilespmem:$0x1A000] =	vst v63  }
0x1cc: {  	s11 =	simm.s32 $0x11000  }
0x1cd: {  	[tilespmem:s11], [sflag:$0x4] =	stream.indirect_vreg.gather [hbm4b:s6+s2], $0x80, v3, vm0, $0xb8;
	[tilespmem:$0x1A000] =	vst v63  }
0x1ce: {  	s13 =	simm.s32 $0x11800  }
0x1cf: {  	[tilespmem:s13], [sflag:$0x4] =	stream.indirect_vreg.gather [hbm4b:s8+s2], $0x80, v3, vm0, $0xb8;
	[tilespmem:$0x1A000] =	vst v63  }
0x1d0: {  	_ =	swait.ge [sflag:s10], $0x4000  }
0x1d1: {  	[sflag:s10] =	ssyncset.done $0x0  }
0x1d2: {  	s9 =	simm.s32 $0x6000;
	s16 =	rddreg [dreg:$0xc];
	[sflag:s10] =	ssyncadd.s32 $0xFFFFC000  }
0x1d3: {  	[hbm4b:s16+s2] =	stream.linear.scatter [tilespmem:s9], [sflag:$0x8], $0x4000, $0x38;
	[tilespmem:$0x1A000] =	vst v63  }
0x1d4: {  	_ =	swait.ge [sflag:s30], $0x4000  }
0x1d5: {  	[sflag:s30] =	ssyncset.done $0x0  }
0x1d6: {  	[sflag:s30] =	ssyncadd.s32 $0xFFFFC000  }
0x1d7: {  	v3 =	vld [tilespmem:$0x1D00];
	_ =	sdelay $0x4  }
0x1d8: {  	v58 =	vshll.u32 v3, $0x3  }
0x1d9: {  	v3 =	vand.u32 $0x7, v3;
	v4 =	vand.u32 $0xFFFFFFC0, v58  }
0x1da: {  	v3 =	vor.u32 v3, v4  }
0x1db: {  	v4 =	vperm.xlane v3, v0;
	_ =	sdelay $0x1  }
0x1dc: {  	v4 =	vadd.s32 v1, v4;
	_ =	sdelay $0x3  }
0x1dd: {  	s16 =	simm.s32 $0x12000  }
0x1de: {  	[tilespmem:s16], [sflag:$0x5] =	stream.indirect_vreg.gather [hbm4b:s3+s2], $0x80, v4, vm0, $0xb8;
	[tilespmem:$0x1A000] =	vst v63  }
0x1df: {  	s17 =	simm.s32 $0x12800;
	v3 =	vperm.xlane v3, v2  }
0x1e0: {  	[tilespmem:s17], [sflag:$0x5] =	stream.indirect_vreg.gather [hbm4b:s5+s2], $0x80, v4, vm0, $0xb8;
	[tilespmem:$0x1A000] =	vst v63  }
0x1e1: {  	s23 =	simm.s32 $0x13000;
	v3 =	vadd.s32 v1, v3  }
0x1e2: {  	[tilespmem:s23], [sflag:$0x5] =	stream.indirect_vreg.gather [hbm4b:s6+s2], $0x80, v4, vm0, $0xb8;
	[tilespmem:$0x1A000] =	vst v63  }
0x1e3: {  	s26 =	simm.s32 $0x13800  }
0x1e4: {  	[tilespmem:s26], [sflag:$0x5] =	stream.indirect_vreg.gather [hbm4b:s8+s2], $0x80, v4, vm0, $0xb8;
	[tilespmem:$0x1A000] =	vst v63  }
0x1e5: {  	s17 =	simm.s32 $0x14000  }
0x1e6: {  	[tilespmem:s17], [sflag:$0x5] =	stream.indirect_vreg.gather [hbm4b:s3+s2], $0x80, v3, vm0, $0xb8;
	[tilespmem:$0x1A000] =	vst v63  }
0x1e7: {  	s23 =	simm.s32 $0x14800  }
0x1e8: {  	[tilespmem:s23], [sflag:$0x5] =	stream.indirect_vreg.gather [hbm4b:s5+s2], $0x80, v3, vm0, $0xb8;
	[tilespmem:$0x1A000] =	vst v63  }
0x1e9: {  	s26 =	simm.s32 $0x15000  }
0x1ea: {  	[tilespmem:s26], [sflag:$0x5] =	stream.indirect_vreg.gather [hbm4b:s6+s2], $0x80, v3, vm0, $0xb8;
	[tilespmem:$0x1A000] =	vst v63  }
0x1eb: {  	s17 =	simm.s32 $0x15800  }
0x1ec: {  	[tilespmem:s17], [sflag:$0x5] =	stream.indirect_vreg.gather [hbm4b:s8+s2], $0x80, v3, vm0, $0xb8;
	[tilespmem:$0x1A000] =	vst v63  }
0x1ed: {  	_ =	swait.ge [sflag:s19], $0x4000  }
0x1ee: {  	[sflag:s19] =	ssyncset.done $0x0  }
0x1ef: {  	s17 =	simm.s32 $0xA000;
	s23 =	rddreg [dreg:$0xd];
	[sflag:s19] =	ssyncadd.s32 $0xFFFFC000  }
0x1f0: {  	[hbm4b:s23+s2] =	stream.linear.scatter [tilespmem:s17], [sflag:$0x9], $0x4000, $0x38;
	[tilespmem:$0x1A000] =	vst v63  }
0x1f1: {  	_ =	swait.ge [sflag:s21], $0x4000  }
0x1f2: {  	[sflag:s21] =	ssyncset.done $0x0  }
0x1f3: {  	[sflag:s21] =	ssyncadd.s32 $0xFFFFC000  }
0x1f4: {  	v3 =	vld [tilespmem:$0x1D80];
	_ =	sdelay $0x4  }
0x1f5: {  	v59 =	vshll.u32 v3, $0x3  }
0x1f6: {  	v3 =	vand.u32 $0x7, v3;
	v4 =	vand.u32 $0xFFFFFFC0, v59  }
0x1f7: {  	v3 =	vor.u32 v3, v4  }
0x1f8: {  	v4 =	vperm.xlane v3, v0;
	_ =	sdelay $0x1  }
0x1f9: {  	v4 =	vadd.s32 v1, v4;
	_ =	sdelay $0x3  }
0x1fa: {  	s23 =	simm.s32 $0x16000  }
0x1fb: {  	[tilespmem:s23], [sflag:$0x6] =	stream.indirect_vreg.gather [hbm4b:s3+s2], $0x80, v4, vm0, $0xb8;
	[tilespmem:$0x1A000] =	vst v63  }
0x1fc: {  	s26 =	simm.s32 $0x16800;
	v3 =	vperm.xlane v3, v2  }
0x1fd: {  	[tilespmem:s26], [sflag:$0x6] =	stream.indirect_vreg.gather [hbm4b:s5+s2], $0x80, v4, vm0, $0xb8;
	[tilespmem:$0x1A000] =	vst v63  }
0x1fe: {  	v3 =	vadd.s32 v1, v3;
	s26 =	simm.s32 $0x17000  }
0x1ff: {  	[tilespmem:s26], [sflag:$0x6] =	stream.indirect_vreg.gather [hbm4b:s6+s2], $0x80, v4, vm0, $0xb8;
	[tilespmem:$0x1A000] =	vst v63  }
0x200: {  	s26 =	simm.s32 $0x17800  }
0x201: {  	[tilespmem:s26], [sflag:$0x6] =	stream.indirect_vreg.gather [hbm4b:s8+s2], $0x80, v4, vm0, $0xb8;
	[tilespmem:$0x1A000] =	vst v63  }
0x202: {  	s26 =	simm.s32 $0x18000  }
0x203: {  	[tilespmem:s26], [sflag:$0x6] =	stream.indirect_vreg.gather [hbm4b:s3+s2], $0x80, v3, vm0, $0xb8;
	[tilespmem:$0x1A000] =	vst v63  }
0x204: {  	s26 =	simm.s32 $0x18800  }
0x205: {  	[tilespmem:s26], [sflag:$0x6] =	stream.indirect_vreg.gather [hbm4b:s5+s2], $0x80, v3, vm0, $0xb8;
	[tilespmem:$0x1A000] =	vst v63  }
0x206: {  	s26 =	simm.s32 $0x19000  }
0x207: {  	[tilespmem:s26], [sflag:$0x6] =	stream.indirect_vreg.gather [hbm4b:s6+s2], $0x80, v3, vm0, $0xb8;
	[tilespmem:$0x1A000] =	vst v63  }
0x208: {  	s26 =	simm.s32 $0x19800  }
0x209: {  	[tilespmem:s26], [sflag:$0x6] =	stream.indirect_vreg.gather [hbm4b:s8+s2], $0x80, v3, vm0, $0xb8;
	[tilespmem:$0x1A000] =	vst v63  }
0x20a: {  	_ =	swait.ge [sflag:s18], $0x4000  }
0x20b: {  	[sflag:s18] =	ssyncset.done $0x0  }
0x20c: {  	s26 =	rddreg [dreg:$0xe];
	[sflag:s18] =	ssyncadd.s32 $0xFFFFC000  }
0x20d: {  	[hbm4b:s26+s2] =	stream.linear.scatter [tilespmem:s15], [sflag:$0xA], $0x4000, $0x38;
	[tilespmem:$0x1A000] =	vst v63  }
0x20e: {  	_ =	swait.ge [sflag:s24], $0x4000  }
0x20f: {  	[sflag:s24] =	ssyncset.done $0x0  }
0x210: {  	[sflag:s24] =	ssyncadd.s32 $0xFFFFC000  }
0x211: {  	v3 =	vld [tilespmem:$0x1E00];
	_ =	sdelay $0x4  }
0x212: {  	v60 =	vshll.u32 v3, $0x3  }
0x213: {  	v3 =	vand.u32 $0x7, v3;
	v4 =	vand.u32 $0xFFFFFFC0, v60  }
0x214: {  	v3 =	vor.u32 v3, v4  }
0x215: {  	v4 =	vperm.xlane v3, v0;
	_ =	sdelay $0x1  }
0x216: {  	v4 =	vadd.s32 v1, v4;
	_ =	sdelay $0x4  }
0x217: {  	[tilespmem:s1], [sflag:$0x1] =	stream.indirect_vreg.gather [hbm4b:s3+s2], $0x80, v4, vm0, $0xb8;
	[tilespmem:$0x1A000] =	vst v63  }
0x218: {  	s26 =	simm.s32 $0x2800;
	v3 =	vperm.xlane v3, v2  }
0x219: {  	[tilespmem:s26], [sflag:$0x1] =	stream.indirect_vreg.gather [hbm4b:s5+s2], $0x80, v4, vm0, $0xb8;
	[tilespmem:$0x1A000] =	vst v63  }
0x21a: {  	v3 =	vadd.s32 v1, v3;
	s26 =	simm.s32 $0x3000  }
0x21b: {  	[tilespmem:s26], [sflag:$0x1] =	stream.indirect_vreg.gather [hbm4b:s6+s2], $0x80, v4, vm0, $0xb8;
	[tilespmem:$0x1A000] =	vst v63  }
0x21c: {  	s26 =	simm.s32 $0x3800  }
0x21d: {  	[tilespmem:s26], [sflag:$0x1] =	stream.indirect_vreg.gather [hbm4b:s8+s2], $0x80, v4, vm0, $0xb8;
	[tilespmem:$0x1A000] =	vst v63  }
0x21e: {  	s26 =	simm.s32 $0x4000  }
0x21f: {  	[tilespmem:s26], [sflag:$0x1] =	stream.indirect_vreg.gather [hbm4b:s3+s2], $0x80, v3, vm0, $0xb8;
	[tilespmem:$0x1A000] =	vst v63  }
0x220: {  	s26 =	simm.s32 $0x4800  }
0x221: {  	[tilespmem:s26], [sflag:$0x1] =	stream.indirect_vreg.gather [hbm4b:s5+s2], $0x80, v3, vm0, $0xb8;
	[tilespmem:$0x1A000] =	vst v63  }
0x222: {  	s26 =	simm.s32 $0x5000  }
0x223: {  	[tilespmem:s26], [sflag:$0x1] =	stream.indirect_vreg.gather [hbm4b:s6+s2], $0x80, v3, vm0, $0xb8;
	[tilespmem:$0x1A000] =	vst v63  }
0x224: {  	s26 =	simm.s32 $0x5800  }
0x225: {  	[tilespmem:s26], [sflag:$0x1] =	stream.indirect_vreg.gather [hbm4b:s8+s2], $0x80, v3, vm0, $0xb8;
	[tilespmem:$0x1A000] =	vst v63  }
0x226: {  	_ =	swait.ge [sflag:s12], $0x4000  }
0x227: {  	[sflag:s12] =	ssyncset.done $0x0  }
0x228: {  	s26 =	rddreg [dreg:$0xf];
	[sflag:s12] =	ssyncadd.s32 $0xFFFFC000  }
0x229: {  	[hbm4b:s26+s2] =	stream.linear.scatter [tilespmem:s16], [sflag:$0xB], $0x4000, $0x38;
	[tilespmem:$0x1A000] =	vst v63  }
0x22a: {  	_ =	swait.ge [sflag:s28], $0x4000  }
0x22b: {  	[sflag:s28] =	ssyncset.done $0x0  }
0x22c: {  	[sflag:s28] =	ssyncadd.s32 $0xFFFFC000  }
0x22d: {  	v3 =	vld [tilespmem:$0x1E80];
	_ =	sdelay $0x4  }
0x22e: {  	v61 =	vshll.u32 v3, $0x3  }
0x22f: {  	v3 =	vand.u32 $0x7, v3;
	v4 =	vand.u32 $0xFFFFFFC0, v61  }
0x230: {  	v3 =	vor.u32 v3, v4  }
0x231: {  	v4 =	vperm.xlane v3, v0;
	_ =	sdelay $0x1  }
0x232: {  	v4 =	vadd.s32 v1, v4;
	_ =	sdelay $0x4  }
0x233: {  	[tilespmem:s9], [sflag:$0x2] =	stream.indirect_vreg.gather [hbm4b:s3+s2], $0x80, v4, vm0, $0xb8;
	[tilespmem:$0x1A000] =	vst v63  }
0x234: {  	s26 =	simm.s32 $0x6800;
	v3 =	vperm.xlane v3, v2  }
0x235: {  	[tilespmem:s26], [sflag:$0x2] =	stream.indirect_vreg.gather [hbm4b:s5+s2], $0x80, v4, vm0, $0xb8;
	[tilespmem:$0x1A000] =	vst v63  }
0x236: {  	s16 =	simm.s32 $0x7000;
	v3 =	vadd.s32 v1, v3  }
0x237: {  	[tilespmem:s16], [sflag:$0x2] =	stream.indirect_vreg.gather [hbm4b:s6+s2], $0x80, v4, vm0, $0xb8;
	[tilespmem:$0x1A000] =	vst v63  }
0x238: {  	s26 =	simm.s32 $0x7800  }
0x239: {  	[tilespmem:s26], [sflag:$0x2] =	stream.indirect_vreg.gather [hbm4b:s8+s2], $0x80, v4, vm0, $0xb8;
	[tilespmem:$0x1A000] =	vst v63  }
0x23a: {  	s16 =	simm.s32 $0x8000  }
0x23b: {  	[tilespmem:s16], [sflag:$0x2] =	stream.indirect_vreg.gather [hbm4b:s3+s2], $0x80, v3, vm0, $0xb8;
	[tilespmem:$0x1A000] =	vst v63  }
0x23c: {  	s26 =	simm.s32 $0x8800  }
0x23d: {  	[tilespmem:s26], [sflag:$0x2] =	stream.indirect_vreg.gather [hbm4b:s5+s2], $0x80, v3, vm0, $0xb8;
	[tilespmem:$0x1A000] =	vst v63  }
0x23e: {  	s16 =	simm.s32 $0x9000  }
0x23f: {  	[tilespmem:s16], [sflag:$0x2] =	stream.indirect_vreg.gather [hbm4b:s6+s2], $0x80, v3, vm0, $0xb8;
	[tilespmem:$0x1A000] =	vst v63  }
0x240: {  	s26 =	simm.s32 $0x9800  }
0x241: {  	[tilespmem:s26], [sflag:$0x2] =	stream.indirect_vreg.gather [hbm4b:s8+s2], $0x80, v3, vm0, $0xb8;
	[tilespmem:$0x1A000] =	vst v63  }
0x242: {  	_ =	swait.ge [sflag:s20], $0x4000  }
0x243: {  	[sflag:s20] =	ssyncset.done $0x0  }
0x244: {  	s16 =	rddreg [dreg:$0x10];
	[sflag:s20] =	ssyncadd.s32 $0xFFFFC000  }
0x245: {  	[hbm4b:s16+s2] =	stream.linear.scatter [tilespmem:s23], [sflag:$0xC], $0x4000, $0x38;
	[tilespmem:$0x1A000] =	vst v63  }
0x246: {  	_ =	swait.ge [sflag:s29], $0x4000  }
0x247: {  	[sflag:s29] =	ssyncset.done $0x0  }
0x248: {  	[sflag:s29] =	ssyncadd.s32 $0xFFFFC000  }
0x249: {  	v3 =	vld [tilespmem:$0x1F00];
	_ =	sdelay $0x4  }
0x24a: {  	v62 =	vshll.u32 v3, $0x3  }
0x24b: {  	v3 =	vand.u32 $0x7, v3;
	v4 =	vand.u32 $0xFFFFFFC0, v62  }
0x24c: {  	v3 =	vor.u32 v3, v4  }
0x24d: {  	v4 =	vperm.xlane v3, v0;
	_ =	sdelay $0x1  }
0x24e: {  	v4 =	vadd.s32 v1, v4;
	_ =	sdelay $0x4  }
0x24f: {  	[tilespmem:s17], [sflag:$0x3] =	stream.indirect_vreg.gather [hbm4b:s3+s2], $0x80, v4, vm0, $0xb8;
	[tilespmem:$0x1A000] =	vst v63  }
0x250: {  	s23 =	simm.s32 $0xA800;
	v3 =	vperm.xlane v3, v2  }
0x251: {  	[tilespmem:s23], [sflag:$0x3] =	stream.indirect_vreg.gather [hbm4b:s5+s2], $0x80, v4, vm0, $0xb8;
	[tilespmem:$0x1A000] =	vst v63  }
0x252: {  	s26 =	simm.s32 $0xB000;
	v3 =	vadd.s32 v1, v3  }
0x253: {  	[tilespmem:s26], [sflag:$0x3] =	stream.indirect_vreg.gather [hbm4b:s6+s2], $0x80, v4, vm0, $0xb8;
	[tilespmem:$0x1A000] =	vst v63  }
0x254: {  	s16 =	simm.s32 $0xB800  }
0x255: {  	[tilespmem:s16], [sflag:$0x3] =	stream.indirect_vreg.gather [hbm4b:s8+s2], $0x80, v4, vm0, $0xb8;
	[tilespmem:$0x1A000] =	vst v63  }
0x256: {  	s23 =	simm.s32 $0xC000  }
0x257: {  	[tilespmem:s23], [sflag:$0x3] =	stream.indirect_vreg.gather [hbm4b:s3+s2], $0x80, v3, vm0, $0xb8;
	[tilespmem:$0x1A000] =	vst v63  }
0x258: {  	s26 =	simm.s32 $0xC800  }
0x259: {  	[tilespmem:s26], [sflag:$0x3] =	stream.indirect_vreg.gather [hbm4b:s5+s2], $0x80, v3, vm0, $0xb8;
	[tilespmem:$0x1A000] =	vst v63  }
0x25a: {  	s16 =	simm.s32 $0xD000  }
0x25b: {  	[tilespmem:s16], [sflag:$0x3] =	stream.indirect_vreg.gather [hbm4b:s6+s2], $0x80, v3, vm0, $0xb8;
	[tilespmem:$0x1A000] =	vst v63  }
0x25c: {  	s23 =	simm.s32 $0xD800  }
0x25d: {  	[tilespmem:s23], [sflag:$0x3] =	stream.indirect_vreg.gather [hbm4b:s8+s2], $0x80, v3, vm0, $0xb8;
	[tilespmem:$0x1A000] =	vst v63  }
0x25e: {  	_ =	swait.ge [sflag:s7], $0x4000  }
0x25f: {  	[sflag:s7] =	ssyncset.done $0x0  }
0x260: {  	s26 =	rddreg [dreg:$0x11];
	[sflag:s7] =	ssyncadd.s32 $0xFFFFC000  }
0x261: {  	[hbm4b:s26+s2] =	stream.linear.scatter [tilespmem:s1], [sflag:$0x7], $0x4000, $0x38;
	[tilespmem:$0x1A000] =	vst v63  }
0x262: {  	_ =	swait.ge [sflag:s14], $0x4000  }
0x263: {  	[sflag:s14] =	ssyncset.done $0x0  }
0x264: {  	[sflag:s14] =	ssyncadd.s32 $0xFFFFC000  }
0x265: {  	v3 =	vld [tilespmem:$0x1F80];
	_ =	sdelay $0x4  }
0x266: {  	v63 =	vshll.u32 v3, $0x3  }
0x267: {  	v3 =	vand.u32 $0x7, v3;
	v4 =	vand.u32 $0xFFFFFFC0, v63  }
0x268: {  	v3 =	vor.u32 v3, v4  }
0x269: {  	v4 =	vperm.xlane v3, v0;
	_ =	sdelay $0x1  }
0x26a: {  	v4 =	vadd.s32 v1, v4;
	_ =	sdelay $0x4  }
0x26b: {  	[tilespmem:s15], [sflag:$0x4] =	stream.indirect_vreg.gather [hbm4b:s3+s2], $0x80, v4, vm0, $0xb8;
	[tilespmem:$0x1A000] =	vst v63  }
0x26c: {  	v3 =	vperm.xlane v3, v2  }
0x26d: {  	[tilespmem:s4], [sflag:$0x4] =	stream.indirect_vreg.gather [hbm4b:s5+s2], $0x80, v4, vm0, $0xb8;
	[tilespmem:$0x1A000] =	vst v63  }
0x26e: {  	v3 =	vadd.s32 v1, v3  }
0x26f: {  	[tilespmem:s22], [sflag:$0x4] =	stream.indirect_vreg.gather [hbm4b:s6+s2], $0x80, v4, vm0, $0xb8;
	[tilespmem:$0x1A000] =	vst v63  }
0x270: {  	_ = 	snop  }
0x271: {  	[tilespmem:s31], [sflag:$0x4] =	stream.indirect_vreg.gather [hbm4b:s8+s2], $0x80, v4, vm0, $0xb8;
	[tilespmem:$0x1A000] =	vst v63  }
0x272: {  	_ = 	snop  }
0x273: {  	[tilespmem:s25], [sflag:$0x4] =	stream.indirect_vreg.gather [hbm4b:s3+s2], $0x80, v3, vm0, $0xb8;
	[tilespmem:$0x1A000] =	vst v63  }
0x274: {  	s4 =	simm.s32 $0x10800  }
0x275: {  	[tilespmem:s4], [sflag:$0x4] =	stream.indirect_vreg.gather [hbm4b:s5+s2], $0x80, v3, vm0, $0xb8;
	[tilespmem:$0x1A000] =	vst v63  }
0x276: {  	_ = 	snop  }
0x277: {  	[tilespmem:s11], [sflag:$0x4] =	stream.indirect_vreg.gather [hbm4b:s6+s2], $0x80, v3, vm0, $0xb8;
	[tilespmem:$0x1A000] =	vst v63  }
0x278: {  	_ = 	snop  }
0x279: {  	[tilespmem:s13], [sflag:$0x4] =	stream.indirect_vreg.gather [hbm4b:s8+s2], $0x80, v3, vm0, $0xb8;
	[tilespmem:$0x1A000] =	vst v63  }
0x27a: {  	_ =	swait.ge [sflag:s10], $0x4000  }
0x27b: {  	[sflag:s10] =	ssyncset.done $0x0  }
0x27c: {  	s13 =	rddreg [dreg:$0x12];
	[sflag:s10] =	ssyncadd.s32 $0xFFFFC000  }
0x27d: {  	[hbm4b:s13+s2] =	stream.linear.scatter [tilespmem:s9], [sflag:$0x8], $0x4000, $0x38;
	[tilespmem:$0x1A000] =	vst v63  }
0x27e: {  	_ =	swait.ge [sflag:s19], $0x4000  }
0x27f: {  	[sflag:s19] =	ssyncset.done $0x0  }
0x280: {  	s16 =	rddreg [dreg:$0x13];
	[sflag:s19] =	ssyncadd.s32 $0xFFFFC000  }
0x281: {  	[hbm4b:s16+s2] =	stream.linear.scatter [tilespmem:s17], [sflag:$0x9], $0x4000, $0x38;
	[tilespmem:$0x1A000] =	vst v63  }
0x282: {  	_ =	swait.ge [sflag:s18], $0x4000  }
0x283: {  	[sflag:s18] =	ssyncset.done $0x0  }
0x284: {  	s17 =	rddreg [dreg:$0x14];
	[sflag:s18] =	ssyncadd.s32 $0xFFFFC000  }
0x285: {  	[hbm4b:s17+s2] =	stream.linear.scatter [tilespmem:s15], [sflag:$0xA], $0x4000, $0x38;
	[tilespmem:$0x1A000] =	vst v63  }
0x286: {  	_ =	swait.ge [sflag:s30], $0x4000  }
0x287: {  	[sflag:s30] =	ssyncset.done $0x0  }
0x288: {  	[sflag:s30] =	ssyncadd.s32 $0xFFFFC000  }
0x289: {  	_ =	swait.ge [sflag:s21], $0x4000  }
0x28a: {  	[sflag:s21] =	ssyncset.done $0x0  }
0x28b: {  	[sflag:s21] =	ssyncadd.s32 $0xFFFFC000  }
0x28c: {  	_ =	swait.ge [sflag:s24], $0x4000  }
0x28d: {  	[sflag:s24] =	ssyncset.done $0x0  }
0x28e: {  	[sflag:s24] =	ssyncadd.s32 $0xFFFFC000  }
0x28f: {  	_ =	swait.ge [sflag:s28], $0x4000  }
0x290: {  	[sflag:s28] =	ssyncset.done $0x0  }
0x291: {  	[sflag:s28] =	ssyncadd.s32 $0xFFFFC000  }
0x292: {  	_ =	swait.ge [sflag:s29], $0x4000  }
0x293: {  	[sflag:s29] =	ssyncset.done $0x0  }
0x294: {  	[sflag:s29] =	ssyncadd.s32 $0xFFFFC000  }
0x295: {  	_ =	swait.ge [sflag:s14], $0x4000  }
0x296: {  	s22 =	rddreg [dreg:$0x16]  }
0x297: {  	s31 =	rddreg [dreg:$0x15];
	s4 =	sadd.s32 $0x1, s22  }
0x298: {  	p0 =	sne.s32 s4, s31  }
.Ltmp1:
0x299: {  	_ = 	snop;
	(pc) =	sbr.rel @p0 .LBB2_1-.Ltmp1, $3  }
0x29a: {  	_ =	sdelay $0x1  }
0x29b: {  	s23 =	simm.s32 $0x10000;
	s26 =	simm.s32 $0x10800;
	[sflag:s14] =	ssyncset.done $0x0  }
0x29c: {  	s1 =	simm.s32 $0x11800;
	s25 =	simm.s32 $0x11000;
	[sflag:s14] =	ssyncadd.s32 $0xFFFFC000  }
0x29d: {  	_ =	sfence.sel $0x180000  }
0x29e: {  	[bflag:$0x0] =	sbarrier.arrive $0xFFFF  }
0x29f: {  	_ =	strace $0x90000047  }
0x2a0: {  	s0 =	stileid.u32;
	[bflag:$0x2] =	sbarrier.arrive $0xFFFF  }
0x2a1: {  	p0 =	sne.s32 s0, $0x0;
	s0 =	rddreg [dreg:$0x2]  }
0x2a2: {  	s0 =	sadd.s32 @!p0 $0x100000, s0  }
0x2a3: {  	[sflag:s0] =	ssyncadd.tile.s32 @!p0 $0x1;
	_ =	shalt  }
.Lfunc_end2:
_tile_overlayer_lowered:
.L_overlay_start_2:
0x2a4: {  	(tag) =	ssettag $0x2  }
0x2a5: {  	s0 =	rddreg [dreg:$0x0];
	s2 =	stileid.u32  }
0x2a6: {  	s1 =	rddreg [dreg:$0x1];
	p0 =	sne.s32 s2, $0x0  }
0x2a7: {  	s3 =	rddreg [dreg:$0x2];
	[bflag:$0x3] =	sbarrier.arrive $0xFFFF;
	s2 =	simm.s32 @!p0 $0x1C0D  }
0x2a8: {  	[timem:s3], [sflag:s2] =	dma.local @!p0 [hbm:s0], s1  }
0x2a9: {  	s0 =	simm.s32 @!p0 $0xD  }
0x2aa: {  	_ =	swait.ge @!p0 [sflag:s0], s1  }
0x2ab: {  	s1 =	ssub.s32 @!p0 $0x0, s1;
	[sflag:s0] =	ssyncset.done @!p0 $0x0  }
0x2ac: {  	[sflag:s0] =	ssyncadd.s32 @!p0 s1  }
0x2ad: {  	[bflag:$0x3] =	sbarrier.arrive $0xFFFF  }
0x2ae: {  	_ =	shalt  }

</sc_bundles>
